<compile_context>
chip_gen: v7x
topology: tpu7x:2x2x1
jax: 0.10.2.dev20260603
libtpu: 0.0.44.dev20260713+nightly
codegen_flags: <defaults>
</compile_context>

<pallas_src>
import functools

import jax
import jax.numpy as jnp
from jax import lax
from jax.experimental import pallas as pl
from jax.experimental.pallas import tpu as pltpu
from jax.experimental.pallas import tpu_sc as plsc

N = 10000
E = 320000
D = 128
DH = D // 2
BN_EPS = 1e-5

NC = 2
NS = 16

EDGES_PER_TILE = E // NS
CHUNK = 80
NCHUNK = -(-EDGES_PER_TILE // CHUNK)
PAD = NCHUNK * CHUNK - EDGES_PER_TILE
NBUF = 8
TRASH = N
ACC_ROWS = N + 8
ROWS_PER_TILE = 624
TAIL_ROWS = N - NS * ROWS_PER_TILE
TAIL_BASE = NS * ROWS_PER_TILE


def _sc_scatter(xa, xb, edges):
    mesh = plsc.VectorSubcoreMesh(core_axis_name="c", subcore_axis_name="s")

    @functools.partial(
        pl.kernel,
        mesh=mesh,
        compiler_params=pltpu.CompilerParams(use_tc_tiling_on_sc=False),
        out_type=jax.ShapeDtypeStruct((2, 2, N, DH), jnp.float32),
        scratch_types=[
            pltpu.VMEM((NCHUNK, CHUNK), jnp.int32),
            pltpu.VMEM((NCHUNK, CHUNK), jnp.int32),
        ] + [pltpu.VMEM((CHUNK, DH), jnp.float32)] * NBUF
          + [pltpu.VMEM_SHARED((ACC_ROWS, DH), jnp.float32)]
          + [pltpu.SemaphoreType.DMA] * NBUF,
    )
    def scatter_kernel(xa_hbm, xb_hbm, edges_hbm, out_hbm,
                       src_v, dst_v, *rest):
        bufs = list(rest[:NBUF])
        acc_sh = rest[NBUF]
        gsems = list(rest[NBUF + 1:])
        cid = lax.axis_index("c")
        sid = lax.axis_index("s")

        pltpu.sync_copy(edges_hbm.at[cid, 0, sid], src_v)
        pltpu.sync_copy(edges_hbm.at[cid, 1, sid], dst_v)

        r0 = sid * ROWS_PER_TILE

        for h, xh_hbm in ((0, xa_hbm), (1, xb_hbm)):
            pltpu.sync_copy(xh_hbm.at[pl.ds(r0, ROWS_PER_TILE)],
                            acc_sh.at[pl.ds(r0, ROWS_PER_TILE)])

            @pl.when(sid == NS - 1)
            def _():
                pltpu.sync_copy(xh_hbm.at[pl.ds(TAIL_BASE, TAIL_ROWS)],
                                acc_sh.at[pl.ds(TAIL_BASE, TAIL_ROWS)])

            plsc.subcore_barrier()

            def gather(i, b):
                pltpu.async_copy(xh_hbm.at[src_v.at[i]], bufs[b], gsems[b])

            def wait_gather(i, b):
                pltpu.make_async_copy(xh_hbm.at[src_v.at[i]],
                                      bufs[b], gsems[b]).wait()

            def scatter(i, b):
                pltpu.sync_copy(bufs[b], acc_sh.at[dst_v.at[i]], add=True)

            def step(j, b):
                wait_gather(j, b)
                scatter(j, b)
                if isinstance(j, int):
                    nxt = min(j + NBUF - 1, NCHUNK - 1)
                else:
                    nxt = jnp.minimum(j + NBUF - 1, NCHUNK - 1)
                gather(nxt, (b + NBUF - 1) % NBUF)

            for b in range(NBUF - 1):
                gather(b, b)

            def body(m, _):
                j = NBUF * m
                for b in range(NBUF):
                    step(j + b, b)
                return ()

            lax.fori_loop(0, NCHUNK // NBUF, body, (), unroll=False)
            for j in range((NCHUNK // NBUF) * NBUF, NCHUNK):
                step(j, j % NBUF)
            for j in range(NCHUNK - NBUF + 1, NCHUNK):
                wait_gather(NCHUNK - 1, (j % NBUF + NBUF - 1) % NBUF)

            plsc.subcore_barrier()
            pltpu.sync_copy(acc_sh.at[pl.ds(r0, ROWS_PER_TILE)],
                            out_hbm.at[cid, h, pl.ds(r0, ROWS_PER_TILE)])

            @pl.when(sid == NS - 1)
            def _():
                pltpu.sync_copy(acc_sh.at[pl.ds(TAIL_BASE, TAIL_ROWS)],
                                out_hbm.at[cid, h, pl.ds(TAIL_BASE, TAIL_ROWS)])

    return scatter_kernel(xa, xb, edges)


def _tc_mlp_body(pre_ref, w1t_ref, w2t_ref, g1_ref, b1_ref, g2_ref, b2_ref, out_ref):
    w1t = w1t_ref[0]
    h = jnp.dot(pre_ref[0, 0], w1t[:DH, :], preferred_element_type=jnp.float32)
    h = h + jnp.dot(pre_ref[0, 1], w1t[DH:, :], preferred_element_type=jnp.float32)
    mean = jnp.mean(h, axis=0, keepdims=True)
    var = jnp.mean((h - mean) * (h - mean), axis=0, keepdims=True)
    h = (h - mean) * lax.rsqrt(var + BN_EPS) * g1_ref[0] + b1_ref[0]
    h = jnp.maximum(h, 0.0)
    h = jnp.dot(h, w2t_ref[0], preferred_element_type=jnp.float32)
    mean = jnp.mean(h, axis=0, keepdims=True)
    var = jnp.mean((h - mean) * (h - mean), axis=0, keepdims=True)
    h = (h - mean) * lax.rsqrt(var + BN_EPS) * g2_ref[0] + b2_ref[0]
    h = jnp.maximum(h, 0.0)

    @pl.when(pl.program_id(0) == 0)
    def _():
        out_ref[...] = h

    @pl.when(pl.program_id(0) == 1)
    def _():
        out_ref[...] += h


def _tc_mlp(pre, w1t, w2t, g1, b1, g2, b2):
    rel_spec = pl.BlockSpec((1, 2, N, DH), lambda r: (r, 0, 0, 0))
    w_spec = pl.BlockSpec((1, D, D), lambda r: (r, 0, 0))
    v_spec = pl.BlockSpec((1, 1, D), lambda r: (r, 0, 0))
    return pl.pallas_call(
        _tc_mlp_body,
        grid=(2,),
        in_specs=[rel_spec, w_spec, w_spec, v_spec, v_spec, v_spec, v_spec],
        out_specs=pl.BlockSpec((N, D), lambda r: (0, 0)),
        out_shape=jax.ShapeDtypeStruct((N, D), jnp.float32),
    )(pre, w1t, w2t, g1, b1, g2, b2)


def kernel(x, edge_index_rel0, edge_index_rel1,
           W1_0, W2_0, g1_0, b1_0, g2_0, b2_0,
           W1_1, W2_1, g1_1, b1_1, g2_1, b2_1):
    edges = jnp.stack([edge_index_rel0, edge_index_rel1])
    if PAD:
        edges = edges.reshape(2, 2, NS, EDGES_PER_TILE)
        pad_src = jnp.zeros((2, 1, NS, PAD), jnp.int32)
        pad_dst = jnp.broadcast_to(
            TRASH + (jnp.arange(PAD, dtype=jnp.int32) % 8), (2, 1, NS, PAD))
        pad = jnp.concatenate([pad_src, pad_dst], axis=1)
        edges = jnp.concatenate([edges, pad], axis=-1)
    edges = edges.reshape(2, 2, NS, NCHUNK, CHUNK)
    xa = x[:, :DH]
    xb = x[:, DH:]
    pre = _sc_scatter(xa, xb, edges)

    w1t = jnp.stack([W1_0.T, W1_1.T])
    w2t = jnp.stack([W2_0.T, W2_1.T])
    g1 = jnp.stack([g1_0, g1_1]).reshape(2, 1, D)
    b1 = jnp.stack([b1_0, b1_1]).reshape(2, 1, D)
    g2 = jnp.stack([g2_0, g2_1]).reshape(2, 1, D)
    b2 = jnp.stack([b2_0, b2_1]).reshape(2, 1, D)
    return _tc_mlp(pre, w1t, w2t, g1, b1, g2, b2)

# --- scband reference (transcript-rebuilt; emitter-appended) ---
"""Pipeline reference for scband-ginlayer-16423954940358 (READ-ONLY COPY).

The authoritative reference and input builder live on the scoring server;
editing this copy changes nothing except your own understanding.
"""

import jax, jax.numpy as jnp
import numpy as np

N = 10000
E = 320000
D = 128
BN_EPS = 1e-5


def batch_norm(x, gamma, beta):
    mean = jnp.mean(x, axis=0)
    var = jnp.var(x, axis=0)
    return (x - mean) / jnp.sqrt(var + BN_EPS) * gamma + beta


def setup_inputs(seed: int = 0) -> dict:
    key = jax.random.key(seed)
    ks = jax.random.split(key, 16)
    x = jax.random.normal(ks[0], (N, D), dtype=jnp.float32)
    edge_index_rel0 = jax.random.randint(ks[1], (2, E), 0, N, dtype=jnp.int32)
    edge_index_rel1 = jax.random.randint(ks[2], (2, E), 0, N, dtype=jnp.int32)
    s = 0.05
    params = {}
    for r, base in [(0, 3), (1, 9)]:
        params[f"W1_{r}"] = jax.random.normal(ks[base + 0], (D, D), dtype=jnp.float32) * s
        params[f"W2_{r}"] = jax.random.normal(ks[base + 1], (D, D), dtype=jnp.float32) * s
        params[f"g1_{r}"] = jnp.ones((D,), dtype=jnp.float32)
        params[f"b1_{r}"] = jnp.zeros((D,), dtype=jnp.float32)
        params[f"g2_{r}"] = jnp.ones((D,), dtype=jnp.float32)
        params[f"b2_{r}"] = jnp.zeros((D,), dtype=jnp.float32)
    inp = {"x": x, "edge_index_rel0": edge_index_rel0, "edge_index_rel1": edge_index_rel1}
    inp.update(params)
    return inp


def _gin_rel(x, edge_index, W1, W2, g1, b1, g2, b2):
    # DGL GINConv with aggregator 'sum', learn_eps=False (eps=0):
    # rst = (1 + eps) * h_dst + sum_{j in N(i)} h_src[j], then apply_func (MLP)
    src = edge_index[0]
    dst = edge_index[1]
    msgs = jnp.take(x, src, axis=0)
    agg = jax.ops.segment_sum(msgs, dst, num_segments=N)
    pre = x + agg
    # MLP: relu(bn(linear1(h))) -> linear2
    h = jnp.dot(pre, W1.T)
    h = jax.nn.relu(batch_norm(h, g1, b1))
    h = jnp.dot(h, W2.T)
    # GINBase: bn -> relu
    return jax.nn.relu(batch_norm(h, g2, b2))


def reference(x, edge_index_rel0, edge_index_rel1,
              W1_0, W2_0, g1_0, b1_0, g2_0, b2_0,
              W1_1, W2_1, g1_1, b1_1, g2_1, b2_1):
    # HeteroGraphConv: per-relation GINBase, summed over relations targeting same dst ntype
    out0 = _gin_rel(x, edge_index_rel0, W1_0, W2_0, g1_0, b1_0, g2_0, b2_0)
    out1 = _gin_rel(x, edge_index_rel1, W1_1, W2_1, g1_1, b1_1, g2_1, b2_1)
    out = out0 + out1
    return jnp.squeeze(out)

if __name__ == "__main__":
    import jax
    _d = setup_inputs()
    print(jax.jit(kernel)(*tuple(_d.values())))

</pallas_src>

<mosaic_0001>
#map = affine_map<(d0, d1) -> (0, 0)>
#map1 = affine_map<(d0, d1) -> (0, 0, 0, 0, 0)>
#map2 = affine_map<(d0, d1) -> (0, 0, 0, 0)>
module attributes {stable_mosaic.version = 14 : i64} {
  func.func @scatter_kernel(%arg0: i32, %arg1: i32, %arg2: memref<10000x64xf32, #tpu.memory_space<hbm>>, %arg3: memref<10000x64xf32, #tpu.memory_space<hbm>>, %arg4: memref<2x2x16x250x80xi32, #tpu.memory_space<hbm>>, %arg5: memref<2x2x10000x64xf32, #tpu.memory_space<hbm>>, %arg6: memref<250x80xi32, #tpu.memory_space<vmem>>, %arg7: memref<250x80xi32, #tpu.memory_space<vmem>>, %arg8: memref<80x64xf32, #tpu.memory_space<vmem>>, %arg9: memref<80x64xf32, #tpu.memory_space<vmem>>, %arg10: memref<80x64xf32, #tpu.memory_space<vmem>>, %arg11: memref<80x64xf32, #tpu.memory_space<vmem>>, %arg12: memref<80x64xf32, #tpu.memory_space<vmem>>, %arg13: memref<80x64xf32, #tpu.memory_space<vmem>>, %arg14: memref<80x64xf32, #tpu.memory_space<vmem>>, %arg15: memref<80x64xf32, #tpu.memory_space<vmem>>, %arg16: memref<10008x64xf32, #tpu.memory_space<vmem_shared>>, %arg17: memref<!tpu.dma_semaphore, #tpu.memory_space<semaphore_mem>>, %arg18: memref<!tpu.dma_semaphore, #tpu.memory_space<semaphore_mem>>, %arg19: memref<!tpu.dma_semaphore, #tpu.memory_space<semaphore_mem>>, %arg20: memref<!tpu.dma_semaphore, #tpu.memory_space<semaphore_mem>>, %arg21: memref<!tpu.dma_semaphore, #tpu.memory_space<semaphore_mem>>, %arg22: memref<!tpu.dma_semaphore, #tpu.memory_space<semaphore_mem>>, %arg23: memref<!tpu.dma_semaphore, #tpu.memory_space<semaphore_mem>>, %arg24: memref<!tpu.dma_semaphore, #tpu.memory_space<semaphore_mem>>) attributes {dimension_semantics = [#tpu.dimension_semantics<core_parallel>, #tpu.dimension_semantics<subcore_parallel>], iteration_bounds = array<i64: 2, 16>, scalar_prefetch = 0 : i64, scratch_operands = 19 : i64, tpu.core_type = #tpu.core_type<sc_vector_subcore>, window_params = [{transform_indices = #map}, {transform_indices = #map}, {transform_indices = #map1}, {transform_indices = #map2}]} {
    %run_scoped3A = arith.constant 0 : i32
    "tpu.region"() ({
      %run_scoped3A_287 = tpu.sem_alloc : memref<!tpu.dma_semaphore, #tpu.memory_space<semaphore_mem>>
      %dma_start3A_288 = arith.constant 0 : i32
      %dma_start3A_289 = arith.constant 0 : i32
      %dma_start3A_290 = tpu.memref_slice %arg4[%arg0, %run_scoped3A, %arg1, %dma_start3A_288, %dma_start3A_289] : memref<2x2x16x250x80xi32, #tpu.memory_space<hbm>> -> memref<1x1x1x250x80xi32, #tpu.memory_space<hbm>>
      %dma_start3A_291 = tpu.memref_squeeze %dma_start3A_290 : memref<1x1x1x250x80xi32, #tpu.memory_space<hbm>> -> memref<250x80xi32, #tpu.memory_space<hbm>>
      %dma_start3A_292 = arith.constant 0 : i32
      %dma_start3A_293 = arith.constant 0 : i32
      %dma_start3A_294 = tpu.memref_slice %arg4[%arg0, %run_scoped3A, %arg1, %dma_start3A_292, %dma_start3A_293] : memref<2x2x16x250x80xi32, #tpu.memory_space<hbm>> -> memref<1x1x1x250x80xi32, #tpu.memory_space<hbm>>
      %dma_start3A_295 = tpu.memref_squeeze %dma_start3A_294 : memref<1x1x1x250x80xi32, #tpu.memory_space<hbm>> -> memref<250x80xi32, #tpu.memory_space<hbm>>
      tpu.enqueue_dma source(%dma_start3A_295 : memref<250x80xi32, #tpu.memory_space<hbm>>) target(%arg6 : memref<250x80xi32, #tpu.memory_space<vmem>>) target_semaphore(%run_scoped3A_287 : memref<!tpu.dma_semaphore, #tpu.memory_space<semaphore_mem>>)
      %dma_wait3A_296 = arith.constant 0 : i32
      %dma_wait3A_297 = arith.constant 0 : i32
      %dma_wait3A_298 = tpu.memref_slice %arg4[%arg0, %run_scoped3A, %arg1, %dma_wait3A_296, %dma_wait3A_297] : memref<2x2x16x250x80xi32, #tpu.memory_space<hbm>> -> memref<1x1x1x250x80xi32, #tpu.memory_space<hbm>>
      %dma_wait3A_299 = tpu.memref_squeeze %dma_wait3A_298 : memref<1x1x1x250x80xi32, #tpu.memory_space<hbm>> -> memref<250x80xi32, #tpu.memory_space<hbm>>
      %dma_wait3A_300 = arith.constant 0 : i32
      %dma_wait3A_301 = arith.constant 0 : i32
      %dma_wait3A_302 = tpu.memref_slice %arg4[%arg0, %run_scoped3A, %arg1, %dma_wait3A_300, %dma_wait3A_301] : memref<2x2x16x250x80xi32, #tpu.memory_space<hbm>> -> memref<1x1x1x250x80xi32, #tpu.memory_space<hbm>>
      %dma_wait3A_303 = tpu.memref_squeeze %dma_wait3A_302 : memref<1x1x1x250x80xi32, #tpu.memory_space<hbm>> -> memref<250x80xi32, #tpu.memory_space<hbm>>
      tpu.wait_dma2 semaphore(%run_scoped3A_287 : memref<!tpu.dma_semaphore, #tpu.memory_space<semaphore_mem>>) src(%dma_wait3A_303 : memref<250x80xi32, #tpu.memory_space<hbm>>) dst(%arg6 : memref<250x80xi32, #tpu.memory_space<vmem>>)
      tpu.yield
    }) : () -> ()
    %run_scoped3A_0 = arith.constant 1 : i32
    "tpu.region"() ({
      %run_scoped3A_287 = tpu.sem_alloc : memref<!tpu.dma_semaphore, #tpu.memory_space<semaphore_mem>>
      %dma_start3A_288 = arith.constant 0 : i32
      %dma_start3A_289 = arith.constant 0 : i32
      %dma_start3A_290 = tpu.memref_slice %arg4[%arg0, %run_scoped3A_0, %arg1, %dma_start3A_288, %dma_start3A_289] : memref<2x2x16x250x80xi32, #tpu.memory_space<hbm>> -> memref<1x1x1x250x80xi32, #tpu.memory_space<hbm>>
      %dma_start3A_291 = tpu.memref_squeeze %dma_start3A_290 : memref<1x1x1x250x80xi32, #tpu.memory_space<hbm>> -> memref<250x80xi32, #tpu.memory_space<hbm>>
      %dma_start3A_292 = arith.constant 0 : i32
      %dma_start3A_293 = arith.constant 0 : i32
      %dma_start3A_294 = tpu.memref_slice %arg4[%arg0, %run_scoped3A_0, %arg1, %dma_start3A_292, %dma_start3A_293] : memref<2x2x16x250x80xi32, #tpu.memory_space<hbm>> -> memref<1x1x1x250x80xi32, #tpu.memory_space<hbm>>
      %dma_start3A_295 = tpu.memref_squeeze %dma_start3A_294 : memref<1x1x1x250x80xi32, #tpu.memory_space<hbm>> -> memref<250x80xi32, #tpu.memory_space<hbm>>
      tpu.enqueue_dma source(%dma_start3A_295 : memref<250x80xi32, #tpu.memory_space<hbm>>) target(%arg7 : memref<250x80xi32, #tpu.memory_space<vmem>>) target_semaphore(%run_scoped3A_287 : memref<!tpu.dma_semaphore, #tpu.memory_space<semaphore_mem>>)
      %dma_wait3A_296 = arith.constant 0 : i32
      %dma_wait3A_297 = arith.constant 0 : i32
      %dma_wait3A_298 = tpu.memref_slice %arg4[%arg0, %run_scoped3A_0, %arg1, %dma_wait3A_296, %dma_wait3A_297] : memref<2x2x16x250x80xi32, #tpu.memory_space<hbm>> -> memref<1x1x1x250x80xi32, #tpu.memory_space<hbm>>
      %dma_wait3A_299 = tpu.memref_squeeze %dma_wait3A_298 : memref<1x1x1x250x80xi32, #tpu.memory_space<hbm>> -> memref<250x80xi32, #tpu.memory_space<hbm>>
      %dma_wait3A_300 = arith.constant 0 : i32
      %dma_wait3A_301 = arith.constant 0 : i32
      %dma_wait3A_302 = tpu.memref_slice %arg4[%arg0, %run_scoped3A_0, %arg1, %dma_wait3A_300, %dma_wait3A_301] : memref<2x2x16x250x80xi32, #tpu.memory_space<hbm>> -> memref<1x1x1x250x80xi32, #tpu.memory_space<hbm>>
      %dma_wait3A_303 = tpu.memref_squeeze %dma_wait3A_302 : memref<1x1x1x250x80xi32, #tpu.memory_space<hbm>> -> memref<250x80xi32, #tpu.memory_space<hbm>>
      tpu.wait_dma2 semaphore(%run_scoped3A_287 : memref<!tpu.dma_semaphore, #tpu.memory_space<semaphore_mem>>) src(%dma_wait3A_303 : memref<250x80xi32, #tpu.memory_space<hbm>>) dst(%arg7 : memref<250x80xi32, #tpu.memory_space<vmem>>)
      tpu.yield
    }) : () -> ()
    %mul3A = arith.constant 624 : i32
    %mul3A_1 = arith.muli %arg1, %mul3A : i32
    "tpu.region"() ({
      %run_scoped3A_287 = tpu.sem_alloc : memref<!tpu.dma_semaphore, #tpu.memory_space<semaphore_mem>>
      %dma_start3A_288 = arith.constant 0 : i32
      %dma_start3A_289 = tpu.memref_slice %arg16[%mul3A_1, %dma_start3A_288] : memref<10008x64xf32, #tpu.memory_space<vmem_shared>> -> memref<624x64xf32, #tpu.memory_space<vmem_shared>>
      %dma_start3A_290 = arith.constant 0 : i32
      %dma_start3A_291 = tpu.memref_slice %arg2[%mul3A_1, %dma_start3A_290] : memref<10000x64xf32, #tpu.memory_space<hbm>> -> memref<624x64xf32, #tpu.memory_space<hbm>>
      tpu.enqueue_dma source(%dma_start3A_291 : memref<624x64xf32, #tpu.memory_space<hbm>>) target(%dma_start3A_289 : memref<624x64xf32, #tpu.memory_space<vmem_shared>>) target_semaphore(%run_scoped3A_287 : memref<!tpu.dma_semaphore, #tpu.memory_space<semaphore_mem>>)
      %dma_wait3A_292 = arith.constant 0 : i32
      %dma_wait3A_293 = tpu.memref_slice %arg16[%mul3A_1, %dma_wait3A_292] : memref<10008x64xf32, #tpu.memory_space<vmem_shared>> -> memref<624x64xf32, #tpu.memory_space<vmem_shared>>
      %dma_wait3A_294 = arith.constant 0 : i32
      %dma_wait3A_295 = tpu.memref_slice %arg2[%mul3A_1, %dma_wait3A_294] : memref<10000x64xf32, #tpu.memory_space<hbm>> -> memref<624x64xf32, #tpu.memory_space<hbm>>
      tpu.wait_dma2 semaphore(%run_scoped3A_287 : memref<!tpu.dma_semaphore, #tpu.memory_space<semaphore_mem>>) src(%dma_wait3A_295 : memref<624x64xf32, #tpu.memory_space<hbm>>) dst(%dma_wait3A_293 : memref<624x64xf32, #tpu.memory_space<vmem_shared>>)
      tpu.yield
    }) : () -> ()
    %eq3A = arith.constant 15 : i32
    %eq3A_2 = arith.cmpi eq, %arg1, %eq3A : i32
    %convert_element_type3A = arith.extui %eq3A_2 : i1 to i32
    %cond3A = arith.constant 0 : i32
    %cond3A_3 = arith.cmpi ne, %convert_element_type3A, %cond3A : i32
    scf.if %cond3A_3 {
      "tpu.region"() ({
        %run_scoped3A_287 = tpu.sem_alloc : memref<!tpu.dma_semaphore, #tpu.memory_space<semaphore_mem>>
        %dma_start3A_288 = arith.constant 9984 : i32
        %dma_start3A_289 = arith.constant 0 : i32
        %dma_start3A_290 = tpu.memref_slice %arg16[%dma_start3A_288, %dma_start3A_289] : memref<10008x64xf32, #tpu.memory_space<vmem_shared>> -> memref<16x64xf32, #tpu.memory_space<vmem_shared>>
        %dma_start3A_291 = arith.constant 9984 : i32
        %dma_start3A_292 = arith.constant 0 : i32
        %dma_start3A_293 = tpu.memref_slice %arg2[%dma_start3A_291, %dma_start3A_292] : memref<10000x64xf32, #tpu.memory_space<hbm>> -> memref<16x64xf32, #tpu.memory_space<hbm>>
        tpu.enqueue_dma source(%dma_start3A_293 : memref<16x64xf32, #tpu.memory_space<hbm>>) target(%dma_start3A_290 : memref<16x64xf32, #tpu.memory_space<vmem_shared>>) target_semaphore(%run_scoped3A_287 : memref<!tpu.dma_semaphore, #tpu.memory_space<semaphore_mem>>)
        %dma_wait3A_294 = arith.constant 9984 : i32
        %dma_wait3A_295 = arith.constant 0 : i32
        %dma_wait3A_296 = tpu.memref_slice %arg16[%dma_wait3A_294, %dma_wait3A_295] : memref<10008x64xf32, #tpu.memory_space<vmem_shared>> -> memref<16x64xf32, #tpu.memory_space<vmem_shared>>
        %dma_wait3A_297 = arith.constant 9984 : i32
        %dma_wait3A_298 = arith.constant 0 : i32
        %dma_wait3A_299 = tpu.memref_slice %arg2[%dma_wait3A_297, %dma_wait3A_298] : memref<10000x64xf32, #tpu.memory_space<hbm>> -> memref<16x64xf32, #tpu.memory_space<hbm>>
        tpu.wait_dma2 semaphore(%run_scoped3A_287 : memref<!tpu.dma_semaphore, #tpu.memory_space<semaphore_mem>>) src(%dma_wait3A_299 : memref<16x64xf32, #tpu.memory_space<hbm>>) dst(%dma_wait3A_296 : memref<16x64xf32, #tpu.memory_space<vmem_shared>>)
        tpu.yield
      }) : () -> ()
    } else {
    }
    %barrier3A = arith.constant 0 : index
    tpu.barrier barrier_id(%barrier3A)
    %dma_start3A = arith.constant 0 : i32
    %dma_start3A_4 = arith.constant 0 : i32
    %dma_start3A_5 = tpu.memref_slice %arg6[%dma_start3A, %dma_start3A_4] : memref<250x80xi32, #tpu.memory_space<vmem>> -> memref<1x80xi32, #tpu.memory_space<vmem>>
    %dma_start3A_6 = tpu.memref_squeeze %dma_start3A_5 : memref<1x80xi32, #tpu.memory_space<vmem>> -> memref<80xi32, #tpu.memory_space<vmem>>
    %dma_start3A_7 = arith.constant 0 : i32
    %dma_start3A_8 = arith.constant 0 : i32
    %dma_start3A_9 = tpu.memref_slice %arg2[%dma_start3A_7, %dma_start3A_8] : memref<10000x64xf32, #tpu.memory_space<hbm>> -> memref<10000x64xf32, #tpu.memory_space<hbm>>
    tpu.enqueue_indirect_dma source(%dma_start3A_9 : memref<10000x64xf32, #tpu.memory_space<hbm>>) target(%arg8 : memref<80x64xf32, #tpu.memory_space<vmem>>) offsets(%dma_start3A_6 : memref<80xi32, #tpu.memory_space<vmem>>) semaphore(%arg17 : memref<!tpu.dma_semaphore, #tpu.memory_space<semaphore_mem>>)
    %dma_start3A_10 = arith.constant 1 : i32
    %dma_start3A_11 = arith.constant 0 : i32
    %dma_start3A_12 = tpu.memref_slice %arg6[%dma_start3A_10, %dma_start3A_11] : memref<250x80xi32, #tpu.memory_space<vmem>> -> memref<1x80xi32, #tpu.memory_space<vmem>>
    %dma_start3A_13 = tpu.memref_squeeze %dma_start3A_12 : memref<1x80xi32, #tpu.memory_space<vmem>> -> memref<80xi32, #tpu.memory_space<vmem>>
    %dma_start3A_14 = arith.constant 0 : i32
    %dma_start3A_15 = arith.constant 0 : i32
    %dma_start3A_16 = tpu.memref_slice %arg2[%dma_start3A_14, %dma_start3A_15] : memref<10000x64xf32, #tpu.memory_space<hbm>> -> memref<10000x64xf32, #tpu.memory_space<hbm>>
    tpu.enqueue_indirect_dma source(%dma_start3A_16 : memref<10000x64xf32, #tpu.memory_space<hbm>>) target(%arg9 : memref<80x64xf32, #tpu.memory_space<vmem>>) offsets(%dma_start3A_13 : memref<80xi32, #tpu.memory_space<vmem>>) semaphore(%arg18 : memref<!tpu.dma_semaphore, #tpu.memory_space<semaphore_mem>>)
    %dma_start3A_17 = arith.constant 2 : i32
    %dma_start3A_18 = arith.constant 0 : i32
    %dma_start3A_19 = tpu.memref_slice %arg6[%dma_start3A_17, %dma_start3A_18] : memref<250x80xi32, #tpu.memory_space<vmem>> -> memref<1x80xi32, #tpu.memory_space<vmem>>
    %dma_start3A_20 = tpu.memref_squeeze %dma_start3A_19 : memref<1x80xi32, #tpu.memory_space<vmem>> -> memref<80xi32, #tpu.memory_space<vmem>>
    %dma_start3A_21 = arith.constant 0 : i32
    %dma_start3A_22 = arith.constant 0 : i32
    %dma_start3A_23 = tpu.memref_slice %arg2[%dma_start3A_21, %dma_start3A_22] : memref<10000x64xf32, #tpu.memory_space<hbm>> -> memref<10000x64xf32, #tpu.memory_space<hbm>>
    tpu.enqueue_indirect_dma source(%dma_start3A_23 : memref<10000x64xf32, #tpu.memory_space<hbm>>) target(%arg10 : memref<80x64xf32, #tpu.memory_space<vmem>>) offsets(%dma_start3A_20 : memref<80xi32, #tpu.memory_space<vmem>>) semaphore(%arg19 : memref<!tpu.dma_semaphore, #tpu.memory_space<semaphore_mem>>)
    %dma_start3A_24 = arith.constant 3 : i32
    %dma_start3A_25 = arith.constant 0 : i32
    %dma_start3A_26 = tpu.memref_slice %arg6[%dma_start3A_24, %dma_start3A_25] : memref<250x80xi32, #tpu.memory_space<vmem>> -> memref<1x80xi32, #tpu.memory_space<vmem>>
    %dma_start3A_27 = tpu.memref_squeeze %dma_start3A_26 : memref<1x80xi32, #tpu.memory_space<vmem>> -> memref<80xi32, #tpu.memory_space<vmem>>
    %dma_start3A_28 = arith.constant 0 : i32
    %dma_start3A_29 = arith.constant 0 : i32
    %dma_start3A_30 = tpu.memref_slice %arg2[%dma_start3A_28, %dma_start3A_29] : memref<10000x64xf32, #tpu.memory_space<hbm>> -> memref<10000x64xf32, #tpu.memory_space<hbm>>
    tpu.enqueue_indirect_dma source(%dma_start3A_30 : memref<10000x64xf32, #tpu.memory_space<hbm>>) target(%arg11 : memref<80x64xf32, #tpu.memory_space<vmem>>) offsets(%dma_start3A_27 : memref<80xi32, #tpu.memory_space<vmem>>) semaphore(%arg20 : memref<!tpu.dma_semaphore, #tpu.memory_space<semaphore_mem>>)
    %dma_start3A_31 = arith.constant 4 : i32
    %dma_start3A_32 = arith.constant 0 : i32
    %dma_start3A_33 = tpu.memref_slice %arg6[%dma_start3A_31, %dma_start3A_32] : memref<250x80xi32, #tpu.memory_space<vmem>> -> memref<1x80xi32, #tpu.memory_space<vmem>>
    %dma_start3A_34 = tpu.memref_squeeze %dma_start3A_33 : memref<1x80xi32, #tpu.memory_space<vmem>> -> memref<80xi32, #tpu.memory_space<vmem>>
    %dma_start3A_35 = arith.constant 0 : i32
    %dma_start3A_36 = arith.constant 0 : i32
    %dma_start3A_37 = tpu.memref_slice %arg2[%dma_start3A_35, %dma_start3A_36] : memref<10000x64xf32, #tpu.memory_space<hbm>> -> memref<10000x64xf32, #tpu.memory_space<hbm>>
    tpu.enqueue_indirect_dma source(%dma_start3A_37 : memref<10000x64xf32, #tpu.memory_space<hbm>>) target(%arg12 : memref<80x64xf32, #tpu.memory_space<vmem>>) offsets(%dma_start3A_34 : memref<80xi32, #tpu.memory_space<vmem>>) semaphore(%arg21 : memref<!tpu.dma_semaphore, #tpu.memory_space<semaphore_mem>>)
    %dma_start3A_38 = arith.constant 5 : i32
    %dma_start3A_39 = arith.constant 0 : i32
    %dma_start3A_40 = tpu.memref_slice %arg6[%dma_start3A_38, %dma_start3A_39] : memref<250x80xi32, #tpu.memory_space<vmem>> -> memref<1x80xi32, #tpu.memory_space<vmem>>
    %dma_start3A_41 = tpu.memref_squeeze %dma_start3A_40 : memref<1x80xi32, #tpu.memory_space<vmem>> -> memref<80xi32, #tpu.memory_space<vmem>>
    %dma_start3A_42 = arith.constant 0 : i32
    %dma_start3A_43 = arith.constant 0 : i32
    %dma_start3A_44 = tpu.memref_slice %arg2[%dma_start3A_42, %dma_start3A_43] : memref<10000x64xf32, #tpu.memory_space<hbm>> -> memref<10000x64xf32, #tpu.memory_space<hbm>>
    tpu.enqueue_indirect_dma source(%dma_start3A_44 : memref<10000x64xf32, #tpu.memory_space<hbm>>) target(%arg13 : memref<80x64xf32, #tpu.memory_space<vmem>>) offsets(%dma_start3A_41 : memref<80xi32, #tpu.memory_space<vmem>>) semaphore(%arg22 : memref<!tpu.dma_semaphore, #tpu.memory_space<semaphore_mem>>)
    %dma_start3A_45 = arith.constant 6 : i32
    %dma_start3A_46 = arith.constant 0 : i32
    %dma_start3A_47 = tpu.memref_slice %arg6[%dma_start3A_45, %dma_start3A_46] : memref<250x80xi32, #tpu.memory_space<vmem>> -> memref<1x80xi32, #tpu.memory_space<vmem>>
    %dma_start3A_48 = tpu.memref_squeeze %dma_start3A_47 : memref<1x80xi32, #tpu.memory_space<vmem>> -> memref<80xi32, #tpu.memory_space<vmem>>
    %dma_start3A_49 = arith.constant 0 : i32
    %dma_start3A_50 = arith.constant 0 : i32
    %dma_start3A_51 = tpu.memref_slice %arg2[%dma_start3A_49, %dma_start3A_50] : memref<10000x64xf32, #tpu.memory_space<hbm>> -> memref<10000x64xf32, #tpu.memory_space<hbm>>
    tpu.enqueue_indirect_dma source(%dma_start3A_51 : memref<10000x64xf32, #tpu.memory_space<hbm>>) target(%arg14 : memref<80x64xf32, #tpu.memory_space<vmem>>) offsets(%dma_start3A_48 : memref<80xi32, #tpu.memory_space<vmem>>) semaphore(%arg23 : memref<!tpu.dma_semaphore, #tpu.memory_space<semaphore_mem>>)
    %scan3A = arith.constant 0 : i32
    %scan3A_52 = arith.constant 31 : i32
    %scan3A_53 = arith.addi %scan3A, %scan3A_52 : i32
    %scan3A_54 = arith.constant 1 : i32
    scf.for %scan3A_287 = %scan3A to %scan3A_53 step %scan3A_54  : i32 {
      %mul3A_288 = arith.constant 8 : i32
      %mul3A_289 = arith.muli %mul3A_288, %scan3A_287 : i32
      %add3A = arith.constant 0 : i32
      %add3A_290 = arith.addi %mul3A_289, %add3A : i32
      %dma_wait3A_291 = arith.constant 0 : i32
      %dma_wait3A_292 = tpu.memref_slice %arg6[%add3A_290, %dma_wait3A_291] : memref<250x80xi32, #tpu.memory_space<vmem>> -> memref<1x80xi32, #tpu.memory_space<vmem>>
      %dma_wait3A_293 = tpu.memref_squeeze %dma_wait3A_292 : memref<1x80xi32, #tpu.memory_space<vmem>> -> memref<80xi32, #tpu.memory_space<vmem>>
      %dma_wait3A_294 = arith.constant 0 : i32
      %dma_wait3A_295 = arith.constant 0 : i32
      %dma_wait3A_296 = tpu.memref_slice %arg2[%dma_wait3A_294, %dma_wait3A_295] : memref<10000x64xf32, #tpu.memory_space<hbm>> -> memref<10000x64xf32, #tpu.memory_space<hbm>>
      tpu.wait_indirect_dma semaphore(%arg17 : memref<!tpu.dma_semaphore, #tpu.memory_space<semaphore_mem>>) src(%dma_wait3A_296 : memref<10000x64xf32, #tpu.memory_space<hbm>>) dst(%arg8 : memref<80x64xf32, #tpu.memory_space<vmem>>)
      "tpu.region"() ({
        %run_scoped3A_447 = tpu.sem_alloc : memref<!tpu.dma_semaphore, #tpu.memory_space<semaphore_mem>>
        %dma_start3A_448 = arith.constant 0 : i32
        %dma_start3A_449 = tpu.memref_slice %arg7[%add3A_290, %dma_start3A_448] : memref<250x80xi32, #tpu.memory_space<vmem>> -> memref<1x80xi32, #tpu.memory_space<vmem>>
        %dma_start3A_450 = tpu.memref_squeeze %dma_start3A_449 : memref<1x80xi32, #tpu.memory_space<vmem>> -> memref<80xi32, #tpu.memory_space<vmem>>
        %dma_start3A_451 = arith.constant 0 : i32
        %dma_start3A_452 = arith.constant 0 : i32
        %dma_start3A_453 = tpu.memref_slice %arg16[%dma_start3A_451, %dma_start3A_452] : memref<10008x64xf32, #tpu.memory_space<vmem_shared>> -> memref<10008x64xf32, #tpu.memory_space<vmem_shared>>
        tpu.enqueue_indirect_dma source(%arg8 : memref<80x64xf32, #tpu.memory_space<vmem>>) target(%dma_start3A_453 : memref<10008x64xf32, #tpu.memory_space<vmem_shared>>) offsets(%dma_start3A_450 : memref<80xi32, #tpu.memory_space<vmem>>) semaphore(%run_scoped3A_447 : memref<!tpu.dma_semaphore, #tpu.memory_space<semaphore_mem>>) {add = true}
        %dma_wait3A_454 = arith.constant 0 : i32
        %dma_wait3A_455 = tpu.memref_slice %arg7[%add3A_290, %dma_wait3A_454] : memref<250x80xi32, #tpu.memory_space<vmem>> -> memref<1x80xi32, #tpu.memory_space<vmem>>
        %dma_wait3A_456 = tpu.memref_squeeze %dma_wait3A_455 : memref<1x80xi32, #tpu.memory_space<vmem>> -> memref<80xi32, #tpu.memory_space<vmem>>
        %dma_wait3A_457 = arith.constant 0 : i32
        %dma_wait3A_458 = arith.constant 0 : i32
        %dma_wait3A_459 = tpu.memref_slice %arg16[%dma_wait3A_457, %dma_wait3A_458] : memref<10008x64xf32, #tpu.memory_space<vmem_shared>> -> memref<10008x64xf32, #tpu.memory_space<vmem_shared>>
        tpu.wait_indirect_dma semaphore(%run_scoped3A_447 : memref<!tpu.dma_semaphore, #tpu.memory_space<semaphore_mem>>) src(%arg8 : memref<80x64xf32, #tpu.memory_space<vmem>>) dst(%dma_wait3A_459 : memref<10008x64xf32, #tpu.memory_space<vmem_shared>>)
        tpu.yield
      }) : () -> ()
      %add3A_297 = arith.constant 8 : i32
      %add3A_298 = arith.addi %add3A_290, %add3A_297 : i32
      %sub3A = arith.constant 1 : i32
      %sub3A_299 = arith.subi %add3A_298, %sub3A : i32
      %min3A = arith.constant 249 : i32
      %min3A_300 = arith.minsi %sub3A_299, %min3A : i32
      %dma_start3A_301 = arith.constant 0 : i32
      %dma_start3A_302 = tpu.memref_slice %arg6[%min3A_300, %dma_start3A_301] : memref<250x80xi32, #tpu.memory_space<vmem>> -> memref<1x80xi32, #tpu.memory_space<vmem>>
      %dma_start3A_303 = tpu.memref_squeeze %dma_start3A_302 : memref<1x80xi32, #tpu.memory_space<vmem>> -> memref<80xi32, #tpu.memory_space<vmem>>
      %dma_start3A_304 = arith.constant 0 : i32
      %dma_start3A_305 = arith.constant 0 : i32
      %dma_start3A_306 = tpu.memref_slice %arg2[%dma_start3A_304, %dma_start3A_305] : memref<10000x64xf32, #tpu.memory_space<hbm>> -> memref<10000x64xf32, #tpu.memory_space<hbm>>
      tpu.enqueue_indirect_dma source(%dma_start3A_306 : memref<10000x64xf32, #tpu.memory_space<hbm>>) target(%arg15 : memref<80x64xf32, #tpu.memory_space<vmem>>) offsets(%dma_start3A_303 : memref<80xi32, #tpu.memory_space<vmem>>) semaphore(%arg24 : memref<!tpu.dma_semaphore, #tpu.memory_space<semaphore_mem>>)
      %add3A_307 = arith.constant 1 : i32
      %add3A_308 = arith.addi %mul3A_289, %add3A_307 : i32
      %dma_wait3A_309 = arith.constant 0 : i32
      %dma_wait3A_310 = tpu.memref_slice %arg6[%add3A_308, %dma_wait3A_309] : memref<250x80xi32, #tpu.memory_space<vmem>> -> memref<1x80xi32, #tpu.memory_space<vmem>>
      %dma_wait3A_311 = tpu.memref_squeeze %dma_wait3A_310 : memref<1x80xi32, #tpu.memory_space<vmem>> -> memref<80xi32, #tpu.memory_space<vmem>>
      %dma_wait3A_312 = arith.constant 0 : i32
      %dma_wait3A_313 = arith.constant 0 : i32
      %dma_wait3A_314 = tpu.memref_slice %arg2[%dma_wait3A_312, %dma_wait3A_313] : memref<10000x64xf32, #tpu.memory_space<hbm>> -> memref<10000x64xf32, #tpu.memory_space<hbm>>
      tpu.wait_indirect_dma semaphore(%arg18 : memref<!tpu.dma_semaphore, #tpu.memory_space<semaphore_mem>>) src(%dma_wait3A_314 : memref<10000x64xf32, #tpu.memory_space<hbm>>) dst(%arg9 : memref<80x64xf32, #tpu.memory_space<vmem>>)
      "tpu.region"() ({
        %run_scoped3A_447 = tpu.sem_alloc : memref<!tpu.dma_semaphore, #tpu.memory_space<semaphore_mem>>
        %dma_start3A_448 = arith.constant 0 : i32
        %dma_start3A_449 = tpu.memref_slice %arg7[%add3A_308, %dma_start3A_448] : memref<250x80xi32, #tpu.memory_space<vmem>> -> memref<1x80xi32, #tpu.memory_space<vmem>>
        %dma_start3A_450 = tpu.memref_squeeze %dma_start3A_449 : memref<1x80xi32, #tpu.memory_space<vmem>> -> memref<80xi32, #tpu.memory_space<vmem>>
        %dma_start3A_451 = arith.constant 0 : i32
        %dma_start3A_452 = arith.constant 0 : i32
        %dma_start3A_453 = tpu.memref_slice %arg16[%dma_start3A_451, %dma_start3A_452] : memref<10008x64xf32, #tpu.memory_space<vmem_shared>> -> memref<10008x64xf32, #tpu.memory_space<vmem_shared>>
        tpu.enqueue_indirect_dma source(%arg9 : memref<80x64xf32, #tpu.memory_space<vmem>>) target(%dma_start3A_453 : memref<10008x64xf32, #tpu.memory_space<vmem_shared>>) offsets(%dma_start3A_450 : memref<80xi32, #tpu.memory_space<vmem>>) semaphore(%run_scoped3A_447 : memref<!tpu.dma_semaphore, #tpu.memory_space<semaphore_mem>>) {add = true}
        %dma_wait3A_454 = arith.constant 0 : i32
        %dma_wait3A_455 = tpu.memref_slice %arg7[%add3A_308, %dma_wait3A_454] : memref<250x80xi32, #tpu.memory_space<vmem>> -> memref<1x80xi32, #tpu.memory_space<vmem>>
        %dma_wait3A_456 = tpu.memref_squeeze %dma_wait3A_455 : memref<1x80xi32, #tpu.memory_space<vmem>> -> memref<80xi32, #tpu.memory_space<vmem>>
        %dma_wait3A_457 = arith.constant 0 : i32
        %dma_wait3A_458 = arith.constant 0 : i32
        %dma_wait3A_459 = tpu.memref_slice %arg16[%dma_wait3A_457, %dma_wait3A_458] : memref<10008x64xf32, #tpu.memory_space<vmem_shared>> -> memref<10008x64xf32, #tpu.memory_space<vmem_shared>>
        tpu.wait_indirect_dma semaphore(%run_scoped3A_447 : memref<!tpu.dma_semaphore, #tpu.memory_space<semaphore_mem>>) src(%arg9 : memref<80x64xf32, #tpu.memory_space<vmem>>) dst(%dma_wait3A_459 : memref<10008x64xf32, #tpu.memory_space<vmem_shared>>)
        tpu.yield
      }) : () -> ()
      %add3A_315 = arith.constant 8 : i32
      %add3A_316 = arith.addi %add3A_308, %add3A_315 : i32
      %sub3A_317 = arith.constant 1 : i32
      %sub3A_318 = arith.subi %add3A_316, %sub3A_317 : i32
      %min3A_319 = arith.constant 249 : i32
      %min3A_320 = arith.minsi %sub3A_318, %min3A_319 : i32
      %dma_start3A_321 = arith.constant 0 : i32
      %dma_start3A_322 = tpu.memref_slice %arg6[%min3A_320, %dma_start3A_321] : memref<250x80xi32, #tpu.memory_space<vmem>> -> memref<1x80xi32, #tpu.memory_space<vmem>>
      %dma_start3A_323 = tpu.memref_squeeze %dma_start3A_322 : memref<1x80xi32, #tpu.memory_space<vmem>> -> memref<80xi32, #tpu.memory_space<vmem>>
      %dma_start3A_324 = arith.constant 0 : i32
      %dma_start3A_325 = arith.constant 0 : i32
      %dma_start3A_326 = tpu.memref_slice %arg2[%dma_start3A_324, %dma_start3A_325] : memref<10000x64xf32, #tpu.memory_space<hbm>> -> memref<10000x64xf32, #tpu.memory_space<hbm>>
      tpu.enqueue_indirect_dma source(%dma_start3A_326 : memref<10000x64xf32, #tpu.memory_space<hbm>>) target(%arg8 : memref<80x64xf32, #tpu.memory_space<vmem>>) offsets(%dma_start3A_323 : memref<80xi32, #tpu.memory_space<vmem>>) semaphore(%arg17 : memref<!tpu.dma_semaphore, #tpu.memory_space<semaphore_mem>>)
      %add3A_327 = arith.constant 2 : i32
      %add3A_328 = arith.addi %mul3A_289, %add3A_327 : i32
      %dma_wait3A_329 = arith.constant 0 : i32
      %dma_wait3A_330 = tpu.memref_slice %arg6[%add3A_328, %dma_wait3A_329] : memref<250x80xi32, #tpu.memory_space<vmem>> -> memref<1x80xi32, #tpu.memory_space<vmem>>
      %dma_wait3A_331 = tpu.memref_squeeze %dma_wait3A_330 : memref<1x80xi32, #tpu.memory_space<vmem>> -> memref<80xi32, #tpu.memory_space<vmem>>
      %dma_wait3A_332 = arith.constant 0 : i32
      %dma_wait3A_333 = arith.constant 0 : i32
      %dma_wait3A_334 = tpu.memref_slice %arg2[%dma_wait3A_332, %dma_wait3A_333] : memref<10000x64xf32, #tpu.memory_space<hbm>> -> memref<10000x64xf32, #tpu.memory_space<hbm>>
      tpu.wait_indirect_dma semaphore(%arg19 : memref<!tpu.dma_semaphore, #tpu.memory_space<semaphore_mem>>) src(%dma_wait3A_334 : memref<10000x64xf32, #tpu.memory_space<hbm>>) dst(%arg10 : memref<80x64xf32, #tpu.memory_space<vmem>>)
      "tpu.region"() ({
        %run_scoped3A_447 = tpu.sem_alloc : memref<!tpu.dma_semaphore, #tpu.memory_space<semaphore_mem>>
        %dma_start3A_448 = arith.constant 0 : i32
        %dma_start3A_449 = tpu.memref_slice %arg7[%add3A_328, %dma_start3A_448] : memref<250x80xi32, #tpu.memory_space<vmem>> -> memref<1x80xi32, #tpu.memory_space<vmem>>
        %dma_start3A_450 = tpu.memref_squeeze %dma_start3A_449 : memref<1x80xi32, #tpu.memory_space<vmem>> -> memref<80xi32, #tpu.memory_space<vmem>>
        %dma_start3A_451 = arith.constant 0 : i32
        %dma_start3A_452 = arith.constant 0 : i32
        %dma_start3A_453 = tpu.memref_slice %arg16[%dma_start3A_451, %dma_start3A_452] : memref<10008x64xf32, #tpu.memory_space<vmem_shared>> -> memref<10008x64xf32, #tpu.memory_space<vmem_shared>>
        tpu.enqueue_indirect_dma source(%arg10 : memref<80x64xf32, #tpu.memory_space<vmem>>) target(%dma_start3A_453 : memref<10008x64xf32, #tpu.memory_space<vmem_shared>>) offsets(%dma_start3A_450 : memref<80xi32, #tpu.memory_space<vmem>>) semaphore(%run_scoped3A_447 : memref<!tpu.dma_semaphore, #tpu.memory_space<semaphore_mem>>) {add = true}
        %dma_wait3A_454 = arith.constant 0 : i32
        %dma_wait3A_455 = tpu.memref_slice %arg7[%add3A_328, %dma_wait3A_454] : memref<250x80xi32, #tpu.memory_space<vmem>> -> memref<1x80xi32, #tpu.memory_space<vmem>>
        %dma_wait3A_456 = tpu.memref_squeeze %dma_wait3A_455 : memref<1x80xi32, #tpu.memory_space<vmem>> -> memref<80xi32, #tpu.memory_space<vmem>>
        %dma_wait3A_457 = arith.constant 0 : i32
        %dma_wait3A_458 = arith.constant 0 : i32
        %dma_wait3A_459 = tpu.memref_slice %arg16[%dma_wait3A_457, %dma_wait3A_458] : memref<10008x64xf32, #tpu.memory_space<vmem_shared>> -> memref<10008x64xf32, #tpu.memory_space<vmem_shared>>
        tpu.wait_indirect_dma semaphore(%run_scoped3A_447 : memref<!tpu.dma_semaphore, #tpu.memory_space<semaphore_mem>>) src(%arg10 : memref<80x64xf32, #tpu.memory_space<vmem>>) dst(%dma_wait3A_459 : memref<10008x64xf32, #tpu.memory_space<vmem_shared>>)
        tpu.yield
      }) : () -> ()
      %add3A_335 = arith.constant 8 : i32
      %add3A_336 = arith.addi %add3A_328, %add3A_335 : i32
      %sub3A_337 = arith.constant 1 : i32
      %sub3A_338 = arith.subi %add3A_336, %sub3A_337 : i32
      %min3A_339 = arith.constant 249 : i32
      %min3A_340 = arith.minsi %sub3A_338, %min3A_339 : i32
      %dma_start3A_341 = arith.constant 0 : i32
      %dma_start3A_342 = tpu.memref_slice %arg6[%min3A_340, %dma_start3A_341] : memref<250x80xi32, #tpu.memory_space<vmem>> -> memref<1x80xi32, #tpu.memory_space<vmem>>
      %dma_start3A_343 = tpu.memref_squeeze %dma_start3A_342 : memref<1x80xi32, #tpu.memory_space<vmem>> -> memref<80xi32, #tpu.memory_space<vmem>>
      %dma_start3A_344 = arith.constant 0 : i32
      %dma_start3A_345 = arith.constant 0 : i32
      %dma_start3A_346 = tpu.memref_slice %arg2[%dma_start3A_344, %dma_start3A_345] : memref<10000x64xf32, #tpu.memory_space<hbm>> -> memref<10000x64xf32, #tpu.memory_space<hbm>>
      tpu.enqueue_indirect_dma source(%dma_start3A_346 : memref<10000x64xf32, #tpu.memory_space<hbm>>) target(%arg9 : memref<80x64xf32, #tpu.memory_space<vmem>>) offsets(%dma_start3A_343 : memref<80xi32, #tpu.memory_space<vmem>>) semaphore(%arg18 : memref<!tpu.dma_semaphore, #tpu.memory_space<semaphore_mem>>)
      %add3A_347 = arith.constant 3 : i32
      %add3A_348 = arith.addi %mul3A_289, %add3A_347 : i32
      %dma_wait3A_349 = arith.constant 0 : i32
      %dma_wait3A_350 = tpu.memref_slice %arg6[%add3A_348, %dma_wait3A_349] : memref<250x80xi32, #tpu.memory_space<vmem>> -> memref<1x80xi32, #tpu.memory_space<vmem>>
      %dma_wait3A_351 = tpu.memref_squeeze %dma_wait3A_350 : memref<1x80xi32, #tpu.memory_space<vmem>> -> memref<80xi32, #tpu.memory_space<vmem>>
      %dma_wait3A_352 = arith.constant 0 : i32
      %dma_wait3A_353 = arith.constant 0 : i32
      %dma_wait3A_354 = tpu.memref_slice %arg2[%dma_wait3A_352, %dma_wait3A_353] : memref<10000x64xf32, #tpu.memory_space<hbm>> -> memref<10000x64xf32, #tpu.memory_space<hbm>>
      tpu.wait_indirect_dma semaphore(%arg20 : memref<!tpu.dma_semaphore, #tpu.memory_space<semaphore_mem>>) src(%dma_wait3A_354 : memref<10000x64xf32, #tpu.memory_space<hbm>>) dst(%arg11 : memref<80x64xf32, #tpu.memory_space<vmem>>)
      "tpu.region"() ({
        %run_scoped3A_447 = tpu.sem_alloc : memref<!tpu.dma_semaphore, #tpu.memory_space<semaphore_mem>>
        %dma_start3A_448 = arith.constant 0 : i32
        %dma_start3A_449 = tpu.memref_slice %arg7[%add3A_348, %dma_start3A_448] : memref<250x80xi32, #tpu.memory_space<vmem>> -> memref<1x80xi32, #tpu.memory_space<vmem>>
        %dma_start3A_450 = tpu.memref_squeeze %dma_start3A_449 : memref<1x80xi32, #tpu.memory_space<vmem>> -> memref<80xi32, #tpu.memory_space<vmem>>
        %dma_start3A_451 = arith.constant 0 : i32
        %dma_start3A_452 = arith.constant 0 : i32
        %dma_start3A_453 = tpu.memref_slice %arg16[%dma_start3A_451, %dma_start3A_452] : memref<10008x64xf32, #tpu.memory_space<vmem_shared>> -> memref<10008x64xf32, #tpu.memory_space<vmem_shared>>
        tpu.enqueue_indirect_dma source(%arg11 : memref<80x64xf32, #tpu.memory_space<vmem>>) target(%dma_start3A_453 : memref<10008x64xf32, #tpu.memory_space<vmem_shared>>) offsets(%dma_start3A_450 : memref<80xi32, #tpu.memory_space<vmem>>) semaphore(%run_scoped3A_447 : memref<!tpu.dma_semaphore, #tpu.memory_space<semaphore_mem>>) {add = true}
        %dma_wait3A_454 = arith.constant 0 : i32
        %dma_wait3A_455 = tpu.memref_slice %arg7[%add3A_348, %dma_wait3A_454] : memref<250x80xi32, #tpu.memory_space<vmem>> -> memref<1x80xi32, #tpu.memory_space<vmem>>
        %dma_wait3A_456 = tpu.memref_squeeze %dma_wait3A_455 : memref<1x80xi32, #tpu.memory_space<vmem>> -> memref<80xi32, #tpu.memory_space<vmem>>
        %dma_wait3A_457 = arith.constant 0 : i32
        %dma_wait3A_458 = arith.constant 0 : i32
        %dma_wait3A_459 = tpu.memref_slice %arg16[%dma_wait3A_457, %dma_wait3A_458] : memref<10008x64xf32, #tpu.memory_space<vmem_shared>> -> memref<10008x64xf32, #tpu.memory_space<vmem_shared>>
        tpu.wait_indirect_dma semaphore(%run_scoped3A_447 : memref<!tpu.dma_semaphore, #tpu.memory_space<semaphore_mem>>) src(%arg11 : memref<80x64xf32, #tpu.memory_space<vmem>>) dst(%dma_wait3A_459 : memref<10008x64xf32, #tpu.memory_space<vmem_shared>>)
        tpu.yield
      }) : () -> ()
      %add3A_355 = arith.constant 8 : i32
      %add3A_356 = arith.addi %add3A_348, %add3A_355 : i32
      %sub3A_357 = arith.constant 1 : i32
      %sub3A_358 = arith.subi %add3A_356, %sub3A_357 : i32
      %min3A_359 = arith.constant 249 : i32
      %min3A_360 = arith.minsi %sub3A_358, %min3A_359 : i32
      %dma_start3A_361 = arith.constant 0 : i32
      %dma_start3A_362 = tpu.memref_slice %arg6[%min3A_360, %dma_start3A_361] : memref<250x80xi32, #tpu.memory_space<vmem>> -> memref<1x80xi32, #tpu.memory_space<vmem>>
      %dma_start3A_363 = tpu.memref_squeeze %dma_start3A_362 : memref<1x80xi32, #tpu.memory_space<vmem>> -> memref<80xi32, #tpu.memory_space<vmem>>
      %dma_start3A_364 = arith.constant 0 : i32
      %dma_start3A_365 = arith.constant 0 : i32
      %dma_start3A_366 = tpu.memref_slice %arg2[%dma_start3A_364, %dma_start3A_365] : memref<10000x64xf32, #tpu.memory_space<hbm>> -> memref<10000x64xf32, #tpu.memory_space<hbm>>
      tpu.enqueue_indirect_dma source(%dma_start3A_366 : memref<10000x64xf32, #tpu.memory_space<hbm>>) target(%arg10 : memref<80x64xf32, #tpu.memory_space<vmem>>) offsets(%dma_start3A_363 : memref<80xi32, #tpu.memory_space<vmem>>) semaphore(%arg19 : memref<!tpu.dma_semaphore, #tpu.memory_space<semaphore_mem>>)
      %add3A_367 = arith.constant 4 : i32
      %add3A_368 = arith.addi %mul3A_289, %add3A_367 : i32
      %dma_wait3A_369 = arith.constant 0 : i32
      %dma_wait3A_370 = tpu.memref_slice %arg6[%add3A_368, %dma_wait3A_369] : memref<250x80xi32, #tpu.memory_space<vmem>> -> memref<1x80xi32, #tpu.memory_space<vmem>>
      %dma_wait3A_371 = tpu.memref_squeeze %dma_wait3A_370 : memref<1x80xi32, #tpu.memory_space<vmem>> -> memref<80xi32, #tpu.memory_space<vmem>>
      %dma_wait3A_372 = arith.constant 0 : i32
      %dma_wait3A_373 = arith.constant 0 : i32
      %dma_wait3A_374 = tpu.memref_slice %arg2[%dma_wait3A_372, %dma_wait3A_373] : memref<10000x64xf32, #tpu.memory_space<hbm>> -> memref<10000x64xf32, #tpu.memory_space<hbm>>
      tpu.wait_indirect_dma semaphore(%arg21 : memref<!tpu.dma_semaphore, #tpu.memory_space<semaphore_mem>>) src(%dma_wait3A_374 : memref<10000x64xf32, #tpu.memory_space<hbm>>) dst(%arg12 : memref<80x64xf32, #tpu.memory_space<vmem>>)
      "tpu.region"() ({
        %run_scoped3A_447 = tpu.sem_alloc : memref<!tpu.dma_semaphore, #tpu.memory_space<semaphore_mem>>
        %dma_start3A_448 = arith.constant 0 : i32
        %dma_start3A_449 = tpu.memref_slice %arg7[%add3A_368, %dma_start3A_448] : memref<250x80xi32, #tpu.memory_space<vmem>> -> memref<1x80xi32, #tpu.memory_space<vmem>>
        %dma_start3A_450 = tpu.memref_squeeze %dma_start3A_449 : memref<1x80xi32, #tpu.memory_space<vmem>> -> memref<80xi32, #tpu.memory_space<vmem>>
        %dma_start3A_451 = arith.constant 0 : i32
        %dma_start3A_452 = arith.constant 0 : i32
        %dma_start3A_453 = tpu.memref_slice %arg16[%dma_start3A_451, %dma_start3A_452] : memref<10008x64xf32, #tpu.memory_space<vmem_shared>> -> memref<10008x64xf32, #tpu.memory_space<vmem_shared>>
        tpu.enqueue_indirect_dma source(%arg12 : memref<80x64xf32, #tpu.memory_space<vmem>>) target(%dma_start3A_453 : memref<10008x64xf32, #tpu.memory_space<vmem_shared>>) offsets(%dma_start3A_450 : memref<80xi32, #tpu.memory_space<vmem>>) semaphore(%run_scoped3A_447 : memref<!tpu.dma_semaphore, #tpu.memory_space<semaphore_mem>>) {add = true}
        %dma_wait3A_454 = arith.constant 0 : i32
        %dma_wait3A_455 = tpu.memref_slice %arg7[%add3A_368, %dma_wait3A_454] : memref<250x80xi32, #tpu.memory_space<vmem>> -> memref<1x80xi32, #tpu.memory_space<vmem>>
        %dma_wait3A_456 = tpu.memref_squeeze %dma_wait3A_455 : memref<1x80xi32, #tpu.memory_space<vmem>> -> memref<80xi32, #tpu.memory_space<vmem>>
        %dma_wait3A_457 = arith.constant 0 : i32
        %dma_wait3A_458 = arith.constant 0 : i32
        %dma_wait3A_459 = tpu.memref_slice %arg16[%dma_wait3A_457, %dma_wait3A_458] : memref<10008x64xf32, #tpu.memory_space<vmem_shared>> -> memref<10008x64xf32, #tpu.memory_space<vmem_shared>>
        tpu.wait_indirect_dma semaphore(%run_scoped3A_447 : memref<!tpu.dma_semaphore, #tpu.memory_space<semaphore_mem>>) src(%arg12 : memref<80x64xf32, #tpu.memory_space<vmem>>) dst(%dma_wait3A_459 : memref<10008x64xf32, #tpu.memory_space<vmem_shared>>)
        tpu.yield
      }) : () -> ()
      %add3A_375 = arith.constant 8 : i32
      %add3A_376 = arith.addi %add3A_368, %add3A_375 : i32
      %sub3A_377 = arith.constant 1 : i32
      %sub3A_378 = arith.subi %add3A_376, %sub3A_377 : i32
      %min3A_379 = arith.constant 249 : i32
      %min3A_380 = arith.minsi %sub3A_378, %min3A_379 : i32
      %dma_start3A_381 = arith.constant 0 : i32
      %dma_start3A_382 = tpu.memref_slice %arg6[%min3A_380, %dma_start3A_381] : memref<250x80xi32, #tpu.memory_space<vmem>> -> memref<1x80xi32, #tpu.memory_space<vmem>>
      %dma_start3A_383 = tpu.memref_squeeze %dma_start3A_382 : memref<1x80xi32, #tpu.memory_space<vmem>> -> memref<80xi32, #tpu.memory_space<vmem>>
      %dma_start3A_384 = arith.constant 0 : i32
      %dma_start3A_385 = arith.constant 0 : i32
      %dma_start3A_386 = tpu.memref_slice %arg2[%dma_start3A_384, %dma_start3A_385] : memref<10000x64xf32, #tpu.memory_space<hbm>> -> memref<10000x64xf32, #tpu.memory_space<hbm>>
      tpu.enqueue_indirect_dma source(%dma_start3A_386 : memref<10000x64xf32, #tpu.memory_space<hbm>>) target(%arg11 : memref<80x64xf32, #tpu.memory_space<vmem>>) offsets(%dma_start3A_383 : memref<80xi32, #tpu.memory_space<vmem>>) semaphore(%arg20 : memref<!tpu.dma_semaphore, #tpu.memory_space<semaphore_mem>>)
      %add3A_387 = arith.constant 5 : i32
      %add3A_388 = arith.addi %mul3A_289, %add3A_387 : i32
      %dma_wait3A_389 = arith.constant 0 : i32
      %dma_wait3A_390 = tpu.memref_slice %arg6[%add3A_388, %dma_wait3A_389] : memref<250x80xi32, #tpu.memory_space<vmem>> -> memref<1x80xi32, #tpu.memory_space<vmem>>
      %dma_wait3A_391 = tpu.memref_squeeze %dma_wait3A_390 : memref<1x80xi32, #tpu.memory_space<vmem>> -> memref<80xi32, #tpu.memory_space<vmem>>
      %dma_wait3A_392 = arith.constant 0 : i32
      %dma_wait3A_393 = arith.constant 0 : i32
      %dma_wait3A_394 = tpu.memref_slice %arg2[%dma_wait3A_392, %dma_wait3A_393] : memref<10000x64xf32, #tpu.memory_space<hbm>> -> memref<10000x64xf32, #tpu.memory_space<hbm>>
      tpu.wait_indirect_dma semaphore(%arg22 : memref<!tpu.dma_semaphore, #tpu.memory_space<semaphore_mem>>) src(%dma_wait3A_394 : memref<10000x64xf32, #tpu.memory_space<hbm>>) dst(%arg13 : memref<80x64xf32, #tpu.memory_space<vmem>>)
      "tpu.region"() ({
        %run_scoped3A_447 = tpu.sem_alloc : memref<!tpu.dma_semaphore, #tpu.memory_space<semaphore_mem>>
        %dma_start3A_448 = arith.constant 0 : i32
        %dma_start3A_449 = tpu.memref_slice %arg7[%add3A_388, %dma_start3A_448] : memref<250x80xi32, #tpu.memory_space<vmem>> -> memref<1x80xi32, #tpu.memory_space<vmem>>
        %dma_start3A_450 = tpu.memref_squeeze %dma_start3A_449 : memref<1x80xi32, #tpu.memory_space<vmem>> -> memref<80xi32, #tpu.memory_space<vmem>>
        %dma_start3A_451 = arith.constant 0 : i32
        %dma_start3A_452 = arith.constant 0 : i32
        %dma_start3A_453 = tpu.memref_slice %arg16[%dma_start3A_451, %dma_start3A_452] : memref<10008x64xf32, #tpu.memory_space<vmem_shared>> -> memref<10008x64xf32, #tpu.memory_space<vmem_shared>>
        tpu.enqueue_indirect_dma source(%arg13 : memref<80x64xf32, #tpu.memory_space<vmem>>) target(%dma_start3A_453 : memref<10008x64xf32, #tpu.memory_space<vmem_shared>>) offsets(%dma_start3A_450 : memref<80xi32, #tpu.memory_space<vmem>>) semaphore(%run_scoped3A_447 : memref<!tpu.dma_semaphore, #tpu.memory_space<semaphore_mem>>) {add = true}
        %dma_wait3A_454 = arith.constant 0 : i32
        %dma_wait3A_455 = tpu.memref_slice %arg7[%add3A_388, %dma_wait3A_454] : memref<250x80xi32, #tpu.memory_space<vmem>> -> memref<1x80xi32, #tpu.memory_space<vmem>>
        %dma_wait3A_456 = tpu.memref_squeeze %dma_wait3A_455 : memref<1x80xi32, #tpu.memory_space<vmem>> -> memref<80xi32, #tpu.memory_space<vmem>>
        %dma_wait3A_457 = arith.constant 0 : i32
        %dma_wait3A_458 = arith.constant 0 : i32
        %dma_wait3A_459 = tpu.memref_slice %arg16[%dma_wait3A_457, %dma_wait3A_458] : memref<10008x64xf32, #tpu.memory_space<vmem_shared>> -> memref<10008x64xf32, #tpu.memory_space<vmem_shared>>
        tpu.wait_indirect_dma semaphore(%run_scoped3A_447 : memref<!tpu.dma_semaphore, #tpu.memory_space<semaphore_mem>>) src(%arg13 : memref<80x64xf32, #tpu.memory_space<vmem>>) dst(%dma_wait3A_459 : memref<10008x64xf32, #tpu.memory_space<vmem_shared>>)
        tpu.yield
      }) : () -> ()
      %add3A_395 = arith.constant 8 : i32
      %add3A_396 = arith.addi %add3A_388, %add3A_395 : i32
      %sub3A_397 = arith.constant 1 : i32
      %sub3A_398 = arith.subi %add3A_396, %sub3A_397 : i32
      %min3A_399 = arith.constant 249 : i32
      %min3A_400 = arith.minsi %sub3A_398, %min3A_399 : i32
      %dma_start3A_401 = arith.constant 0 : i32
      %dma_start3A_402 = tpu.memref_slice %arg6[%min3A_400, %dma_start3A_401] : memref<250x80xi32, #tpu.memory_space<vmem>> -> memref<1x80xi32, #tpu.memory_space<vmem>>
      %dma_start3A_403 = tpu.memref_squeeze %dma_start3A_402 : memref<1x80xi32, #tpu.memory_space<vmem>> -> memref<80xi32, #tpu.memory_space<vmem>>
      %dma_start3A_404 = arith.constant 0 : i32
      %dma_start3A_405 = arith.constant 0 : i32
      %dma_start3A_406 = tpu.memref_slice %arg2[%dma_start3A_404, %dma_start3A_405] : memref<10000x64xf32, #tpu.memory_space<hbm>> -> memref<10000x64xf32, #tpu.memory_space<hbm>>
      tpu.enqueue_indirect_dma source(%dma_start3A_406 : memref<10000x64xf32, #tpu.memory_space<hbm>>) target(%arg12 : memref<80x64xf32, #tpu.memory_space<vmem>>) offsets(%dma_start3A_403 : memref<80xi32, #tpu.memory_space<vmem>>) semaphore(%arg21 : memref<!tpu.dma_semaphore, #tpu.memory_space<semaphore_mem>>)
      %add3A_407 = arith.constant 6 : i32
      %add3A_408 = arith.addi %mul3A_289, %add3A_407 : i32
      %dma_wait3A_409 = arith.constant 0 : i32
      %dma_wait3A_410 = tpu.memref_slice %arg6[%add3A_408, %dma_wait3A_409] : memref<250x80xi32, #tpu.memory_space<vmem>> -> memref<1x80xi32, #tpu.memory_space<vmem>>
      %dma_wait3A_411 = tpu.memref_squeeze %dma_wait3A_410 : memref<1x80xi32, #tpu.memory_space<vmem>> -> memref<80xi32, #tpu.memory_space<vmem>>
      %dma_wait3A_412 = arith.constant 0 : i32
      %dma_wait3A_413 = arith.constant 0 : i32
      %dma_wait3A_414 = tpu.memref_slice %arg2[%dma_wait3A_412, %dma_wait3A_413] : memref<10000x64xf32, #tpu.memory_space<hbm>> -> memref<10000x64xf32, #tpu.memory_space<hbm>>
      tpu.wait_indirect_dma semaphore(%arg23 : memref<!tpu.dma_semaphore, #tpu.memory_space<semaphore_mem>>) src(%dma_wait3A_414 : memref<10000x64xf32, #tpu.memory_space<hbm>>) dst(%arg14 : memref<80x64xf32, #tpu.memory_space<vmem>>)
      "tpu.region"() ({
        %run_scoped3A_447 = tpu.sem_alloc : memref<!tpu.dma_semaphore, #tpu.memory_space<semaphore_mem>>
        %dma_start3A_448 = arith.constant 0 : i32
        %dma_start3A_449 = tpu.memref_slice %arg7[%add3A_408, %dma_start3A_448] : memref<250x80xi32, #tpu.memory_space<vmem>> -> memref<1x80xi32, #tpu.memory_space<vmem>>
        %dma_start3A_450 = tpu.memref_squeeze %dma_start3A_449 : memref<1x80xi32, #tpu.memory_space<vmem>> -> memref<80xi32, #tpu.memory_space<vmem>>
        %dma_start3A_451 = arith.constant 0 : i32
        %dma_start3A_452 = arith.constant 0 : i32
        %dma_start3A_453 = tpu.memref_slice %arg16[%dma_start3A_451, %dma_start3A_452] : memref<10008x64xf32, #tpu.memory_space<vmem_shared>> -> memref<10008x64xf32, #tpu.memory_space<vmem_shared>>
        tpu.enqueue_indirect_dma source(%arg14 : memref<80x64xf32, #tpu.memory_space<vmem>>) target(%dma_start3A_453 : memref<10008x64xf32, #tpu.memory_space<vmem_shared>>) offsets(%dma_start3A_450 : memref<80xi32, #tpu.memory_space<vmem>>) semaphore(%run_scoped3A_447 : memref<!tpu.dma_semaphore, #tpu.memory_space<semaphore_mem>>) {add = true}
        %dma_wait3A_454 = arith.constant 0 : i32
        %dma_wait3A_455 = tpu.memref_slice %arg7[%add3A_408, %dma_wait3A_454] : memref<250x80xi32, #tpu.memory_space<vmem>> -> memref<1x80xi32, #tpu.memory_space<vmem>>
        %dma_wait3A_456 = tpu.memref_squeeze %dma_wait3A_455 : memref<1x80xi32, #tpu.memory_space<vmem>> -> memref<80xi32, #tpu.memory_space<vmem>>
        %dma_wait3A_457 = arith.constant 0 : i32
        %dma_wait3A_458 = arith.constant 0 : i32
        %dma_wait3A_459 = tpu.memref_slice %arg16[%dma_wait3A_457, %dma_wait3A_458] : memref<10008x64xf32, #tpu.memory_space<vmem_shared>> -> memref<10008x64xf32, #tpu.memory_space<vmem_shared>>
        tpu.wait_indirect_dma semaphore(%run_scoped3A_447 : memref<!tpu.dma_semaphore, #tpu.memory_space<semaphore_mem>>) src(%arg14 : memref<80x64xf32, #tpu.memory_space<vmem>>) dst(%dma_wait3A_459 : memref<10008x64xf32, #tpu.memory_space<vmem_shared>>)
        tpu.yield
      }) : () -> ()
      %add3A_415 = arith.constant 8 : i32
      %add3A_416 = arith.addi %add3A_408, %add3A_415 : i32
      %sub3A_417 = arith.constant 1 : i32
      %sub3A_418 = arith.subi %add3A_416, %sub3A_417 : i32
      %min3A_419 = arith.constant 249 : i32
      %min3A_420 = arith.minsi %sub3A_418, %min3A_419 : i32
      %dma_start3A_421 = arith.constant 0 : i32
      %dma_start3A_422 = tpu.memref_slice %arg6[%min3A_420, %dma_start3A_421] : memref<250x80xi32, #tpu.memory_space<vmem>> -> memref<1x80xi32, #tpu.memory_space<vmem>>
      %dma_start3A_423 = tpu.memref_squeeze %dma_start3A_422 : memref<1x80xi32, #tpu.memory_space<vmem>> -> memref<80xi32, #tpu.memory_space<vmem>>
      %dma_start3A_424 = arith.constant 0 : i32
      %dma_start3A_425 = arith.constant 0 : i32
      %dma_start3A_426 = tpu.memref_slice %arg2[%dma_start3A_424, %dma_start3A_425] : memref<10000x64xf32, #tpu.memory_space<hbm>> -> memref<10000x64xf32, #tpu.memory_space<hbm>>
      tpu.enqueue_indirect_dma source(%dma_start3A_426 : memref<10000x64xf32, #tpu.memory_space<hbm>>) target(%arg13 : memref<80x64xf32, #tpu.memory_space<vmem>>) offsets(%dma_start3A_423 : memref<80xi32, #tpu.memory_space<vmem>>) semaphore(%arg22 : memref<!tpu.dma_semaphore, #tpu.memory_space<semaphore_mem>>)
      %add3A_427 = arith.constant 7 : i32
      %add3A_428 = arith.addi %mul3A_289, %add3A_427 : i32
      %dma_wait3A_429 = arith.constant 0 : i32
      %dma_wait3A_430 = tpu.memref_slice %arg6[%add3A_428, %dma_wait3A_429] : memref<250x80xi32, #tpu.memory_space<vmem>> -> memref<1x80xi32, #tpu.memory_space<vmem>>
      %dma_wait3A_431 = tpu.memref_squeeze %dma_wait3A_430 : memref<1x80xi32, #tpu.memory_space<vmem>> -> memref<80xi32, #tpu.memory_space<vmem>>
      %dma_wait3A_432 = arith.constant 0 : i32
      %dma_wait3A_433 = arith.constant 0 : i32
      %dma_wait3A_434 = tpu.memref_slice %arg2[%dma_wait3A_432, %dma_wait3A_433] : memref<10000x64xf32, #tpu.memory_space<hbm>> -> memref<10000x64xf32, #tpu.memory_space<hbm>>
      tpu.wait_indirect_dma semaphore(%arg24 : memref<!tpu.dma_semaphore, #tpu.memory_space<semaphore_mem>>) src(%dma_wait3A_434 : memref<10000x64xf32, #tpu.memory_space<hbm>>) dst(%arg15 : memref<80x64xf32, #tpu.memory_space<vmem>>)
      "tpu.region"() ({
        %run_scoped3A_447 = tpu.sem_alloc : memref<!tpu.dma_semaphore, #tpu.memory_space<semaphore_mem>>
        %dma_start3A_448 = arith.constant 0 : i32
        %dma_start3A_449 = tpu.memref_slice %arg7[%add3A_428, %dma_start3A_448] : memref<250x80xi32, #tpu.memory_space<vmem>> -> memref<1x80xi32, #tpu.memory_space<vmem>>
        %dma_start3A_450 = tpu.memref_squeeze %dma_start3A_449 : memref<1x80xi32, #tpu.memory_space<vmem>> -> memref<80xi32, #tpu.memory_space<vmem>>
        %dma_start3A_451 = arith.constant 0 : i32
        %dma_start3A_452 = arith.constant 0 : i32
        %dma_start3A_453 = tpu.memref_slice %arg16[%dma_start3A_451, %dma_start3A_452] : memref<10008x64xf32, #tpu.memory_space<vmem_shared>> -> memref<10008x64xf32, #tpu.memory_space<vmem_shared>>
        tpu.enqueue_indirect_dma source(%arg15 : memref<80x64xf32, #tpu.memory_space<vmem>>) target(%dma_start3A_453 : memref<10008x64xf32, #tpu.memory_space<vmem_shared>>) offsets(%dma_start3A_450 : memref<80xi32, #tpu.memory_space<vmem>>) semaphore(%run_scoped3A_447 : memref<!tpu.dma_semaphore, #tpu.memory_space<semaphore_mem>>) {add = true}
        %dma_wait3A_454 = arith.constant 0 : i32
        %dma_wait3A_455 = tpu.memref_slice %arg7[%add3A_428, %dma_wait3A_454] : memref<250x80xi32, #tpu.memory_space<vmem>> -> memref<1x80xi32, #tpu.memory_space<vmem>>
        %dma_wait3A_456 = tpu.memref_squeeze %dma_wait3A_455 : memref<1x80xi32, #tpu.memory_space<vmem>> -> memref<80xi32, #tpu.memory_space<vmem>>
        %dma_wait3A_457 = arith.constant 0 : i32
        %dma_wait3A_458 = arith.constant 0 : i32
        %dma_wait3A_459 = tpu.memref_slice %arg16[%dma_wait3A_457, %dma_wait3A_458] : memref<10008x64xf32, #tpu.memory_space<vmem_shared>> -> memref<10008x64xf32, #tpu.memory_space<vmem_shared>>
        tpu.wait_indirect_dma semaphore(%run_scoped3A_447 : memref<!tpu.dma_semaphore, #tpu.memory_space<semaphore_mem>>) src(%arg15 : memref<80x64xf32, #tpu.memory_space<vmem>>) dst(%dma_wait3A_459 : memref<10008x64xf32, #tpu.memory_space<vmem_shared>>)
        tpu.yield
      }) : () -> ()
      %add3A_435 = arith.constant 8 : i32
      %add3A_436 = arith.addi %add3A_428, %add3A_435 : i32
      %sub3A_437 = arith.constant 1 : i32
      %sub3A_438 = arith.subi %add3A_436, %sub3A_437 : i32
      %min3A_439 = arith.constant 249 : i32
      %min3A_440 = arith.minsi %sub3A_438, %min3A_439 : i32
      %dma_start3A_441 = arith.constant 0 : i32
      %dma_start3A_442 = tpu.memref_slice %arg6[%min3A_440, %dma_start3A_441] : memref<250x80xi32, #tpu.memory_space<vmem>> -> memref<1x80xi32, #tpu.memory_space<vmem>>
      %dma_start3A_443 = tpu.memref_squeeze %dma_start3A_442 : memref<1x80xi32, #tpu.memory_space<vmem>> -> memref<80xi32, #tpu.memory_space<vmem>>
      %dma_start3A_444 = arith.constant 0 : i32
      %dma_start3A_445 = arith.constant 0 : i32
      %dma_start3A_446 = tpu.memref_slice %arg2[%dma_start3A_444, %dma_start3A_445] : memref<10000x64xf32, #tpu.memory_space<hbm>> -> memref<10000x64xf32, #tpu.memory_space<hbm>>
      tpu.enqueue_indirect_dma source(%dma_start3A_446 : memref<10000x64xf32, #tpu.memory_space<hbm>>) target(%arg14 : memref<80x64xf32, #tpu.memory_space<vmem>>) offsets(%dma_start3A_443 : memref<80xi32, #tpu.memory_space<vmem>>) semaphore(%arg23 : memref<!tpu.dma_semaphore, #tpu.memory_space<semaphore_mem>>)
    }
    %scan3A_55 = arith.constant 31 : i32
    %dma_wait3A = arith.constant 248 : i32
    %dma_wait3A_56 = arith.constant 0 : i32
    %dma_wait3A_57 = tpu.memref_slice %arg6[%dma_wait3A, %dma_wait3A_56] : memref<250x80xi32, #tpu.memory_space<vmem>> -> memref<1x80xi32, #tpu.memory_space<vmem>>
    %dma_wait3A_58 = tpu.memref_squeeze %dma_wait3A_57 : memref<1x80xi32, #tpu.memory_space<vmem>> -> memref<80xi32, #tpu.memory_space<vmem>>
    %dma_wait3A_59 = arith.constant 0 : i32
    %dma_wait3A_60 = arith.constant 0 : i32
    %dma_wait3A_61 = tpu.memref_slice %arg2[%dma_wait3A_59, %dma_wait3A_60] : memref<10000x64xf32, #tpu.memory_space<hbm>> -> memref<10000x64xf32, #tpu.memory_space<hbm>>
    tpu.wait_indirect_dma semaphore(%arg17 : memref<!tpu.dma_semaphore, #tpu.memory_space<semaphore_mem>>) src(%dma_wait3A_61 : memref<10000x64xf32, #tpu.memory_space<hbm>>) dst(%arg8 : memref<80x64xf32, #tpu.memory_space<vmem>>)
    %run_scoped3A_62 = arith.constant 248 : i32
    "tpu.region"() ({
      %run_scoped3A_287 = tpu.sem_alloc : memref<!tpu.dma_semaphore, #tpu.memory_space<semaphore_mem>>
      %dma_start3A_288 = arith.constant 0 : i32
      %dma_start3A_289 = tpu.memref_slice %arg7[%run_scoped3A_62, %dma_start3A_288] : memref<250x80xi32, #tpu.memory_space<vmem>> -> memref<1x80xi32, #tpu.memory_space<vmem>>
      %dma_start3A_290 = tpu.memref_squeeze %dma_start3A_289 : memref<1x80xi32, #tpu.memory_space<vmem>> -> memref<80xi32, #tpu.memory_space<vmem>>
      %dma_start3A_291 = arith.constant 0 : i32
      %dma_start3A_292 = arith.constant 0 : i32
      %dma_start3A_293 = tpu.memref_slice %arg16[%dma_start3A_291, %dma_start3A_292] : memref<10008x64xf32, #tpu.memory_space<vmem_shared>> -> memref<10008x64xf32, #tpu.memory_space<vmem_shared>>
      tpu.enqueue_indirect_dma source(%arg8 : memref<80x64xf32, #tpu.memory_space<vmem>>) target(%dma_start3A_293 : memref<10008x64xf32, #tpu.memory_space<vmem_shared>>) offsets(%dma_start3A_290 : memref<80xi32, #tpu.memory_space<vmem>>) semaphore(%run_scoped3A_287 : memref<!tpu.dma_semaphore, #tpu.memory_space<semaphore_mem>>) {add = true}
      %dma_wait3A_294 = arith.constant 0 : i32
      %dma_wait3A_295 = tpu.memref_slice %arg7[%run_scoped3A_62, %dma_wait3A_294] : memref<250x80xi32, #tpu.memory_space<vmem>> -> memref<1x80xi32, #tpu.memory_space<vmem>>
      %dma_wait3A_296 = tpu.memref_squeeze %dma_wait3A_295 : memref<1x80xi32, #tpu.memory_space<vmem>> -> memref<80xi32, #tpu.memory_space<vmem>>
      %dma_wait3A_297 = arith.constant 0 : i32
      %dma_wait3A_298 = arith.constant 0 : i32
      %dma_wait3A_299 = tpu.memref_slice %arg16[%dma_wait3A_297, %dma_wait3A_298] : memref<10008x64xf32, #tpu.memory_space<vmem_shared>> -> memref<10008x64xf32, #tpu.memory_space<vmem_shared>>
      tpu.wait_indirect_dma semaphore(%run_scoped3A_287 : memref<!tpu.dma_semaphore, #tpu.memory_space<semaphore_mem>>) src(%arg8 : memref<80x64xf32, #tpu.memory_space<vmem>>) dst(%dma_wait3A_299 : memref<10008x64xf32, #tpu.memory_space<vmem_shared>>)
      tpu.yield
    }) : () -> ()
    %dma_start3A_63 = arith.constant 249 : i32
    %dma_start3A_64 = arith.constant 0 : i32
    %dma_start3A_65 = tpu.memref_slice %arg6[%dma_start3A_63, %dma_start3A_64] : memref<250x80xi32, #tpu.memory_space<vmem>> -> memref<1x80xi32, #tpu.memory_space<vmem>>
    %dma_start3A_66 = tpu.memref_squeeze %dma_start3A_65 : memref<1x80xi32, #tpu.memory_space<vmem>> -> memref<80xi32, #tpu.memory_space<vmem>>
    %dma_start3A_67 = arith.constant 0 : i32
    %dma_start3A_68 = arith.constant 0 : i32
    %dma_start3A_69 = tpu.memref_slice %arg2[%dma_start3A_67, %dma_start3A_68] : memref<10000x64xf32, #tpu.memory_space<hbm>> -> memref<10000x64xf32, #tpu.memory_space<hbm>>
    tpu.enqueue_indirect_dma source(%dma_start3A_69 : memref<10000x64xf32, #tpu.memory_space<hbm>>) target(%arg15 : memref<80x64xf32, #tpu.memory_space<vmem>>) offsets(%dma_start3A_66 : memref<80xi32, #tpu.memory_space<vmem>>) semaphore(%arg24 : memref<!tpu.dma_semaphore, #tpu.memory_space<semaphore_mem>>)
    %dma_wait3A_70 = arith.constant 249 : i32
    %dma_wait3A_71 = arith.constant 0 : i32
    %dma_wait3A_72 = tpu.memref_slice %arg6[%dma_wait3A_70, %dma_wait3A_71] : memref<250x80xi32, #tpu.memory_space<vmem>> -> memref<1x80xi32, #tpu.memory_space<vmem>>
    %dma_wait3A_73 = tpu.memref_squeeze %dma_wait3A_72 : memref<1x80xi32, #tpu.memory_space<vmem>> -> memref<80xi32, #tpu.memory_space<vmem>>
    %dma_wait3A_74 = arith.constant 0 : i32
    %dma_wait3A_75 = arith.constant 0 : i32
    %dma_wait3A_76 = tpu.memref_slice %arg2[%dma_wait3A_74, %dma_wait3A_75] : memref<10000x64xf32, #tpu.memory_space<hbm>> -> memref<10000x64xf32, #tpu.memory_space<hbm>>
    tpu.wait_indirect_dma semaphore(%arg18 : memref<!tpu.dma_semaphore, #tpu.memory_space<semaphore_mem>>) src(%dma_wait3A_76 : memref<10000x64xf32, #tpu.memory_space<hbm>>) dst(%arg9 : memref<80x64xf32, #tpu.memory_space<vmem>>)
    %run_scoped3A_77 = arith.constant 249 : i32
    "tpu.region"() ({
      %run_scoped3A_287 = tpu.sem_alloc : memref<!tpu.dma_semaphore, #tpu.memory_space<semaphore_mem>>
      %dma_start3A_288 = arith.constant 0 : i32
      %dma_start3A_289 = tpu.memref_slice %arg7[%run_scoped3A_77, %dma_start3A_288] : memref<250x80xi32, #tpu.memory_space<vmem>> -> memref<1x80xi32, #tpu.memory_space<vmem>>
      %dma_start3A_290 = tpu.memref_squeeze %dma_start3A_289 : memref<1x80xi32, #tpu.memory_space<vmem>> -> memref<80xi32, #tpu.memory_space<vmem>>
      %dma_start3A_291 = arith.constant 0 : i32
      %dma_start3A_292 = arith.constant 0 : i32
      %dma_start3A_293 = tpu.memref_slice %arg16[%dma_start3A_291, %dma_start3A_292] : memref<10008x64xf32, #tpu.memory_space<vmem_shared>> -> memref<10008x64xf32, #tpu.memory_space<vmem_shared>>
      tpu.enqueue_indirect_dma source(%arg9 : memref<80x64xf32, #tpu.memory_space<vmem>>) target(%dma_start3A_293 : memref<10008x64xf32, #tpu.memory_space<vmem_shared>>) offsets(%dma_start3A_290 : memref<80xi32, #tpu.memory_space<vmem>>) semaphore(%run_scoped3A_287 : memref<!tpu.dma_semaphore, #tpu.memory_space<semaphore_mem>>) {add = true}
      %dma_wait3A_294 = arith.constant 0 : i32
      %dma_wait3A_295 = tpu.memref_slice %arg7[%run_scoped3A_77, %dma_wait3A_294] : memref<250x80xi32, #tpu.memory_space<vmem>> -> memref<1x80xi32, #tpu.memory_space<vmem>>
      %dma_wait3A_296 = tpu.memref_squeeze %dma_wait3A_295 : memref<1x80xi32, #tpu.memory_space<vmem>> -> memref<80xi32, #tpu.memory_space<vmem>>
      %dma_wait3A_297 = arith.constant 0 : i32
      %dma_wait3A_298 = arith.constant 0 : i32
      %dma_wait3A_299 = tpu.memref_slice %arg16[%dma_wait3A_297, %dma_wait3A_298] : memref<10008x64xf32, #tpu.memory_space<vmem_shared>> -> memref<10008x64xf32, #tpu.memory_space<vmem_shared>>
      tpu.wait_indirect_dma semaphore(%run_scoped3A_287 : memref<!tpu.dma_semaphore, #tpu.memory_space<semaphore_mem>>) src(%arg9 : memref<80x64xf32, #tpu.memory_space<vmem>>) dst(%dma_wait3A_299 : memref<10008x64xf32, #tpu.memory_space<vmem_shared>>)
      tpu.yield
    }) : () -> ()
    %dma_start3A_78 = arith.constant 249 : i32
    %dma_start3A_79 = arith.constant 0 : i32
    %dma_start3A_80 = tpu.memref_slice %arg6[%dma_start3A_78, %dma_start3A_79] : memref<250x80xi32, #tpu.memory_space<vmem>> -> memref<1x80xi32, #tpu.memory_space<vmem>>
    %dma_start3A_81 = tpu.memref_squeeze %dma_start3A_80 : memref<1x80xi32, #tpu.memory_space<vmem>> -> memref<80xi32, #tpu.memory_space<vmem>>
    %dma_start3A_82 = arith.constant 0 : i32
    %dma_start3A_83 = arith.constant 0 : i32
    %dma_start3A_84 = tpu.memref_slice %arg2[%dma_start3A_82, %dma_start3A_83] : memref<10000x64xf32, #tpu.memory_space<hbm>> -> memref<10000x64xf32, #tpu.memory_space<hbm>>
    tpu.enqueue_indirect_dma source(%dma_start3A_84 : memref<10000x64xf32, #tpu.memory_space<hbm>>) target(%arg8 : memref<80x64xf32, #tpu.memory_space<vmem>>) offsets(%dma_start3A_81 : memref<80xi32, #tpu.memory_space<vmem>>) semaphore(%arg17 : memref<!tpu.dma_semaphore, #tpu.memory_space<semaphore_mem>>)
    %dma_wait3A_85 = arith.constant 249 : i32
    %dma_wait3A_86 = arith.constant 0 : i32
    %dma_wait3A_87 = tpu.memref_slice %arg6[%dma_wait3A_85, %dma_wait3A_86] : memref<250x80xi32, #tpu.memory_space<vmem>> -> memref<1x80xi32, #tpu.memory_space<vmem>>
    %dma_wait3A_88 = tpu.memref_squeeze %dma_wait3A_87 : memref<1x80xi32, #tpu.memory_space<vmem>> -> memref<80xi32, #tpu.memory_space<vmem>>
    %dma_wait3A_89 = arith.constant 0 : i32
    %dma_wait3A_90 = arith.constant 0 : i32
    %dma_wait3A_91 = tpu.memref_slice %arg2[%dma_wait3A_89, %dma_wait3A_90] : memref<10000x64xf32, #tpu.memory_space<hbm>> -> memref<10000x64xf32, #tpu.memory_space<hbm>>
    tpu.wait_indirect_dma semaphore(%arg19 : memref<!tpu.dma_semaphore, #tpu.memory_space<semaphore_mem>>) src(%dma_wait3A_91 : memref<10000x64xf32, #tpu.memory_space<hbm>>) dst(%arg10 : memref<80x64xf32, #tpu.memory_space<vmem>>)
    %dma_wait3A_92 = arith.constant 249 : i32
    %dma_wait3A_93 = arith.constant 0 : i32
    %dma_wait3A_94 = tpu.memref_slice %arg6[%dma_wait3A_92, %dma_wait3A_93] : memref<250x80xi32, #tpu.memory_space<vmem>> -> memref<1x80xi32, #tpu.memory_space<vmem>>
    %dma_wait3A_95 = tpu.memref_squeeze %dma_wait3A_94 : memref<1x80xi32, #tpu.memory_space<vmem>> -> memref<80xi32, #tpu.memory_space<vmem>>
    %dma_wait3A_96 = arith.constant 0 : i32
    %dma_wait3A_97 = arith.constant 0 : i32
    %dma_wait3A_98 = tpu.memref_slice %arg2[%dma_wait3A_96, %dma_wait3A_97] : memref<10000x64xf32, #tpu.memory_space<hbm>> -> memref<10000x64xf32, #tpu.memory_space<hbm>>
    tpu.wait_indirect_dma semaphore(%arg20 : memref<!tpu.dma_semaphore, #tpu.memory_space<semaphore_mem>>) src(%dma_wait3A_98 : memref<10000x64xf32, #tpu.memory_space<hbm>>) dst(%arg11 : memref<80x64xf32, #tpu.memory_space<vmem>>)
    %dma_wait3A_99 = arith.constant 249 : i32
    %dma_wait3A_100 = arith.constant 0 : i32
    %dma_wait3A_101 = tpu.memref_slice %arg6[%dma_wait3A_99, %dma_wait3A_100] : memref<250x80xi32, #tpu.memory_space<vmem>> -> memref<1x80xi32, #tpu.memory_space<vmem>>
    %dma_wait3A_102 = tpu.memref_squeeze %dma_wait3A_101 : memref<1x80xi32, #tpu.memory_space<vmem>> -> memref<80xi32, #tpu.memory_space<vmem>>
    %dma_wait3A_103 = arith.constant 0 : i32
    %dma_wait3A_104 = arith.constant 0 : i32
    %dma_wait3A_105 = tpu.memref_slice %arg2[%dma_wait3A_103, %dma_wait3A_104] : memref<10000x64xf32, #tpu.memory_space<hbm>> -> memref<10000x64xf32, #tpu.memory_space<hbm>>
    tpu.wait_indirect_dma semaphore(%arg21 : memref<!tpu.dma_semaphore, #tpu.memory_space<semaphore_mem>>) src(%dma_wait3A_105 : memref<10000x64xf32, #tpu.memory_space<hbm>>) dst(%arg12 : memref<80x64xf32, #tpu.memory_space<vmem>>)
    %dma_wait3A_106 = arith.constant 249 : i32
    %dma_wait3A_107 = arith.constant 0 : i32
    %dma_wait3A_108 = tpu.memref_slice %arg6[%dma_wait3A_106, %dma_wait3A_107] : memref<250x80xi32, #tpu.memory_space<vmem>> -> memref<1x80xi32, #tpu.memory_space<vmem>>
    %dma_wait3A_109 = tpu.memref_squeeze %dma_wait3A_108 : memref<1x80xi32, #tpu.memory_space<vmem>> -> memref<80xi32, #tpu.memory_space<vmem>>
    %dma_wait3A_110 = arith.constant 0 : i32
    %dma_wait3A_111 = arith.constant 0 : i32
    %dma_wait3A_112 = tpu.memref_slice %arg2[%dma_wait3A_110, %dma_wait3A_111] : memref<10000x64xf32, #tpu.memory_space<hbm>> -> memref<10000x64xf32, #tpu.memory_space<hbm>>
    tpu.wait_indirect_dma semaphore(%arg22 : memref<!tpu.dma_semaphore, #tpu.memory_space<semaphore_mem>>) src(%dma_wait3A_112 : memref<10000x64xf32, #tpu.memory_space<hbm>>) dst(%arg13 : memref<80x64xf32, #tpu.memory_space<vmem>>)
    %dma_wait3A_113 = arith.constant 249 : i32
    %dma_wait3A_114 = arith.constant 0 : i32
    %dma_wait3A_115 = tpu.memref_slice %arg6[%dma_wait3A_113, %dma_wait3A_114] : memref<250x80xi32, #tpu.memory_space<vmem>> -> memref<1x80xi32, #tpu.memory_space<vmem>>
    %dma_wait3A_116 = tpu.memref_squeeze %dma_wait3A_115 : memref<1x80xi32, #tpu.memory_space<vmem>> -> memref<80xi32, #tpu.memory_space<vmem>>
    %dma_wait3A_117 = arith.constant 0 : i32
    %dma_wait3A_118 = arith.constant 0 : i32
    %dma_wait3A_119 = tpu.memref_slice %arg2[%dma_wait3A_117, %dma_wait3A_118] : memref<10000x64xf32, #tpu.memory_space<hbm>> -> memref<10000x64xf32, #tpu.memory_space<hbm>>
    tpu.wait_indirect_dma semaphore(%arg23 : memref<!tpu.dma_semaphore, #tpu.memory_space<semaphore_mem>>) src(%dma_wait3A_119 : memref<10000x64xf32, #tpu.memory_space<hbm>>) dst(%arg14 : memref<80x64xf32, #tpu.memory_space<vmem>>)
    %dma_wait3A_120 = arith.constant 249 : i32
    %dma_wait3A_121 = arith.constant 0 : i32
    %dma_wait3A_122 = tpu.memref_slice %arg6[%dma_wait3A_120, %dma_wait3A_121] : memref<250x80xi32, #tpu.memory_space<vmem>> -> memref<1x80xi32, #tpu.memory_space<vmem>>
    %dma_wait3A_123 = tpu.memref_squeeze %dma_wait3A_122 : memref<1x80xi32, #tpu.memory_space<vmem>> -> memref<80xi32, #tpu.memory_space<vmem>>
    %dma_wait3A_124 = arith.constant 0 : i32
    %dma_wait3A_125 = arith.constant 0 : i32
    %dma_wait3A_126 = tpu.memref_slice %arg2[%dma_wait3A_124, %dma_wait3A_125] : memref<10000x64xf32, #tpu.memory_space<hbm>> -> memref<10000x64xf32, #tpu.memory_space<hbm>>
    tpu.wait_indirect_dma semaphore(%arg24 : memref<!tpu.dma_semaphore, #tpu.memory_space<semaphore_mem>>) src(%dma_wait3A_126 : memref<10000x64xf32, #tpu.memory_space<hbm>>) dst(%arg15 : memref<80x64xf32, #tpu.memory_space<vmem>>)
    %dma_wait3A_127 = arith.constant 249 : i32
    %dma_wait3A_128 = arith.constant 0 : i32
    %dma_wait3A_129 = tpu.memref_slice %arg6[%dma_wait3A_127, %dma_wait3A_128] : memref<250x80xi32, #tpu.memory_space<vmem>> -> memref<1x80xi32, #tpu.memory_space<vmem>>
    %dma_wait3A_130 = tpu.memref_squeeze %dma_wait3A_129 : memref<1x80xi32, #tpu.memory_space<vmem>> -> memref<80xi32, #tpu.memory_space<vmem>>
    %dma_wait3A_131 = arith.constant 0 : i32
    %dma_wait3A_132 = arith.constant 0 : i32
    %dma_wait3A_133 = tpu.memref_slice %arg2[%dma_wait3A_131, %dma_wait3A_132] : memref<10000x64xf32, #tpu.memory_space<hbm>> -> memref<10000x64xf32, #tpu.memory_space<hbm>>
    tpu.wait_indirect_dma semaphore(%arg17 : memref<!tpu.dma_semaphore, #tpu.memory_space<semaphore_mem>>) src(%dma_wait3A_133 : memref<10000x64xf32, #tpu.memory_space<hbm>>) dst(%arg8 : memref<80x64xf32, #tpu.memory_space<vmem>>)
    %barrier3A_134 = arith.constant 0 : index
    tpu.barrier barrier_id(%barrier3A_134)
    %run_scoped3A_135 = arith.constant 0 : i32
    "tpu.region"() ({
      %run_scoped3A_287 = tpu.sem_alloc : memref<!tpu.dma_semaphore, #tpu.memory_space<semaphore_mem>>
      %dma_start3A_288 = arith.constant 0 : i32
      %dma_start3A_289 = tpu.memref_slice %arg5[%arg0, %run_scoped3A_135, %mul3A_1, %dma_start3A_288] : memref<2x2x10000x64xf32, #tpu.memory_space<hbm>> -> memref<1x1x624x64xf32, #tpu.memory_space<hbm>>
      %dma_start3A_290 = tpu.memref_squeeze %dma_start3A_289 : memref<1x1x624x64xf32, #tpu.memory_space<hbm>> -> memref<624x64xf32, #tpu.memory_space<hbm>>
      %dma_start3A_291 = arith.constant 0 : i32
      %dma_start3A_292 = tpu.memref_slice %arg16[%mul3A_1, %dma_start3A_291] : memref<10008x64xf32, #tpu.memory_space<vmem_shared>> -> memref<624x64xf32, #tpu.memory_space<vmem_shared>>
      tpu.enqueue_dma source(%dma_start3A_292 : memref<624x64xf32, #tpu.memory_space<vmem_shared>>) target(%dma_start3A_290 : memref<624x64xf32, #tpu.memory_space<hbm>>) target_semaphore(%run_scoped3A_287 : memref<!tpu.dma_semaphore, #tpu.memory_space<semaphore_mem>>)
      %dma_wait3A_293 = arith.constant 0 : i32
      %dma_wait3A_294 = tpu.memref_slice %arg5[%arg0, %run_scoped3A_135, %mul3A_1, %dma_wait3A_293] : memref<2x2x10000x64xf32, #tpu.memory_space<hbm>> -> memref<1x1x624x64xf32, #tpu.memory_space<hbm>>
      %dma_wait3A_295 = tpu.memref_squeeze %dma_wait3A_294 : memref<1x1x624x64xf32, #tpu.memory_space<hbm>> -> memref<624x64xf32, #tpu.memory_space<hbm>>
      %dma_wait3A_296 = arith.constant 0 : i32
      %dma_wait3A_297 = tpu.memref_slice %arg16[%mul3A_1, %dma_wait3A_296] : memref<10008x64xf32, #tpu.memory_space<vmem_shared>> -> memref<624x64xf32, #tpu.memory_space<vmem_shared>>
      tpu.wait_dma2 semaphore(%run_scoped3A_287 : memref<!tpu.dma_semaphore, #tpu.memory_space<semaphore_mem>>) src(%dma_wait3A_297 : memref<624x64xf32, #tpu.memory_space<vmem_shared>>) dst(%dma_wait3A_295 : memref<624x64xf32, #tpu.memory_space<hbm>>)
      tpu.yield
    }) : () -> ()
    %eq3A_136 = arith.constant 15 : i32
    %eq3A_137 = arith.cmpi eq, %arg1, %eq3A_136 : i32
    %convert_element_type3A_138 = arith.extui %eq3A_137 : i1 to i32
    %cond3A_139 = arith.constant 0 : i32
    %cond3A_140 = arith.cmpi ne, %convert_element_type3A_138, %cond3A_139 : i32
    scf.if %cond3A_140 {
      %run_scoped3A_287 = arith.constant 0 : i32
      "tpu.region"() ({
        %run_scoped3A_288 = tpu.sem_alloc : memref<!tpu.dma_semaphore, #tpu.memory_space<semaphore_mem>>
        %dma_start3A_289 = arith.constant 9984 : i32
        %dma_start3A_290 = arith.constant 0 : i32
        %dma_start3A_291 = tpu.memref_slice %arg5[%arg0, %run_scoped3A_287, %dma_start3A_289, %dma_start3A_290] : memref<2x2x10000x64xf32, #tpu.memory_space<hbm>> -> memref<1x1x16x64xf32, #tpu.memory_space<hbm>>
        %dma_start3A_292 = tpu.memref_squeeze %dma_start3A_291 : memref<1x1x16x64xf32, #tpu.memory_space<hbm>> -> memref<16x64xf32, #tpu.memory_space<hbm>>
        %dma_start3A_293 = arith.constant 9984 : i32
        %dma_start3A_294 = arith.constant 0 : i32
        %dma_start3A_295 = tpu.memref_slice %arg16[%dma_start3A_293, %dma_start3A_294] : memref<10008x64xf32, #tpu.memory_space<vmem_shared>> -> memref<16x64xf32, #tpu.memory_space<vmem_shared>>
        tpu.enqueue_dma source(%dma_start3A_295 : memref<16x64xf32, #tpu.memory_space<vmem_shared>>) target(%dma_start3A_292 : memref<16x64xf32, #tpu.memory_space<hbm>>) target_semaphore(%run_scoped3A_288 : memref<!tpu.dma_semaphore, #tpu.memory_space<semaphore_mem>>)
        %dma_wait3A_296 = arith.constant 9984 : i32
        %dma_wait3A_297 = arith.constant 0 : i32
        %dma_wait3A_298 = tpu.memref_slice %arg5[%arg0, %run_scoped3A_287, %dma_wait3A_296, %dma_wait3A_297] : memref<2x2x10000x64xf32, #tpu.memory_space<hbm>> -> memref<1x1x16x64xf32, #tpu.memory_space<hbm>>
        %dma_wait3A_299 = tpu.memref_squeeze %dma_wait3A_298 : memref<1x1x16x64xf32, #tpu.memory_space<hbm>> -> memref<16x64xf32, #tpu.memory_space<hbm>>
        %dma_wait3A_300 = arith.constant 9984 : i32
        %dma_wait3A_301 = arith.constant 0 : i32
        %dma_wait3A_302 = tpu.memref_slice %arg16[%dma_wait3A_300, %dma_wait3A_301] : memref<10008x64xf32, #tpu.memory_space<vmem_shared>> -> memref<16x64xf32, #tpu.memory_space<vmem_shared>>
        tpu.wait_dma2 semaphore(%run_scoped3A_288 : memref<!tpu.dma_semaphore, #tpu.memory_space<semaphore_mem>>) src(%dma_wait3A_302 : memref<16x64xf32, #tpu.memory_space<vmem_shared>>) dst(%dma_wait3A_299 : memref<16x64xf32, #tpu.memory_space<hbm>>)
        tpu.yield
      }) : () -> ()
    } else {
    }
    "tpu.region"() ({
      %run_scoped3A_287 = tpu.sem_alloc : memref<!tpu.dma_semaphore, #tpu.memory_space<semaphore_mem>>
      %dma_start3A_288 = arith.constant 0 : i32
      %dma_start3A_289 = tpu.memref_slice %arg16[%mul3A_1, %dma_start3A_288] : memref<10008x64xf32, #tpu.memory_space<vmem_shared>> -> memref<624x64xf32, #tpu.memory_space<vmem_shared>>
      %dma_start3A_290 = arith.constant 0 : i32
      %dma_start3A_291 = tpu.memref_slice %arg3[%mul3A_1, %dma_start3A_290] : memref<10000x64xf32, #tpu.memory_space<hbm>> -> memref<624x64xf32, #tpu.memory_space<hbm>>
      tpu.enqueue_dma source(%dma_start3A_291 : memref<624x64xf32, #tpu.memory_space<hbm>>) target(%dma_start3A_289 : memref<624x64xf32, #tpu.memory_space<vmem_shared>>) target_semaphore(%run_scoped3A_287 : memref<!tpu.dma_semaphore, #tpu.memory_space<semaphore_mem>>)
      %dma_wait3A_292 = arith.constant 0 : i32
      %dma_wait3A_293 = tpu.memref_slice %arg16[%mul3A_1, %dma_wait3A_292] : memref<10008x64xf32, #tpu.memory_space<vmem_shared>> -> memref<624x64xf32, #tpu.memory_space<vmem_shared>>
      %dma_wait3A_294 = arith.constant 0 : i32
      %dma_wait3A_295 = tpu.memref_slice %arg3[%mul3A_1, %dma_wait3A_294] : memref<10000x64xf32, #tpu.memory_space<hbm>> -> memref<624x64xf32, #tpu.memory_space<hbm>>
      tpu.wait_dma2 semaphore(%run_scoped3A_287 : memref<!tpu.dma_semaphore, #tpu.memory_space<semaphore_mem>>) src(%dma_wait3A_295 : memref<624x64xf32, #tpu.memory_space<hbm>>) dst(%dma_wait3A_293 : memref<624x64xf32, #tpu.memory_space<vmem_shared>>)
      tpu.yield
    }) : () -> ()
    %eq3A_141 = arith.constant 15 : i32
    %eq3A_142 = arith.cmpi eq, %arg1, %eq3A_141 : i32
    %convert_element_type3A_143 = arith.extui %eq3A_142 : i1 to i32
    %cond3A_144 = arith.constant 0 : i32
    %cond3A_145 = arith.cmpi ne, %convert_element_type3A_143, %cond3A_144 : i32
    scf.if %cond3A_145 {
      "tpu.region"() ({
        %run_scoped3A_287 = tpu.sem_alloc : memref<!tpu.dma_semaphore, #tpu.memory_space<semaphore_mem>>
        %dma_start3A_288 = arith.constant 9984 : i32
        %dma_start3A_289 = arith.constant 0 : i32
        %dma_start3A_290 = tpu.memref_slice %arg16[%dma_start3A_288, %dma_start3A_289] : memref<10008x64xf32, #tpu.memory_space<vmem_shared>> -> memref<16x64xf32, #tpu.memory_space<vmem_shared>>
        %dma_start3A_291 = arith.constant 9984 : i32
        %dma_start3A_292 = arith.constant 0 : i32
        %dma_start3A_293 = tpu.memref_slice %arg3[%dma_start3A_291, %dma_start3A_292] : memref<10000x64xf32, #tpu.memory_space<hbm>> -> memref<16x64xf32, #tpu.memory_space<hbm>>
        tpu.enqueue_dma source(%dma_start3A_293 : memref<16x64xf32, #tpu.memory_space<hbm>>) target(%dma_start3A_290 : memref<16x64xf32, #tpu.memory_space<vmem_shared>>) target_semaphore(%run_scoped3A_287 : memref<!tpu.dma_semaphore, #tpu.memory_space<semaphore_mem>>)
        %dma_wait3A_294 = arith.constant 9984 : i32
        %dma_wait3A_295 = arith.constant 0 : i32
        %dma_wait3A_296 = tpu.memref_slice %arg16[%dma_wait3A_294, %dma_wait3A_295] : memref<10008x64xf32, #tpu.memory_space<vmem_shared>> -> memref<16x64xf32, #tpu.memory_space<vmem_shared>>
        %dma_wait3A_297 = arith.constant 9984 : i32
        %dma_wait3A_298 = arith.constant 0 : i32
        %dma_wait3A_299 = tpu.memref_slice %arg3[%dma_wait3A_297, %dma_wait3A_298] : memref<10000x64xf32, #tpu.memory_space<hbm>> -> memref<16x64xf32, #tpu.memory_space<hbm>>
        tpu.wait_dma2 semaphore(%run_scoped3A_287 : memref<!tpu.dma_semaphore, #tpu.memory_space<semaphore_mem>>) src(%dma_wait3A_299 : memref<16x64xf32, #tpu.memory_space<hbm>>) dst(%dma_wait3A_296 : memref<16x64xf32, #tpu.memory_space<vmem_shared>>)
        tpu.yield
      }) : () -> ()
    } else {
    }
    %barrier3A_146 = arith.constant 0 : index
    tpu.barrier barrier_id(%barrier3A_146)
    %dma_start3A_147 = arith.constant 0 : i32
    %dma_start3A_148 = arith.constant 0 : i32
    %dma_start3A_149 = tpu.memref_slice %arg6[%dma_start3A_147, %dma_start3A_148] : memref<250x80xi32, #tpu.memory_space<vmem>> -> memref<1x80xi32, #tpu.memory_space<vmem>>
    %dma_start3A_150 = tpu.memref_squeeze %dma_start3A_149 : memref<1x80xi32, #tpu.memory_space<vmem>> -> memref<80xi32, #tpu.memory_space<vmem>>
    %dma_start3A_151 = arith.constant 0 : i32
    %dma_start3A_152 = arith.constant 0 : i32
    %dma_start3A_153 = tpu.memref_slice %arg3[%dma_start3A_151, %dma_start3A_152] : memref<10000x64xf32, #tpu.memory_space<hbm>> -> memref<10000x64xf32, #tpu.memory_space<hbm>>
    tpu.enqueue_indirect_dma source(%dma_start3A_153 : memref<10000x64xf32, #tpu.memory_space<hbm>>) target(%arg8 : memref<80x64xf32, #tpu.memory_space<vmem>>) offsets(%dma_start3A_150 : memref<80xi32, #tpu.memory_space<vmem>>) semaphore(%arg17 : memref<!tpu.dma_semaphore, #tpu.memory_space<semaphore_mem>>)
    %dma_start3A_154 = arith.constant 1 : i32
    %dma_start3A_155 = arith.constant 0 : i32
    %dma_start3A_156 = tpu.memref_slice %arg6[%dma_start3A_154, %dma_start3A_155] : memref<250x80xi32, #tpu.memory_space<vmem>> -> memref<1x80xi32, #tpu.memory_space<vmem>>
    %dma_start3A_157 = tpu.memref_squeeze %dma_start3A_156 : memref<1x80xi32, #tpu.memory_space<vmem>> -> memref<80xi32, #tpu.memory_space<vmem>>
    %dma_start3A_158 = arith.constant 0 : i32
    %dma_start3A_159 = arith.constant 0 : i32
    %dma_start3A_160 = tpu.memref_slice %arg3[%dma_start3A_158, %dma_start3A_159] : memref<10000x64xf32, #tpu.memory_space<hbm>> -> memref<10000x64xf32, #tpu.memory_space<hbm>>
    tpu.enqueue_indirect_dma source(%dma_start3A_160 : memref<10000x64xf32, #tpu.memory_space<hbm>>) target(%arg9 : memref<80x64xf32, #tpu.memory_space<vmem>>) offsets(%dma_start3A_157 : memref<80xi32, #tpu.memory_space<vmem>>) semaphore(%arg18 : memref<!tpu.dma_semaphore, #tpu.memory_space<semaphore_mem>>)
    %dma_start3A_161 = arith.constant 2 : i32
    %dma_start3A_162 = arith.constant 0 : i32
    %dma_start3A_163 = tpu.memref_slice %arg6[%dma_start3A_161, %dma_start3A_162] : memref<250x80xi32, #tpu.memory_space<vmem>> -> memref<1x80xi32, #tpu.memory_space<vmem>>
    %dma_start3A_164 = tpu.memref_squeeze %dma_start3A_163 : memref<1x80xi32, #tpu.memory_space<vmem>> -> memref<80xi32, #tpu.memory_space<vmem>>
    %dma_start3A_165 = arith.constant 0 : i32
    %dma_start3A_166 = arith.constant 0 : i32
    %dma_start3A_167 = tpu.memref_slice %arg3[%dma_start3A_165, %dma_start3A_166] : memref<10000x64xf32, #tpu.memory_space<hbm>> -> memref<10000x64xf32, #tpu.memory_space<hbm>>
    tpu.enqueue_indirect_dma source(%dma_start3A_167 : memref<10000x64xf32, #tpu.memory_space<hbm>>) target(%arg10 : memref<80x64xf32, #tpu.memory_space<vmem>>) offsets(%dma_start3A_164 : memref<80xi32, #tpu.memory_space<vmem>>) semaphore(%arg19 : memref<!tpu.dma_semaphore, #tpu.memory_space<semaphore_mem>>)
    %dma_start3A_168 = arith.constant 3 : i32
    %dma_start3A_169 = arith.constant 0 : i32
    %dma_start3A_170 = tpu.memref_slice %arg6[%dma_start3A_168, %dma_start3A_169] : memref<250x80xi32, #tpu.memory_space<vmem>> -> memref<1x80xi32, #tpu.memory_space<vmem>>
    %dma_start3A_171 = tpu.memref_squeeze %dma_start3A_170 : memref<1x80xi32, #tpu.memory_space<vmem>> -> memref<80xi32, #tpu.memory_space<vmem>>
    %dma_start3A_172 = arith.constant 0 : i32
    %dma_start3A_173 = arith.constant 0 : i32
    %dma_start3A_174 = tpu.memref_slice %arg3[%dma_start3A_172, %dma_start3A_173] : memref<10000x64xf32, #tpu.memory_space<hbm>> -> memref<10000x64xf32, #tpu.memory_space<hbm>>
    tpu.enqueue_indirect_dma source(%dma_start3A_174 : memref<10000x64xf32, #tpu.memory_space<hbm>>) target(%arg11 : memref<80x64xf32, #tpu.memory_space<vmem>>) offsets(%dma_start3A_171 : memref<80xi32, #tpu.memory_space<vmem>>) semaphore(%arg20 : memref<!tpu.dma_semaphore, #tpu.memory_space<semaphore_mem>>)
    %dma_start3A_175 = arith.constant 4 : i32
    %dma_start3A_176 = arith.constant 0 : i32
    %dma_start3A_177 = tpu.memref_slice %arg6[%dma_start3A_175, %dma_start3A_176] : memref<250x80xi32, #tpu.memory_space<vmem>> -> memref<1x80xi32, #tpu.memory_space<vmem>>
    %dma_start3A_178 = tpu.memref_squeeze %dma_start3A_177 : memref<1x80xi32, #tpu.memory_space<vmem>> -> memref<80xi32, #tpu.memory_space<vmem>>
    %dma_start3A_179 = arith.constant 0 : i32
    %dma_start3A_180 = arith.constant 0 : i32
    %dma_start3A_181 = tpu.memref_slice %arg3[%dma_start3A_179, %dma_start3A_180] : memref<10000x64xf32, #tpu.memory_space<hbm>> -> memref<10000x64xf32, #tpu.memory_space<hbm>>
    tpu.enqueue_indirect_dma source(%dma_start3A_181 : memref<10000x64xf32, #tpu.memory_space<hbm>>) target(%arg12 : memref<80x64xf32, #tpu.memory_space<vmem>>) offsets(%dma_start3A_178 : memref<80xi32, #tpu.memory_space<vmem>>) semaphore(%arg21 : memref<!tpu.dma_semaphore, #tpu.memory_space<semaphore_mem>>)
    %dma_start3A_182 = arith.constant 5 : i32
    %dma_start3A_183 = arith.constant 0 : i32
    %dma_start3A_184 = tpu.memref_slice %arg6[%dma_start3A_182, %dma_start3A_183] : memref<250x80xi32, #tpu.memory_space<vmem>> -> memref<1x80xi32, #tpu.memory_space<vmem>>
    %dma_start3A_185 = tpu.memref_squeeze %dma_start3A_184 : memref<1x80xi32, #tpu.memory_space<vmem>> -> memref<80xi32, #tpu.memory_space<vmem>>
    %dma_start3A_186 = arith.constant 0 : i32
    %dma_start3A_187 = arith.constant 0 : i32
    %dma_start3A_188 = tpu.memref_slice %arg3[%dma_start3A_186, %dma_start3A_187] : memref<10000x64xf32, #tpu.memory_space<hbm>> -> memref<10000x64xf32, #tpu.memory_space<hbm>>
    tpu.enqueue_indirect_dma source(%dma_start3A_188 : memref<10000x64xf32, #tpu.memory_space<hbm>>) target(%arg13 : memref<80x64xf32, #tpu.memory_space<vmem>>) offsets(%dma_start3A_185 : memref<80xi32, #tpu.memory_space<vmem>>) semaphore(%arg22 : memref<!tpu.dma_semaphore, #tpu.memory_space<semaphore_mem>>)
    %dma_start3A_189 = arith.constant 6 : i32
    %dma_start3A_190 = arith.constant 0 : i32
    %dma_start3A_191 = tpu.memref_slice %arg6[%dma_start3A_189, %dma_start3A_190] : memref<250x80xi32, #tpu.memory_space<vmem>> -> memref<1x80xi32, #tpu.memory_space<vmem>>
    %dma_start3A_192 = tpu.memref_squeeze %dma_start3A_191 : memref<1x80xi32, #tpu.memory_space<vmem>> -> memref<80xi32, #tpu.memory_space<vmem>>
    %dma_start3A_193 = arith.constant 0 : i32
    %dma_start3A_194 = arith.constant 0 : i32
    %dma_start3A_195 = tpu.memref_slice %arg3[%dma_start3A_193, %dma_start3A_194] : memref<10000x64xf32, #tpu.memory_space<hbm>> -> memref<10000x64xf32, #tpu.memory_space<hbm>>
    tpu.enqueue_indirect_dma source(%dma_start3A_195 : memref<10000x64xf32, #tpu.memory_space<hbm>>) target(%arg14 : memref<80x64xf32, #tpu.memory_space<vmem>>) offsets(%dma_start3A_192 : memref<80xi32, #tpu.memory_space<vmem>>) semaphore(%arg23 : memref<!tpu.dma_semaphore, #tpu.memory_space<semaphore_mem>>)
    %scan3A_196 = arith.constant 0 : i32
    %scan3A_197 = arith.constant 31 : i32
    %scan3A_198 = arith.addi %scan3A_196, %scan3A_197 : i32
    %scan3A_199 = arith.constant 1 : i32
    scf.for %scan3A_287 = %scan3A_196 to %scan3A_198 step %scan3A_199  : i32 {
      %mul3A_288 = arith.constant 8 : i32
      %mul3A_289 = arith.muli %mul3A_288, %scan3A_287 : i32
      %add3A = arith.constant 0 : i32
      %add3A_290 = arith.addi %mul3A_289, %add3A : i32
      %dma_wait3A_291 = arith.constant 0 : i32
      %dma_wait3A_292 = tpu.memref_slice %arg6[%add3A_290, %dma_wait3A_291] : memref<250x80xi32, #tpu.memory_space<vmem>> -> memref<1x80xi32, #tpu.memory_space<vmem>>
      %dma_wait3A_293 = tpu.memref_squeeze %dma_wait3A_292 : memref<1x80xi32, #tpu.memory_space<vmem>> -> memref<80xi32, #tpu.memory_space<vmem>>
      %dma_wait3A_294 = arith.constant 0 : i32
      %dma_wait3A_295 = arith.constant 0 : i32
      %dma_wait3A_296 = tpu.memref_slice %arg3[%dma_wait3A_294, %dma_wait3A_295] : memref<10000x64xf32, #tpu.memory_space<hbm>> -> memref<10000x64xf32, #tpu.memory_space<hbm>>
      tpu.wait_indirect_dma semaphore(%arg17 : memref<!tpu.dma_semaphore, #tpu.memory_space<semaphore_mem>>) src(%dma_wait3A_296 : memref<10000x64xf32, #tpu.memory_space<hbm>>) dst(%arg8 : memref<80x64xf32, #tpu.memory_space<vmem>>)
      "tpu.region"() ({
        %run_scoped3A_447 = tpu.sem_alloc : memref<!tpu.dma_semaphore, #tpu.memory_space<semaphore_mem>>
        %dma_start3A_448 = arith.constant 0 : i32
        %dma_start3A_449 = tpu.memref_slice %arg7[%add3A_290, %dma_start3A_448] : memref<250x80xi32, #tpu.memory_space<vmem>> -> memref<1x80xi32, #tpu.memory_space<vmem>>
        %dma_start3A_450 = tpu.memref_squeeze %dma_start3A_449 : memref<1x80xi32, #tpu.memory_space<vmem>> -> memref<80xi32, #tpu.memory_space<vmem>>
        %dma_start3A_451 = arith.constant 0 : i32
        %dma_start3A_452 = arith.constant 0 : i32
        %dma_start3A_453 = tpu.memref_slice %arg16[%dma_start3A_451, %dma_start3A_452] : memref<10008x64xf32, #tpu.memory_space<vmem_shared>> -> memref<10008x64xf32, #tpu.memory_space<vmem_shared>>
        tpu.enqueue_indirect_dma source(%arg8 : memref<80x64xf32, #tpu.memory_space<vmem>>) target(%dma_start3A_453 : memref<10008x64xf32, #tpu.memory_space<vmem_shared>>) offsets(%dma_start3A_450 : memref<80xi32, #tpu.memory_space<vmem>>) semaphore(%run_scoped3A_447 : memref<!tpu.dma_semaphore, #tpu.memory_space<semaphore_mem>>) {add = true}
        %dma_wait3A_454 = arith.constant 0 : i32
        %dma_wait3A_455 = tpu.memref_slice %arg7[%add3A_290, %dma_wait3A_454] : memref<250x80xi32, #tpu.memory_space<vmem>> -> memref<1x80xi32, #tpu.memory_space<vmem>>
        %dma_wait3A_456 = tpu.memref_squeeze %dma_wait3A_455 : memref<1x80xi32, #tpu.memory_space<vmem>> -> memref<80xi32, #tpu.memory_space<vmem>>
        %dma_wait3A_457 = arith.constant 0 : i32
        %dma_wait3A_458 = arith.constant 0 : i32
        %dma_wait3A_459 = tpu.memref_slice %arg16[%dma_wait3A_457, %dma_wait3A_458] : memref<10008x64xf32, #tpu.memory_space<vmem_shared>> -> memref<10008x64xf32, #tpu.memory_space<vmem_shared>>
        tpu.wait_indirect_dma semaphore(%run_scoped3A_447 : memref<!tpu.dma_semaphore, #tpu.memory_space<semaphore_mem>>) src(%arg8 : memref<80x64xf32, #tpu.memory_space<vmem>>) dst(%dma_wait3A_459 : memref<10008x64xf32, #tpu.memory_space<vmem_shared>>)
        tpu.yield
      }) : () -> ()
      %add3A_297 = arith.constant 8 : i32
      %add3A_298 = arith.addi %add3A_290, %add3A_297 : i32
      %sub3A = arith.constant 1 : i32
      %sub3A_299 = arith.subi %add3A_298, %sub3A : i32
      %min3A = arith.constant 249 : i32
      %min3A_300 = arith.minsi %sub3A_299, %min3A : i32
      %dma_start3A_301 = arith.constant 0 : i32
      %dma_start3A_302 = tpu.memref_slice %arg6[%min3A_300, %dma_start3A_301] : memref<250x80xi32, #tpu.memory_space<vmem>> -> memref<1x80xi32, #tpu.memory_space<vmem>>
      %dma_start3A_303 = tpu.memref_squeeze %dma_start3A_302 : memref<1x80xi32, #tpu.memory_space<vmem>> -> memref<80xi32, #tpu.memory_space<vmem>>
      %dma_start3A_304 = arith.constant 0 : i32
      %dma_start3A_305 = arith.constant 0 : i32
      %dma_start3A_306 = tpu.memref_slice %arg3[%dma_start3A_304, %dma_start3A_305] : memref<10000x64xf32, #tpu.memory_space<hbm>> -> memref<10000x64xf32, #tpu.memory_space<hbm>>
      tpu.enqueue_indirect_dma source(%dma_start3A_306 : memref<10000x64xf32, #tpu.memory_space<hbm>>) target(%arg15 : memref<80x64xf32, #tpu.memory_space<vmem>>) offsets(%dma_start3A_303 : memref<80xi32, #tpu.memory_space<vmem>>) semaphore(%arg24 : memref<!tpu.dma_semaphore, #tpu.memory_space<semaphore_mem>>)
      %add3A_307 = arith.constant 1 : i32
      %add3A_308 = arith.addi %mul3A_289, %add3A_307 : i32
      %dma_wait3A_309 = arith.constant 0 : i32
      %dma_wait3A_310 = tpu.memref_slice %arg6[%add3A_308, %dma_wait3A_309] : memref<250x80xi32, #tpu.memory_space<vmem>> -> memref<1x80xi32, #tpu.memory_space<vmem>>
      %dma_wait3A_311 = tpu.memref_squeeze %dma_wait3A_310 : memref<1x80xi32, #tpu.memory_space<vmem>> -> memref<80xi32, #tpu.memory_space<vmem>>
      %dma_wait3A_312 = arith.constant 0 : i32
      %dma_wait3A_313 = arith.constant 0 : i32
      %dma_wait3A_314 = tpu.memref_slice %arg3[%dma_wait3A_312, %dma_wait3A_313] : memref<10000x64xf32, #tpu.memory_space<hbm>> -> memref<10000x64xf32, #tpu.memory_space<hbm>>
      tpu.wait_indirect_dma semaphore(%arg18 : memref<!tpu.dma_semaphore, #tpu.memory_space<semaphore_mem>>) src(%dma_wait3A_314 : memref<10000x64xf32, #tpu.memory_space<hbm>>) dst(%arg9 : memref<80x64xf32, #tpu.memory_space<vmem>>)
      "tpu.region"() ({
        %run_scoped3A_447 = tpu.sem_alloc : memref<!tpu.dma_semaphore, #tpu.memory_space<semaphore_mem>>
        %dma_start3A_448 = arith.constant 0 : i32
        %dma_start3A_449 = tpu.memref_slice %arg7[%add3A_308, %dma_start3A_448] : memref<250x80xi32, #tpu.memory_space<vmem>> -> memref<1x80xi32, #tpu.memory_space<vmem>>
        %dma_start3A_450 = tpu.memref_squeeze %dma_start3A_449 : memref<1x80xi32, #tpu.memory_space<vmem>> -> memref<80xi32, #tpu.memory_space<vmem>>
        %dma_start3A_451 = arith.constant 0 : i32
        %dma_start3A_452 = arith.constant 0 : i32
        %dma_start3A_453 = tpu.memref_slice %arg16[%dma_start3A_451, %dma_start3A_452] : memref<10008x64xf32, #tpu.memory_space<vmem_shared>> -> memref<10008x64xf32, #tpu.memory_space<vmem_shared>>
        tpu.enqueue_indirect_dma source(%arg9 : memref<80x64xf32, #tpu.memory_space<vmem>>) target(%dma_start3A_453 : memref<10008x64xf32, #tpu.memory_space<vmem_shared>>) offsets(%dma_start3A_450 : memref<80xi32, #tpu.memory_space<vmem>>) semaphore(%run_scoped3A_447 : memref<!tpu.dma_semaphore, #tpu.memory_space<semaphore_mem>>) {add = true}
        %dma_wait3A_454 = arith.constant 0 : i32
        %dma_wait3A_455 = tpu.memref_slice %arg7[%add3A_308, %dma_wait3A_454] : memref<250x80xi32, #tpu.memory_space<vmem>> -> memref<1x80xi32, #tpu.memory_space<vmem>>
        %dma_wait3A_456 = tpu.memref_squeeze %dma_wait3A_455 : memref<1x80xi32, #tpu.memory_space<vmem>> -> memref<80xi32, #tpu.memory_space<vmem>>
        %dma_wait3A_457 = arith.constant 0 : i32
        %dma_wait3A_458 = arith.constant 0 : i32
        %dma_wait3A_459 = tpu.memref_slice %arg16[%dma_wait3A_457, %dma_wait3A_458] : memref<10008x64xf32, #tpu.memory_space<vmem_shared>> -> memref<10008x64xf32, #tpu.memory_space<vmem_shared>>
        tpu.wait_indirect_dma semaphore(%run_scoped3A_447 : memref<!tpu.dma_semaphore, #tpu.memory_space<semaphore_mem>>) src(%arg9 : memref<80x64xf32, #tpu.memory_space<vmem>>) dst(%dma_wait3A_459 : memref<10008x64xf32, #tpu.memory_space<vmem_shared>>)
        tpu.yield
      }) : () -> ()
      %add3A_315 = arith.constant 8 : i32
      %add3A_316 = arith.addi %add3A_308, %add3A_315 : i32
      %sub3A_317 = arith.constant 1 : i32
      %sub3A_318 = arith.subi %add3A_316, %sub3A_317 : i32
      %min3A_319 = arith.constant 249 : i32
      %min3A_320 = arith.minsi %sub3A_318, %min3A_319 : i32
      %dma_start3A_321 = arith.constant 0 : i32
      %dma_start3A_322 = tpu.memref_slice %arg6[%min3A_320, %dma_start3A_321] : memref<250x80xi32, #tpu.memory_space<vmem>> -> memref<1x80xi32, #tpu.memory_space<vmem>>
      %dma_start3A_323 = tpu.memref_squeeze %dma_start3A_322 : memref<1x80xi32, #tpu.memory_space<vmem>> -> memref<80xi32, #tpu.memory_space<vmem>>
      %dma_start3A_324 = arith.constant 0 : i32
      %dma_start3A_325 = arith.constant 0 : i32
      %dma_start3A_326 = tpu.memref_slice %arg3[%dma_start3A_324, %dma_start3A_325] : memref<10000x64xf32, #tpu.memory_space<hbm>> -> memref<10000x64xf32, #tpu.memory_space<hbm>>
      tpu.enqueue_indirect_dma source(%dma_start3A_326 : memref<10000x64xf32, #tpu.memory_space<hbm>>) target(%arg8 : memref<80x64xf32, #tpu.memory_space<vmem>>) offsets(%dma_start3A_323 : memref<80xi32, #tpu.memory_space<vmem>>) semaphore(%arg17 : memref<!tpu.dma_semaphore, #tpu.memory_space<semaphore_mem>>)
      %add3A_327 = arith.constant 2 : i32
      %add3A_328 = arith.addi %mul3A_289, %add3A_327 : i32
      %dma_wait3A_329 = arith.constant 0 : i32
      %dma_wait3A_330 = tpu.memref_slice %arg6[%add3A_328, %dma_wait3A_329] : memref<250x80xi32, #tpu.memory_space<vmem>> -> memref<1x80xi32, #tpu.memory_space<vmem>>
      %dma_wait3A_331 = tpu.memref_squeeze %dma_wait3A_330 : memref<1x80xi32, #tpu.memory_space<vmem>> -> memref<80xi32, #tpu.memory_space<vmem>>
      %dma_wait3A_332 = arith.constant 0 : i32
      %dma_wait3A_333 = arith.constant 0 : i32
      %dma_wait3A_334 = tpu.memref_slice %arg3[%dma_wait3A_332, %dma_wait3A_333] : memref<10000x64xf32, #tpu.memory_space<hbm>> -> memref<10000x64xf32, #tpu.memory_space<hbm>>
      tpu.wait_indirect_dma semaphore(%arg19 : memref<!tpu.dma_semaphore, #tpu.memory_space<semaphore_mem>>) src(%dma_wait3A_334 : memref<10000x64xf32, #tpu.memory_space<hbm>>) dst(%arg10 : memref<80x64xf32, #tpu.memory_space<vmem>>)
      "tpu.region"() ({
        %run_scoped3A_447 = tpu.sem_alloc : memref<!tpu.dma_semaphore, #tpu.memory_space<semaphore_mem>>
        %dma_start3A_448 = arith.constant 0 : i32
        %dma_start3A_449 = tpu.memref_slice %arg7[%add3A_328, %dma_start3A_448] : memref<250x80xi32, #tpu.memory_space<vmem>> -> memref<1x80xi32, #tpu.memory_space<vmem>>
        %dma_start3A_450 = tpu.memref_squeeze %dma_start3A_449 : memref<1x80xi32, #tpu.memory_space<vmem>> -> memref<80xi32, #tpu.memory_space<vmem>>
        %dma_start3A_451 = arith.constant 0 : i32
        %dma_start3A_452 = arith.constant 0 : i32
        %dma_start3A_453 = tpu.memref_slice %arg16[%dma_start3A_451, %dma_start3A_452] : memref<10008x64xf32, #tpu.memory_space<vmem_shared>> -> memref<10008x64xf32, #tpu.memory_space<vmem_shared>>
        tpu.enqueue_indirect_dma source(%arg10 : memref<80x64xf32, #tpu.memory_space<vmem>>) target(%dma_start3A_453 : memref<10008x64xf32, #tpu.memory_space<vmem_shared>>) offsets(%dma_start3A_450 : memref<80xi32, #tpu.memory_space<vmem>>) semaphore(%run_scoped3A_447 : memref<!tpu.dma_semaphore, #tpu.memory_space<semaphore_mem>>) {add = true}
        %dma_wait3A_454 = arith.constant 0 : i32
        %dma_wait3A_455 = tpu.memref_slice %arg7[%add3A_328, %dma_wait3A_454] : memref<250x80xi32, #tpu.memory_space<vmem>> -> memref<1x80xi32, #tpu.memory_space<vmem>>
        %dma_wait3A_456 = tpu.memref_squeeze %dma_wait3A_455 : memref<1x80xi32, #tpu.memory_space<vmem>> -> memref<80xi32, #tpu.memory_space<vmem>>
        %dma_wait3A_457 = arith.constant 0 : i32
        %dma_wait3A_458 = arith.constant 0 : i32
        %dma_wait3A_459 = tpu.memref_slice %arg16[%dma_wait3A_457, %dma_wait3A_458] : memref<10008x64xf32, #tpu.memory_space<vmem_shared>> -> memref<10008x64xf32, #tpu.memory_space<vmem_shared>>
        tpu.wait_indirect_dma semaphore(%run_scoped3A_447 : memref<!tpu.dma_semaphore, #tpu.memory_space<semaphore_mem>>) src(%arg10 : memref<80x64xf32, #tpu.memory_space<vmem>>) dst(%dma_wait3A_459 : memref<10008x64xf32, #tpu.memory_space<vmem_shared>>)
        tpu.yield
      }) : () -> ()
      %add3A_335 = arith.constant 8 : i32
      %add3A_336 = arith.addi %add3A_328, %add3A_335 : i32
      %sub3A_337 = arith.constant 1 : i32
      %sub3A_338 = arith.subi %add3A_336, %sub3A_337 : i32
      %min3A_339 = arith.constant 249 : i32
      %min3A_340 = arith.minsi %sub3A_338, %min3A_339 : i32
      %dma_start3A_341 = arith.constant 0 : i32
      %dma_start3A_342 = tpu.memref_slice %arg6[%min3A_340, %dma_start3A_341] : memref<250x80xi32, #tpu.memory_space<vmem>> -> memref<1x80xi32, #tpu.memory_space<vmem>>
      %dma_start3A_343 = tpu.memref_squeeze %dma_start3A_342 : memref<1x80xi32, #tpu.memory_space<vmem>> -> memref<80xi32, #tpu.memory_space<vmem>>
      %dma_start3A_344 = arith.constant 0 : i32
      %dma_start3A_345 = arith.constant 0 : i32
      %dma_start3A_346 = tpu.memref_slice %arg3[%dma_start3A_344, %dma_start3A_345] : memref<10000x64xf32, #tpu.memory_space<hbm>> -> memref<10000x64xf32, #tpu.memory_space<hbm>>
      tpu.enqueue_indirect_dma source(%dma_start3A_346 : memref<10000x64xf32, #tpu.memory_space<hbm>>) target(%arg9 : memref<80x64xf32, #tpu.memory_space<vmem>>) offsets(%dma_start3A_343 : memref<80xi32, #tpu.memory_space<vmem>>) semaphore(%arg18 : memref<!tpu.dma_semaphore, #tpu.memory_space<semaphore_mem>>)
      %add3A_347 = arith.constant 3 : i32
      %add3A_348 = arith.addi %mul3A_289, %add3A_347 : i32
      %dma_wait3A_349 = arith.constant 0 : i32
      %dma_wait3A_350 = tpu.memref_slice %arg6[%add3A_348, %dma_wait3A_349] : memref<250x80xi32, #tpu.memory_space<vmem>> -> memref<1x80xi32, #tpu.memory_space<vmem>>
      %dma_wait3A_351 = tpu.memref_squeeze %dma_wait3A_350 : memref<1x80xi32, #tpu.memory_space<vmem>> -> memref<80xi32, #tpu.memory_space<vmem>>
      %dma_wait3A_352 = arith.constant 0 : i32
      %dma_wait3A_353 = arith.constant 0 : i32
      %dma_wait3A_354 = tpu.memref_slice %arg3[%dma_wait3A_352, %dma_wait3A_353] : memref<10000x64xf32, #tpu.memory_space<hbm>> -> memref<10000x64xf32, #tpu.memory_space<hbm>>
      tpu.wait_indirect_dma semaphore(%arg20 : memref<!tpu.dma_semaphore, #tpu.memory_space<semaphore_mem>>) src(%dma_wait3A_354 : memref<10000x64xf32, #tpu.memory_space<hbm>>) dst(%arg11 : memref<80x64xf32, #tpu.memory_space<vmem>>)
      "tpu.region"() ({
        %run_scoped3A_447 = tpu.sem_alloc : memref<!tpu.dma_semaphore, #tpu.memory_space<semaphore_mem>>
        %dma_start3A_448 = arith.constant 0 : i32
        %dma_start3A_449 = tpu.memref_slice %arg7[%add3A_348, %dma_start3A_448] : memref<250x80xi32, #tpu.memory_space<vmem>> -> memref<1x80xi32, #tpu.memory_space<vmem>>
        %dma_start3A_450 = tpu.memref_squeeze %dma_start3A_449 : memref<1x80xi32, #tpu.memory_space<vmem>> -> memref<80xi32, #tpu.memory_space<vmem>>
        %dma_start3A_451 = arith.constant 0 : i32
        %dma_start3A_452 = arith.constant 0 : i32
        %dma_start3A_453 = tpu.memref_slice %arg16[%dma_start3A_451, %dma_start3A_452] : memref<10008x64xf32, #tpu.memory_space<vmem_shared>> -> memref<10008x64xf32, #tpu.memory_space<vmem_shared>>
        tpu.enqueue_indirect_dma source(%arg11 : memref<80x64xf32, #tpu.memory_space<vmem>>) target(%dma_start3A_453 : memref<10008x64xf32, #tpu.memory_space<vmem_shared>>) offsets(%dma_start3A_450 : memref<80xi32, #tpu.memory_space<vmem>>) semaphore(%run_scoped3A_447 : memref<!tpu.dma_semaphore, #tpu.memory_space<semaphore_mem>>) {add = true}
        %dma_wait3A_454 = arith.constant 0 : i32
        %dma_wait3A_455 = tpu.memref_slice %arg7[%add3A_348, %dma_wait3A_454] : memref<250x80xi32, #tpu.memory_space<vmem>> -> memref<1x80xi32, #tpu.memory_space<vmem>>
        %dma_wait3A_456 = tpu.memref_squeeze %dma_wait3A_455 : memref<1x80xi32, #tpu.memory_space<vmem>> -> memref<80xi32, #tpu.memory_space<vmem>>
        %dma_wait3A_457 = arith.constant 0 : i32
        %dma_wait3A_458 = arith.constant 0 : i32
        %dma_wait3A_459 = tpu.memref_slice %arg16[%dma_wait3A_457, %dma_wait3A_458] : memref<10008x64xf32, #tpu.memory_space<vmem_shared>> -> memref<10008x64xf32, #tpu.memory_space<vmem_shared>>
        tpu.wait_indirect_dma semaphore(%run_scoped3A_447 : memref<!tpu.dma_semaphore, #tpu.memory_space<semaphore_mem>>) src(%arg11 : memref<80x64xf32, #tpu.memory_space<vmem>>) dst(%dma_wait3A_459 : memref<10008x64xf32, #tpu.memory_space<vmem_shared>>)
        tpu.yield
      }) : () -> ()
      %add3A_355 = arith.constant 8 : i32
      %add3A_356 = arith.addi %add3A_348, %add3A_355 : i32
      %sub3A_357 = arith.constant 1 : i32
      %sub3A_358 = arith.subi %add3A_356, %sub3A_357 : i32
      %min3A_359 = arith.constant 249 : i32
      %min3A_360 = arith.minsi %sub3A_358, %min3A_359 : i32
      %dma_start3A_361 = arith.constant 0 : i32
      %dma_start3A_362 = tpu.memref_slice %arg6[%min3A_360, %dma_start3A_361] : memref<250x80xi32, #tpu.memory_space<vmem>> -> memref<1x80xi32, #tpu.memory_space<vmem>>
      %dma_start3A_363 = tpu.memref_squeeze %dma_start3A_362 : memref<1x80xi32, #tpu.memory_space<vmem>> -> memref<80xi32, #tpu.memory_space<vmem>>
      %dma_start3A_364 = arith.constant 0 : i32
      %dma_start3A_365 = arith.constant 0 : i32
      %dma_start3A_366 = tpu.memref_slice %arg3[%dma_start3A_364, %dma_start3A_365] : memref<10000x64xf32, #tpu.memory_space<hbm>> -> memref<10000x64xf32, #tpu.memory_space<hbm>>
      tpu.enqueue_indirect_dma source(%dma_start3A_366 : memref<10000x64xf32, #tpu.memory_space<hbm>>) target(%arg10 : memref<80x64xf32, #tpu.memory_space<vmem>>) offsets(%dma_start3A_363 : memref<80xi32, #tpu.memory_space<vmem>>) semaphore(%arg19 : memref<!tpu.dma_semaphore, #tpu.memory_space<semaphore_mem>>)
      %add3A_367 = arith.constant 4 : i32
      %add3A_368 = arith.addi %mul3A_289, %add3A_367 : i32
      %dma_wait3A_369 = arith.constant 0 : i32
      %dma_wait3A_370 = tpu.memref_slice %arg6[%add3A_368, %dma_wait3A_369] : memref<250x80xi32, #tpu.memory_space<vmem>> -> memref<1x80xi32, #tpu.memory_space<vmem>>
      %dma_wait3A_371 = tpu.memref_squeeze %dma_wait3A_370 : memref<1x80xi32, #tpu.memory_space<vmem>> -> memref<80xi32, #tpu.memory_space<vmem>>
      %dma_wait3A_372 = arith.constant 0 : i32
      %dma_wait3A_373 = arith.constant 0 : i32
      %dma_wait3A_374 = tpu.memref_slice %arg3[%dma_wait3A_372, %dma_wait3A_373] : memref<10000x64xf32, #tpu.memory_space<hbm>> -> memref<10000x64xf32, #tpu.memory_space<hbm>>
      tpu.wait_indirect_dma semaphore(%arg21 : memref<!tpu.dma_semaphore, #tpu.memory_space<semaphore_mem>>) src(%dma_wait3A_374 : memref<10000x64xf32, #tpu.memory_space<hbm>>) dst(%arg12 : memref<80x64xf32, #tpu.memory_space<vmem>>)
      "tpu.region"() ({
        %run_scoped3A_447 = tpu.sem_alloc : memref<!tpu.dma_semaphore, #tpu.memory_space<semaphore_mem>>
        %dma_start3A_448 = arith.constant 0 : i32
        %dma_start3A_449 = tpu.memref_slice %arg7[%add3A_368, %dma_start3A_448] : memref<250x80xi32, #tpu.memory_space<vmem>> -> memref<1x80xi32, #tpu.memory_space<vmem>>
        %dma_start3A_450 = tpu.memref_squeeze %dma_start3A_449 : memref<1x80xi32, #tpu.memory_space<vmem>> -> memref<80xi32, #tpu.memory_space<vmem>>
        %dma_start3A_451 = arith.constant 0 : i32
        %dma_start3A_452 = arith.constant 0 : i32
        %dma_start3A_453 = tpu.memref_slice %arg16[%dma_start3A_451, %dma_start3A_452] : memref<10008x64xf32, #tpu.memory_space<vmem_shared>> -> memref<10008x64xf32, #tpu.memory_space<vmem_shared>>
        tpu.enqueue_indirect_dma source(%arg12 : memref<80x64xf32, #tpu.memory_space<vmem>>) target(%dma_start3A_453 : memref<10008x64xf32, #tpu.memory_space<vmem_shared>>) offsets(%dma_start3A_450 : memref<80xi32, #tpu.memory_space<vmem>>) semaphore(%run_scoped3A_447 : memref<!tpu.dma_semaphore, #tpu.memory_space<semaphore_mem>>) {add = true}
        %dma_wait3A_454 = arith.constant 0 : i32
        %dma_wait3A_455 = tpu.memref_slice %arg7[%add3A_368, %dma_wait3A_454] : memref<250x80xi32, #tpu.memory_space<vmem>> -> memref<1x80xi32, #tpu.memory_space<vmem>>
        %dma_wait3A_456 = tpu.memref_squeeze %dma_wait3A_455 : memref<1x80xi32, #tpu.memory_space<vmem>> -> memref<80xi32, #tpu.memory_space<vmem>>
        %dma_wait3A_457 = arith.constant 0 : i32
        %dma_wait3A_458 = arith.constant 0 : i32
        %dma_wait3A_459 = tpu.memref_slice %arg16[%dma_wait3A_457, %dma_wait3A_458] : memref<10008x64xf32, #tpu.memory_space<vmem_shared>> -> memref<10008x64xf32, #tpu.memory_space<vmem_shared>>
        tpu.wait_indirect_dma semaphore(%run_scoped3A_447 : memref<!tpu.dma_semaphore, #tpu.memory_space<semaphore_mem>>) src(%arg12 : memref<80x64xf32, #tpu.memory_space<vmem>>) dst(%dma_wait3A_459 : memref<10008x64xf32, #tpu.memory_space<vmem_shared>>)
        tpu.yield
      }) : () -> ()
      %add3A_375 = arith.constant 8 : i32
      %add3A_376 = arith.addi %add3A_368, %add3A_375 : i32
      %sub3A_377 = arith.constant 1 : i32
      %sub3A_378 = arith.subi %add3A_376, %sub3A_377 : i32
      %min3A_379 = arith.constant 249 : i32
      %min3A_380 = arith.minsi %sub3A_378, %min3A_379 : i32
      %dma_start3A_381 = arith.constant 0 : i32
      %dma_start3A_382 = tpu.memref_slice %arg6[%min3A_380, %dma_start3A_381] : memref<250x80xi32, #tpu.memory_space<vmem>> -> memref<1x80xi32, #tpu.memory_space<vmem>>
      %dma_start3A_383 = tpu.memref_squeeze %dma_start3A_382 : memref<1x80xi32, #tpu.memory_space<vmem>> -> memref<80xi32, #tpu.memory_space<vmem>>
      %dma_start3A_384 = arith.constant 0 : i32
      %dma_start3A_385 = arith.constant 0 : i32
      %dma_start3A_386 = tpu.memref_slice %arg3[%dma_start3A_384, %dma_start3A_385] : memref<10000x64xf32, #tpu.memory_space<hbm>> -> memref<10000x64xf32, #tpu.memory_space<hbm>>
      tpu.enqueue_indirect_dma source(%dma_start3A_386 : memref<10000x64xf32, #tpu.memory_space<hbm>>) target(%arg11 : memref<80x64xf32, #tpu.memory_space<vmem>>) offsets(%dma_start3A_383 : memref<80xi32, #tpu.memory_space<vmem>>) semaphore(%arg20 : memref<!tpu.dma_semaphore, #tpu.memory_space<semaphore_mem>>)
      %add3A_387 = arith.constant 5 : i32
      %add3A_388 = arith.addi %mul3A_289, %add3A_387 : i32
      %dma_wait3A_389 = arith.constant 0 : i32
      %dma_wait3A_390 = tpu.memref_slice %arg6[%add3A_388, %dma_wait3A_389] : memref<250x80xi32, #tpu.memory_space<vmem>> -> memref<1x80xi32, #tpu.memory_space<vmem>>
      %dma_wait3A_391 = tpu.memref_squeeze %dma_wait3A_390 : memref<1x80xi32, #tpu.memory_space<vmem>> -> memref<80xi32, #tpu.memory_space<vmem>>
      %dma_wait3A_392 = arith.constant 0 : i32
      %dma_wait3A_393 = arith.constant 0 : i32
      %dma_wait3A_394 = tpu.memref_slice %arg3[%dma_wait3A_392, %dma_wait3A_393] : memref<10000x64xf32, #tpu.memory_space<hbm>> -> memref<10000x64xf32, #tpu.memory_space<hbm>>
      tpu.wait_indirect_dma semaphore(%arg22 : memref<!tpu.dma_semaphore, #tpu.memory_space<semaphore_mem>>) src(%dma_wait3A_394 : memref<10000x64xf32, #tpu.memory_space<hbm>>) dst(%arg13 : memref<80x64xf32, #tpu.memory_space<vmem>>)
      "tpu.region"() ({
        %run_scoped3A_447 = tpu.sem_alloc : memref<!tpu.dma_semaphore, #tpu.memory_space<semaphore_mem>>
        %dma_start3A_448 = arith.constant 0 : i32
        %dma_start3A_449 = tpu.memref_slice %arg7[%add3A_388, %dma_start3A_448] : memref<250x80xi32, #tpu.memory_space<vmem>> -> memref<1x80xi32, #tpu.memory_space<vmem>>
        %dma_start3A_450 = tpu.memref_squeeze %dma_start3A_449 : memref<1x80xi32, #tpu.memory_space<vmem>> -> memref<80xi32, #tpu.memory_space<vmem>>
        %dma_start3A_451 = arith.constant 0 : i32
        %dma_start3A_452 = arith.constant 0 : i32
        %dma_start3A_453 = tpu.memref_slice %arg16[%dma_start3A_451, %dma_start3A_452] : memref<10008x64xf32, #tpu.memory_space<vmem_shared>> -> memref<10008x64xf32, #tpu.memory_space<vmem_shared>>
        tpu.enqueue_indirect_dma source(%arg13 : memref<80x64xf32, #tpu.memory_space<vmem>>) target(%dma_start3A_453 : memref<10008x64xf32, #tpu.memory_space<vmem_shared>>) offsets(%dma_start3A_450 : memref<80xi32, #tpu.memory_space<vmem>>) semaphore(%run_scoped3A_447 : memref<!tpu.dma_semaphore, #tpu.memory_space<semaphore_mem>>) {add = true}
        %dma_wait3A_454 = arith.constant 0 : i32
        %dma_wait3A_455 = tpu.memref_slice %arg7[%add3A_388, %dma_wait3A_454] : memref<250x80xi32, #tpu.memory_space<vmem>> -> memref<1x80xi32, #tpu.memory_space<vmem>>
        %dma_wait3A_456 = tpu.memref_squeeze %dma_wait3A_455 : memref<1x80xi32, #tpu.memory_space<vmem>> -> memref<80xi32, #tpu.memory_space<vmem>>
        %dma_wait3A_457 = arith.constant 0 : i32
        %dma_wait3A_458 = arith.constant 0 : i32
        %dma_wait3A_459 = tpu.memref_slice %arg16[%dma_wait3A_457, %dma_wait3A_458] : memref<10008x64xf32, #tpu.memory_space<vmem_shared>> -> memref<10008x64xf32, #tpu.memory_space<vmem_shared>>
        tpu.wait_indirect_dma semaphore(%run_scoped3A_447 : memref<!tpu.dma_semaphore, #tpu.memory_space<semaphore_mem>>) src(%arg13 : memref<80x64xf32, #tpu.memory_space<vmem>>) dst(%dma_wait3A_459 : memref<10008x64xf32, #tpu.memory_space<vmem_shared>>)
        tpu.yield
      }) : () -> ()
      %add3A_395 = arith.constant 8 : i32
      %add3A_396 = arith.addi %add3A_388, %add3A_395 : i32
      %sub3A_397 = arith.constant 1 : i32
      %sub3A_398 = arith.subi %add3A_396, %sub3A_397 : i32
      %min3A_399 = arith.constant 249 : i32
      %min3A_400 = arith.minsi %sub3A_398, %min3A_399 : i32
      %dma_start3A_401 = arith.constant 0 : i32
      %dma_start3A_402 = tpu.memref_slice %arg6[%min3A_400, %dma_start3A_401] : memref<250x80xi32, #tpu.memory_space<vmem>> -> memref<1x80xi32, #tpu.memory_space<vmem>>
      %dma_start3A_403 = tpu.memref_squeeze %dma_start3A_402 : memref<1x80xi32, #tpu.memory_space<vmem>> -> memref<80xi32, #tpu.memory_space<vmem>>
      %dma_start3A_404 = arith.constant 0 : i32
      %dma_start3A_405 = arith.constant 0 : i32
      %dma_start3A_406 = tpu.memref_slice %arg3[%dma_start3A_404, %dma_start3A_405] : memref<10000x64xf32, #tpu.memory_space<hbm>> -> memref<10000x64xf32, #tpu.memory_space<hbm>>
      tpu.enqueue_indirect_dma source(%dma_start3A_406 : memref<10000x64xf32, #tpu.memory_space<hbm>>) target(%arg12 : memref<80x64xf32, #tpu.memory_space<vmem>>) offsets(%dma_start3A_403 : memref<80xi32, #tpu.memory_space<vmem>>) semaphore(%arg21 : memref<!tpu.dma_semaphore, #tpu.memory_space<semaphore_mem>>)
      %add3A_407 = arith.constant 6 : i32
      %add3A_408 = arith.addi %mul3A_289, %add3A_407 : i32
      %dma_wait3A_409 = arith.constant 0 : i32
      %dma_wait3A_410 = tpu.memref_slice %arg6[%add3A_408, %dma_wait3A_409] : memref<250x80xi32, #tpu.memory_space<vmem>> -> memref<1x80xi32, #tpu.memory_space<vmem>>
      %dma_wait3A_411 = tpu.memref_squeeze %dma_wait3A_410 : memref<1x80xi32, #tpu.memory_space<vmem>> -> memref<80xi32, #tpu.memory_space<vmem>>
      %dma_wait3A_412 = arith.constant 0 : i32
      %dma_wait3A_413 = arith.constant 0 : i32
      %dma_wait3A_414 = tpu.memref_slice %arg3[%dma_wait3A_412, %dma_wait3A_413] : memref<10000x64xf32, #tpu.memory_space<hbm>> -> memref<10000x64xf32, #tpu.memory_space<hbm>>
      tpu.wait_indirect_dma semaphore(%arg23 : memref<!tpu.dma_semaphore, #tpu.memory_space<semaphore_mem>>) src(%dma_wait3A_414 : memref<10000x64xf32, #tpu.memory_space<hbm>>) dst(%arg14 : memref<80x64xf32, #tpu.memory_space<vmem>>)
      "tpu.region"() ({
        %run_scoped3A_447 = tpu.sem_alloc : memref<!tpu.dma_semaphore, #tpu.memory_space<semaphore_mem>>
        %dma_start3A_448 = arith.constant 0 : i32
        %dma_start3A_449 = tpu.memref_slice %arg7[%add3A_408, %dma_start3A_448] : memref<250x80xi32, #tpu.memory_space<vmem>> -> memref<1x80xi32, #tpu.memory_space<vmem>>
        %dma_start3A_450 = tpu.memref_squeeze %dma_start3A_449 : memref<1x80xi32, #tpu.memory_space<vmem>> -> memref<80xi32, #tpu.memory_space<vmem>>
        %dma_start3A_451 = arith.constant 0 : i32
        %dma_start3A_452 = arith.constant 0 : i32
        %dma_start3A_453 = tpu.memref_slice %arg16[%dma_start3A_451, %dma_start3A_452] : memref<10008x64xf32, #tpu.memory_space<vmem_shared>> -> memref<10008x64xf32, #tpu.memory_space<vmem_shared>>
        tpu.enqueue_indirect_dma source(%arg14 : memref<80x64xf32, #tpu.memory_space<vmem>>) target(%dma_start3A_453 : memref<10008x64xf32, #tpu.memory_space<vmem_shared>>) offsets(%dma_start3A_450 : memref<80xi32, #tpu.memory_space<vmem>>) semaphore(%run_scoped3A_447 : memref<!tpu.dma_semaphore, #tpu.memory_space<semaphore_mem>>) {add = true}
        %dma_wait3A_454 = arith.constant 0 : i32
        %dma_wait3A_455 = tpu.memref_slice %arg7[%add3A_408, %dma_wait3A_454] : memref<250x80xi32, #tpu.memory_space<vmem>> -> memref<1x80xi32, #tpu.memory_space<vmem>>
        %dma_wait3A_456 = tpu.memref_squeeze %dma_wait3A_455 : memref<1x80xi32, #tpu.memory_space<vmem>> -> memref<80xi32, #tpu.memory_space<vmem>>
        %dma_wait3A_457 = arith.constant 0 : i32
        %dma_wait3A_458 = arith.constant 0 : i32
        %dma_wait3A_459 = tpu.memref_slice %arg16[%dma_wait3A_457, %dma_wait3A_458] : memref<10008x64xf32, #tpu.memory_space<vmem_shared>> -> memref<10008x64xf32, #tpu.memory_space<vmem_shared>>
        tpu.wait_indirect_dma semaphore(%run_scoped3A_447 : memref<!tpu.dma_semaphore, #tpu.memory_space<semaphore_mem>>) src(%arg14 : memref<80x64xf32, #tpu.memory_space<vmem>>) dst(%dma_wait3A_459 : memref<10008x64xf32, #tpu.memory_space<vmem_shared>>)
        tpu.yield
      }) : () -> ()
      %add3A_415 = arith.constant 8 : i32
      %add3A_416 = arith.addi %add3A_408, %add3A_415 : i32
      %sub3A_417 = arith.constant 1 : i32
      %sub3A_418 = arith.subi %add3A_416, %sub3A_417 : i32
      %min3A_419 = arith.constant 249 : i32
      %min3A_420 = arith.minsi %sub3A_418, %min3A_419 : i32
      %dma_start3A_421 = arith.constant 0 : i32
      %dma_start3A_422 = tpu.memref_slice %arg6[%min3A_420, %dma_start3A_421] : memref<250x80xi32, #tpu.memory_space<vmem>> -> memref<1x80xi32, #tpu.memory_space<vmem>>
      %dma_start3A_423 = tpu.memref_squeeze %dma_start3A_422 : memref<1x80xi32, #tpu.memory_space<vmem>> -> memref<80xi32, #tpu.memory_space<vmem>>
      %dma_start3A_424 = arith.constant 0 : i32
      %dma_start3A_425 = arith.constant 0 : i32
      %dma_start3A_426 = tpu.memref_slice %arg3[%dma_start3A_424, %dma_start3A_425] : memref<10000x64xf32, #tpu.memory_space<hbm>> -> memref<10000x64xf32, #tpu.memory_space<hbm>>
      tpu.enqueue_indirect_dma source(%dma_start3A_426 : memref<10000x64xf32, #tpu.memory_space<hbm>>) target(%arg13 : memref<80x64xf32, #tpu.memory_space<vmem>>) offsets(%dma_start3A_423 : memref<80xi32, #tpu.memory_space<vmem>>) semaphore(%arg22 : memref<!tpu.dma_semaphore, #tpu.memory_space<semaphore_mem>>)
      %add3A_427 = arith.constant 7 : i32
      %add3A_428 = arith.addi %mul3A_289, %add3A_427 : i32
      %dma_wait3A_429 = arith.constant 0 : i32
      %dma_wait3A_430 = tpu.memref_slice %arg6[%add3A_428, %dma_wait3A_429] : memref<250x80xi32, #tpu.memory_space<vmem>> -> memref<1x80xi32, #tpu.memory_space<vmem>>
      %dma_wait3A_431 = tpu.memref_squeeze %dma_wait3A_430 : memref<1x80xi32, #tpu.memory_space<vmem>> -> memref<80xi32, #tpu.memory_space<vmem>>
      %dma_wait3A_432 = arith.constant 0 : i32
      %dma_wait3A_433 = arith.constant 0 : i32
      %dma_wait3A_434 = tpu.memref_slice %arg3[%dma_wait3A_432, %dma_wait3A_433] : memref<10000x64xf32, #tpu.memory_space<hbm>> -> memref<10000x64xf32, #tpu.memory_space<hbm>>
      tpu.wait_indirect_dma semaphore(%arg24 : memref<!tpu.dma_semaphore, #tpu.memory_space<semaphore_mem>>) src(%dma_wait3A_434 : memref<10000x64xf32, #tpu.memory_space<hbm>>) dst(%arg15 : memref<80x64xf32, #tpu.memory_space<vmem>>)
      "tpu.region"() ({
        %run_scoped3A_447 = tpu.sem_alloc : memref<!tpu.dma_semaphore, #tpu.memory_space<semaphore_mem>>
        %dma_start3A_448 = arith.constant 0 : i32
        %dma_start3A_449 = tpu.memref_slice %arg7[%add3A_428, %dma_start3A_448] : memref<250x80xi32, #tpu.memory_space<vmem>> -> memref<1x80xi32, #tpu.memory_space<vmem>>
        %dma_start3A_450 = tpu.memref_squeeze %dma_start3A_449 : memref<1x80xi32, #tpu.memory_space<vmem>> -> memref<80xi32, #tpu.memory_space<vmem>>
        %dma_start3A_451 = arith.constant 0 : i32
        %dma_start3A_452 = arith.constant 0 : i32
        %dma_start3A_453 = tpu.memref_slice %arg16[%dma_start3A_451, %dma_start3A_452] : memref<10008x64xf32, #tpu.memory_space<vmem_shared>> -> memref<10008x64xf32, #tpu.memory_space<vmem_shared>>
        tpu.enqueue_indirect_dma source(%arg15 : memref<80x64xf32, #tpu.memory_space<vmem>>) target(%dma_start3A_453 : memref<10008x64xf32, #tpu.memory_space<vmem_shared>>) offsets(%dma_start3A_450 : memref<80xi32, #tpu.memory_space<vmem>>) semaphore(%run_scoped3A_447 : memref<!tpu.dma_semaphore, #tpu.memory_space<semaphore_mem>>) {add = true}
        %dma_wait3A_454 = arith.constant 0 : i32
        %dma_wait3A_455 = tpu.memref_slice %arg7[%add3A_428, %dma_wait3A_454] : memref<250x80xi32, #tpu.memory_space<vmem>> -> memref<1x80xi32, #tpu.memory_space<vmem>>
        %dma_wait3A_456 = tpu.memref_squeeze %dma_wait3A_455 : memref<1x80xi32, #tpu.memory_space<vmem>> -> memref<80xi32, #tpu.memory_space<vmem>>
        %dma_wait3A_457 = arith.constant 0 : i32
        %dma_wait3A_458 = arith.constant 0 : i32
        %dma_wait3A_459 = tpu.memref_slice %arg16[%dma_wait3A_457, %dma_wait3A_458] : memref<10008x64xf32, #tpu.memory_space<vmem_shared>> -> memref<10008x64xf32, #tpu.memory_space<vmem_shared>>
        tpu.wait_indirect_dma semaphore(%run_scoped3A_447 : memref<!tpu.dma_semaphore, #tpu.memory_space<semaphore_mem>>) src(%arg15 : memref<80x64xf32, #tpu.memory_space<vmem>>) dst(%dma_wait3A_459 : memref<10008x64xf32, #tpu.memory_space<vmem_shared>>)
        tpu.yield
      }) : () -> ()
      %add3A_435 = arith.constant 8 : i32
      %add3A_436 = arith.addi %add3A_428, %add3A_435 : i32
      %sub3A_437 = arith.constant 1 : i32
      %sub3A_438 = arith.subi %add3A_436, %sub3A_437 : i32
      %min3A_439 = arith.constant 249 : i32
      %min3A_440 = arith.minsi %sub3A_438, %min3A_439 : i32
      %dma_start3A_441 = arith.constant 0 : i32
      %dma_start3A_442 = tpu.memref_slice %arg6[%min3A_440, %dma_start3A_441] : memref<250x80xi32, #tpu.memory_space<vmem>> -> memref<1x80xi32, #tpu.memory_space<vmem>>
      %dma_start3A_443 = tpu.memref_squeeze %dma_start3A_442 : memref<1x80xi32, #tpu.memory_space<vmem>> -> memref<80xi32, #tpu.memory_space<vmem>>
      %dma_start3A_444 = arith.constant 0 : i32
      %dma_start3A_445 = arith.constant 0 : i32
      %dma_start3A_446 = tpu.memref_slice %arg3[%dma_start3A_444, %dma_start3A_445] : memref<10000x64xf32, #tpu.memory_space<hbm>> -> memref<10000x64xf32, #tpu.memory_space<hbm>>
      tpu.enqueue_indirect_dma source(%dma_start3A_446 : memref<10000x64xf32, #tpu.memory_space<hbm>>) target(%arg14 : memref<80x64xf32, #tpu.memory_space<vmem>>) offsets(%dma_start3A_443 : memref<80xi32, #tpu.memory_space<vmem>>) semaphore(%arg23 : memref<!tpu.dma_semaphore, #tpu.memory_space<semaphore_mem>>)
    }
    %scan3A_200 = arith.constant 31 : i32
    %dma_wait3A_201 = arith.constant 248 : i32
    %dma_wait3A_202 = arith.constant 0 : i32
    %dma_wait3A_203 = tpu.memref_slice %arg6[%dma_wait3A_201, %dma_wait3A_202] : memref<250x80xi32, #tpu.memory_space<vmem>> -> memref<1x80xi32, #tpu.memory_space<vmem>>
    %dma_wait3A_204 = tpu.memref_squeeze %dma_wait3A_203 : memref<1x80xi32, #tpu.memory_space<vmem>> -> memref<80xi32, #tpu.memory_space<vmem>>
    %dma_wait3A_205 = arith.constant 0 : i32
    %dma_wait3A_206 = arith.constant 0 : i32
    %dma_wait3A_207 = tpu.memref_slice %arg3[%dma_wait3A_205, %dma_wait3A_206] : memref<10000x64xf32, #tpu.memory_space<hbm>> -> memref<10000x64xf32, #tpu.memory_space<hbm>>
    tpu.wait_indirect_dma semaphore(%arg17 : memref<!tpu.dma_semaphore, #tpu.memory_space<semaphore_mem>>) src(%dma_wait3A_207 : memref<10000x64xf32, #tpu.memory_space<hbm>>) dst(%arg8 : memref<80x64xf32, #tpu.memory_space<vmem>>)
    %run_scoped3A_208 = arith.constant 248 : i32
    "tpu.region"() ({
      %run_scoped3A_287 = tpu.sem_alloc : memref<!tpu.dma_semaphore, #tpu.memory_space<semaphore_mem>>
      %dma_start3A_288 = arith.constant 0 : i32
      %dma_start3A_289 = tpu.memref_slice %arg7[%run_scoped3A_208, %dma_start3A_288] : memref<250x80xi32, #tpu.memory_space<vmem>> -> memref<1x80xi32, #tpu.memory_space<vmem>>
      %dma_start3A_290 = tpu.memref_squeeze %dma_start3A_289 : memref<1x80xi32, #tpu.memory_space<vmem>> -> memref<80xi32, #tpu.memory_space<vmem>>
      %dma_start3A_291 = arith.constant 0 : i32
      %dma_start3A_292 = arith.constant 0 : i32
      %dma_start3A_293 = tpu.memref_slice %arg16[%dma_start3A_291, %dma_start3A_292] : memref<10008x64xf32, #tpu.memory_space<vmem_shared>> -> memref<10008x64xf32, #tpu.memory_space<vmem_shared>>
      tpu.enqueue_indirect_dma source(%arg8 : memref<80x64xf32, #tpu.memory_space<vmem>>) target(%dma_start3A_293 : memref<10008x64xf32, #tpu.memory_space<vmem_shared>>) offsets(%dma_start3A_290 : memref<80xi32, #tpu.memory_space<vmem>>) semaphore(%run_scoped3A_287 : memref<!tpu.dma_semaphore, #tpu.memory_space<semaphore_mem>>) {add = true}
      %dma_wait3A_294 = arith.constant 0 : i32
      %dma_wait3A_295 = tpu.memref_slice %arg7[%run_scoped3A_208, %dma_wait3A_294] : memref<250x80xi32, #tpu.memory_space<vmem>> -> memref<1x80xi32, #tpu.memory_space<vmem>>
      %dma_wait3A_296 = tpu.memref_squeeze %dma_wait3A_295 : memref<1x80xi32, #tpu.memory_space<vmem>> -> memref<80xi32, #tpu.memory_space<vmem>>
      %dma_wait3A_297 = arith.constant 0 : i32
      %dma_wait3A_298 = arith.constant 0 : i32
      %dma_wait3A_299 = tpu.memref_slice %arg16[%dma_wait3A_297, %dma_wait3A_298] : memref<10008x64xf32, #tpu.memory_space<vmem_shared>> -> memref<10008x64xf32, #tpu.memory_space<vmem_shared>>
      tpu.wait_indirect_dma semaphore(%run_scoped3A_287 : memref<!tpu.dma_semaphore, #tpu.memory_space<semaphore_mem>>) src(%arg8 : memref<80x64xf32, #tpu.memory_space<vmem>>) dst(%dma_wait3A_299 : memref<10008x64xf32, #tpu.memory_space<vmem_shared>>)
      tpu.yield
    }) : () -> ()
    %dma_start3A_209 = arith.constant 249 : i32
    %dma_start3A_210 = arith.constant 0 : i32
    %dma_start3A_211 = tpu.memref_slice %arg6[%dma_start3A_209, %dma_start3A_210] : memref<250x80xi32, #tpu.memory_space<vmem>> -> memref<1x80xi32, #tpu.memory_space<vmem>>
    %dma_start3A_212 = tpu.memref_squeeze %dma_start3A_211 : memref<1x80xi32, #tpu.memory_space<vmem>> -> memref<80xi32, #tpu.memory_space<vmem>>
    %dma_start3A_213 = arith.constant 0 : i32
    %dma_start3A_214 = arith.constant 0 : i32
    %dma_start3A_215 = tpu.memref_slice %arg3[%dma_start3A_213, %dma_start3A_214] : memref<10000x64xf32, #tpu.memory_space<hbm>> -> memref<10000x64xf32, #tpu.memory_space<hbm>>
    tpu.enqueue_indirect_dma source(%dma_start3A_215 : memref<10000x64xf32, #tpu.memory_space<hbm>>) target(%arg15 : memref<80x64xf32, #tpu.memory_space<vmem>>) offsets(%dma_start3A_212 : memref<80xi32, #tpu.memory_space<vmem>>) semaphore(%arg24 : memref<!tpu.dma_semaphore, #tpu.memory_space<semaphore_mem>>)
    %dma_wait3A_216 = arith.constant 249 : i32
    %dma_wait3A_217 = arith.constant 0 : i32
    %dma_wait3A_218 = tpu.memref_slice %arg6[%dma_wait3A_216, %dma_wait3A_217] : memref<250x80xi32, #tpu.memory_space<vmem>> -> memref<1x80xi32, #tpu.memory_space<vmem>>
    %dma_wait3A_219 = tpu.memref_squeeze %dma_wait3A_218 : memref<1x80xi32, #tpu.memory_space<vmem>> -> memref<80xi32, #tpu.memory_space<vmem>>
    %dma_wait3A_220 = arith.constant 0 : i32
    %dma_wait3A_221 = arith.constant 0 : i32
    %dma_wait3A_222 = tpu.memref_slice %arg3[%dma_wait3A_220, %dma_wait3A_221] : memref<10000x64xf32, #tpu.memory_space<hbm>> -> memref<10000x64xf32, #tpu.memory_space<hbm>>
    tpu.wait_indirect_dma semaphore(%arg18 : memref<!tpu.dma_semaphore, #tpu.memory_space<semaphore_mem>>) src(%dma_wait3A_222 : memref<10000x64xf32, #tpu.memory_space<hbm>>) dst(%arg9 : memref<80x64xf32, #tpu.memory_space<vmem>>)
    %run_scoped3A_223 = arith.constant 249 : i32
    "tpu.region"() ({
      %run_scoped3A_287 = tpu.sem_alloc : memref<!tpu.dma_semaphore, #tpu.memory_space<semaphore_mem>>
      %dma_start3A_288 = arith.constant 0 : i32
      %dma_start3A_289 = tpu.memref_slice %arg7[%run_scoped3A_223, %dma_start3A_288] : memref<250x80xi32, #tpu.memory_space<vmem>> -> memref<1x80xi32, #tpu.memory_space<vmem>>
      %dma_start3A_290 = tpu.memref_squeeze %dma_start3A_289 : memref<1x80xi32, #tpu.memory_space<vmem>> -> memref<80xi32, #tpu.memory_space<vmem>>
      %dma_start3A_291 = arith.constant 0 : i32
      %dma_start3A_292 = arith.constant 0 : i32
      %dma_start3A_293 = tpu.memref_slice %arg16[%dma_start3A_291, %dma_start3A_292] : memref<10008x64xf32, #tpu.memory_space<vmem_shared>> -> memref<10008x64xf32, #tpu.memory_space<vmem_shared>>
      tpu.enqueue_indirect_dma source(%arg9 : memref<80x64xf32, #tpu.memory_space<vmem>>) target(%dma_start3A_293 : memref<10008x64xf32, #tpu.memory_space<vmem_shared>>) offsets(%dma_start3A_290 : memref<80xi32, #tpu.memory_space<vmem>>) semaphore(%run_scoped3A_287 : memref<!tpu.dma_semaphore, #tpu.memory_space<semaphore_mem>>) {add = true}
      %dma_wait3A_294 = arith.constant 0 : i32
      %dma_wait3A_295 = tpu.memref_slice %arg7[%run_scoped3A_223, %dma_wait3A_294] : memref<250x80xi32, #tpu.memory_space<vmem>> -> memref<1x80xi32, #tpu.memory_space<vmem>>
      %dma_wait3A_296 = tpu.memref_squeeze %dma_wait3A_295 : memref<1x80xi32, #tpu.memory_space<vmem>> -> memref<80xi32, #tpu.memory_space<vmem>>
      %dma_wait3A_297 = arith.constant 0 : i32
      %dma_wait3A_298 = arith.constant 0 : i32
      %dma_wait3A_299 = tpu.memref_slice %arg16[%dma_wait3A_297, %dma_wait3A_298] : memref<10008x64xf32, #tpu.memory_space<vmem_shared>> -> memref<10008x64xf32, #tpu.memory_space<vmem_shared>>
      tpu.wait_indirect_dma semaphore(%run_scoped3A_287 : memref<!tpu.dma_semaphore, #tpu.memory_space<semaphore_mem>>) src(%arg9 : memref<80x64xf32, #tpu.memory_space<vmem>>) dst(%dma_wait3A_299 : memref<10008x64xf32, #tpu.memory_space<vmem_shared>>)
      tpu.yield
    }) : () -> ()
    %dma_start3A_224 = arith.constant 249 : i32
    %dma_start3A_225 = arith.constant 0 : i32
    %dma_start3A_226 = tpu.memref_slice %arg6[%dma_start3A_224, %dma_start3A_225] : memref<250x80xi32, #tpu.memory_space<vmem>> -> memref<1x80xi32, #tpu.memory_space<vmem>>
    %dma_start3A_227 = tpu.memref_squeeze %dma_start3A_226 : memref<1x80xi32, #tpu.memory_space<vmem>> -> memref<80xi32, #tpu.memory_space<vmem>>
    %dma_start3A_228 = arith.constant 0 : i32
    %dma_start3A_229 = arith.constant 0 : i32
    %dma_start3A_230 = tpu.memref_slice %arg3[%dma_start3A_228, %dma_start3A_229] : memref<10000x64xf32, #tpu.memory_space<hbm>> -> memref<10000x64xf32, #tpu.memory_space<hbm>>
    tpu.enqueue_indirect_dma source(%dma_start3A_230 : memref<10000x64xf32, #tpu.memory_space<hbm>>) target(%arg8 : memref<80x64xf32, #tpu.memory_space<vmem>>) offsets(%dma_start3A_227 : memref<80xi32, #tpu.memory_space<vmem>>) semaphore(%arg17 : memref<!tpu.dma_semaphore, #tpu.memory_space<semaphore_mem>>)
    %dma_wait3A_231 = arith.constant 249 : i32
    %dma_wait3A_232 = arith.constant 0 : i32
    %dma_wait3A_233 = tpu.memref_slice %arg6[%dma_wait3A_231, %dma_wait3A_232] : memref<250x80xi32, #tpu.memory_space<vmem>> -> memref<1x80xi32, #tpu.memory_space<vmem>>
    %dma_wait3A_234 = tpu.memref_squeeze %dma_wait3A_233 : memref<1x80xi32, #tpu.memory_space<vmem>> -> memref<80xi32, #tpu.memory_space<vmem>>
    %dma_wait3A_235 = arith.constant 0 : i32
    %dma_wait3A_236 = arith.constant 0 : i32
    %dma_wait3A_237 = tpu.memref_slice %arg3[%dma_wait3A_235, %dma_wait3A_236] : memref<10000x64xf32, #tpu.memory_space<hbm>> -> memref<10000x64xf32, #tpu.memory_space<hbm>>
    tpu.wait_indirect_dma semaphore(%arg19 : memref<!tpu.dma_semaphore, #tpu.memory_space<semaphore_mem>>) src(%dma_wait3A_237 : memref<10000x64xf32, #tpu.memory_space<hbm>>) dst(%arg10 : memref<80x64xf32, #tpu.memory_space<vmem>>)
    %dma_wait3A_238 = arith.constant 249 : i32
    %dma_wait3A_239 = arith.constant 0 : i32
    %dma_wait3A_240 = tpu.memref_slice %arg6[%dma_wait3A_238, %dma_wait3A_239] : memref<250x80xi32, #tpu.memory_space<vmem>> -> memref<1x80xi32, #tpu.memory_space<vmem>>
    %dma_wait3A_241 = tpu.memref_squeeze %dma_wait3A_240 : memref<1x80xi32, #tpu.memory_space<vmem>> -> memref<80xi32, #tpu.memory_space<vmem>>
    %dma_wait3A_242 = arith.constant 0 : i32
    %dma_wait3A_243 = arith.constant 0 : i32
    %dma_wait3A_244 = tpu.memref_slice %arg3[%dma_wait3A_242, %dma_wait3A_243] : memref<10000x64xf32, #tpu.memory_space<hbm>> -> memref<10000x64xf32, #tpu.memory_space<hbm>>
    tpu.wait_indirect_dma semaphore(%arg20 : memref<!tpu.dma_semaphore, #tpu.memory_space<semaphore_mem>>) src(%dma_wait3A_244 : memref<10000x64xf32, #tpu.memory_space<hbm>>) dst(%arg11 : memref<80x64xf32, #tpu.memory_space<vmem>>)
    %dma_wait3A_245 = arith.constant 249 : i32
    %dma_wait3A_246 = arith.constant 0 : i32
    %dma_wait3A_247 = tpu.memref_slice %arg6[%dma_wait3A_245, %dma_wait3A_246] : memref<250x80xi32, #tpu.memory_space<vmem>> -> memref<1x80xi32, #tpu.memory_space<vmem>>
    %dma_wait3A_248 = tpu.memref_squeeze %dma_wait3A_247 : memref<1x80xi32, #tpu.memory_space<vmem>> -> memref<80xi32, #tpu.memory_space<vmem>>
    %dma_wait3A_249 = arith.constant 0 : i32
    %dma_wait3A_250 = arith.constant 0 : i32
    %dma_wait3A_251 = tpu.memref_slice %arg3[%dma_wait3A_249, %dma_wait3A_250] : memref<10000x64xf32, #tpu.memory_space<hbm>> -> memref<10000x64xf32, #tpu.memory_space<hbm>>
    tpu.wait_indirect_dma semaphore(%arg21 : memref<!tpu.dma_semaphore, #tpu.memory_space<semaphore_mem>>) src(%dma_wait3A_251 : memref<10000x64xf32, #tpu.memory_space<hbm>>) dst(%arg12 : memref<80x64xf32, #tpu.memory_space<vmem>>)
    %dma_wait3A_252 = arith.constant 249 : i32
    %dma_wait3A_253 = arith.constant 0 : i32
    %dma_wait3A_254 = tpu.memref_slice %arg6[%dma_wait3A_252, %dma_wait3A_253] : memref<250x80xi32, #tpu.memory_space<vmem>> -> memref<1x80xi32, #tpu.memory_space<vmem>>
    %dma_wait3A_255 = tpu.memref_squeeze %dma_wait3A_254 : memref<1x80xi32, #tpu.memory_space<vmem>> -> memref<80xi32, #tpu.memory_space<vmem>>
    %dma_wait3A_256 = arith.constant 0 : i32
    %dma_wait3A_257 = arith.constant 0 : i32
    %dma_wait3A_258 = tpu.memref_slice %arg3[%dma_wait3A_256, %dma_wait3A_257] : memref<10000x64xf32, #tpu.memory_space<hbm>> -> memref<10000x64xf32, #tpu.memory_space<hbm>>
    tpu.wait_indirect_dma semaphore(%arg22 : memref<!tpu.dma_semaphore, #tpu.memory_space<semaphore_mem>>) src(%dma_wait3A_258 : memref<10000x64xf32, #tpu.memory_space<hbm>>) dst(%arg13 : memref<80x64xf32, #tpu.memory_space<vmem>>)
    %dma_wait3A_259 = arith.constant 249 : i32
    %dma_wait3A_260 = arith.constant 0 : i32
    %dma_wait3A_261 = tpu.memref_slice %arg6[%dma_wait3A_259, %dma_wait3A_260] : memref<250x80xi32, #tpu.memory_space<vmem>> -> memref<1x80xi32, #tpu.memory_space<vmem>>
    %dma_wait3A_262 = tpu.memref_squeeze %dma_wait3A_261 : memref<1x80xi32, #tpu.memory_space<vmem>> -> memref<80xi32, #tpu.memory_space<vmem>>
    %dma_wait3A_263 = arith.constant 0 : i32
    %dma_wait3A_264 = arith.constant 0 : i32
    %dma_wait3A_265 = tpu.memref_slice %arg3[%dma_wait3A_263, %dma_wait3A_264] : memref<10000x64xf32, #tpu.memory_space<hbm>> -> memref<10000x64xf32, #tpu.memory_space<hbm>>
    tpu.wait_indirect_dma semaphore(%arg23 : memref<!tpu.dma_semaphore, #tpu.memory_space<semaphore_mem>>) src(%dma_wait3A_265 : memref<10000x64xf32, #tpu.memory_space<hbm>>) dst(%arg14 : memref<80x64xf32, #tpu.memory_space<vmem>>)
    %dma_wait3A_266 = arith.constant 249 : i32
    %dma_wait3A_267 = arith.constant 0 : i32
    %dma_wait3A_268 = tpu.memref_slice %arg6[%dma_wait3A_266, %dma_wait3A_267] : memref<250x80xi32, #tpu.memory_space<vmem>> -> memref<1x80xi32, #tpu.memory_space<vmem>>
    %dma_wait3A_269 = tpu.memref_squeeze %dma_wait3A_268 : memref<1x80xi32, #tpu.memory_space<vmem>> -> memref<80xi32, #tpu.memory_space<vmem>>
    %dma_wait3A_270 = arith.constant 0 : i32
    %dma_wait3A_271 = arith.constant 0 : i32
    %dma_wait3A_272 = tpu.memref_slice %arg3[%dma_wait3A_270, %dma_wait3A_271] : memref<10000x64xf32, #tpu.memory_space<hbm>> -> memref<10000x64xf32, #tpu.memory_space<hbm>>
    tpu.wait_indirect_dma semaphore(%arg24 : memref<!tpu.dma_semaphore, #tpu.memory_space<semaphore_mem>>) src(%dma_wait3A_272 : memref<10000x64xf32, #tpu.memory_space<hbm>>) dst(%arg15 : memref<80x64xf32, #tpu.memory_space<vmem>>)
    %dma_wait3A_273 = arith.constant 249 : i32
    %dma_wait3A_274 = arith.constant 0 : i32
    %dma_wait3A_275 = tpu.memref_slice %arg6[%dma_wait3A_273, %dma_wait3A_274] : memref<250x80xi32, #tpu.memory_space<vmem>> -> memref<1x80xi32, #tpu.memory_space<vmem>>
    %dma_wait3A_276 = tpu.memref_squeeze %dma_wait3A_275 : memref<1x80xi32, #tpu.memory_space<vmem>> -> memref<80xi32, #tpu.memory_space<vmem>>
    %dma_wait3A_277 = arith.constant 0 : i32
    %dma_wait3A_278 = arith.constant 0 : i32
    %dma_wait3A_279 = tpu.memref_slice %arg3[%dma_wait3A_277, %dma_wait3A_278] : memref<10000x64xf32, #tpu.memory_space<hbm>> -> memref<10000x64xf32, #tpu.memory_space<hbm>>
    tpu.wait_indirect_dma semaphore(%arg17 : memref<!tpu.dma_semaphore, #tpu.memory_space<semaphore_mem>>) src(%dma_wait3A_279 : memref<10000x64xf32, #tpu.memory_space<hbm>>) dst(%arg8 : memref<80x64xf32, #tpu.memory_space<vmem>>)
    %barrier3A_280 = arith.constant 0 : index
    tpu.barrier barrier_id(%barrier3A_280)
    %run_scoped3A_281 = arith.constant 1 : i32
    "tpu.region"() ({
      %run_scoped3A_287 = tpu.sem_alloc : memref<!tpu.dma_semaphore, #tpu.memory_space<semaphore_mem>>
      %dma_start3A_288 = arith.constant 0 : i32
      %dma_start3A_289 = tpu.memref_slice %arg5[%arg0, %run_scoped3A_281, %mul3A_1, %dma_start3A_288] : memref<2x2x10000x64xf32, #tpu.memory_space<hbm>> -> memref<1x1x624x64xf32, #tpu.memory_space<hbm>>
      %dma_start3A_290 = tpu.memref_squeeze %dma_start3A_289 : memref<1x1x624x64xf32, #tpu.memory_space<hbm>> -> memref<624x64xf32, #tpu.memory_space<hbm>>
      %dma_start3A_291 = arith.constant 0 : i32
      %dma_start3A_292 = tpu.memref_slice %arg16[%mul3A_1, %dma_start3A_291] : memref<10008x64xf32, #tpu.memory_space<vmem_shared>> -> memref<624x64xf32, #tpu.memory_space<vmem_shared>>
      tpu.enqueue_dma source(%dma_start3A_292 : memref<624x64xf32, #tpu.memory_space<vmem_shared>>) target(%dma_start3A_290 : memref<624x64xf32, #tpu.memory_space<hbm>>) target_semaphore(%run_scoped3A_287 : memref<!tpu.dma_semaphore, #tpu.memory_space<semaphore_mem>>)
      %dma_wait3A_293 = arith.constant 0 : i32
      %dma_wait3A_294 = tpu.memref_slice %arg5[%arg0, %run_scoped3A_281, %mul3A_1, %dma_wait3A_293] : memref<2x2x10000x64xf32, #tpu.memory_space<hbm>> -> memref<1x1x624x64xf32, #tpu.memory_space<hbm>>
      %dma_wait3A_295 = tpu.memref_squeeze %dma_wait3A_294 : memref<1x1x624x64xf32, #tpu.memory_space<hbm>> -> memref<624x64xf32, #tpu.memory_space<hbm>>
      %dma_wait3A_296 = arith.constant 0 : i32
      %dma_wait3A_297 = tpu.memref_slice %arg16[%mul3A_1, %dma_wait3A_296] : memref<10008x64xf32, #tpu.memory_space<vmem_shared>> -> memref<624x64xf32, #tpu.memory_space<vmem_shared>>
      tpu.wait_dma2 semaphore(%run_scoped3A_287 : memref<!tpu.dma_semaphore, #tpu.memory_space<semaphore_mem>>) src(%dma_wait3A_297 : memref<624x64xf32, #tpu.memory_space<vmem_shared>>) dst(%dma_wait3A_295 : memref<624x64xf32, #tpu.memory_space<hbm>>)
      tpu.yield
    }) : () -> ()
    %eq3A_282 = arith.constant 15 : i32
    %eq3A_283 = arith.cmpi eq, %arg1, %eq3A_282 : i32
    %convert_element_type3A_284 = arith.extui %eq3A_283 : i1 to i32
    %cond3A_285 = arith.constant 0 : i32
    %cond3A_286 = arith.cmpi ne, %convert_element_type3A_284, %cond3A_285 : i32
    scf.if %cond3A_286 {
      %run_scoped3A_287 = arith.constant 1 : i32
      "tpu.region"() ({
        %run_scoped3A_288 = tpu.sem_alloc : memref<!tpu.dma_semaphore, #tpu.memory_space<semaphore_mem>>
        %dma_start3A_289 = arith.constant 9984 : i32
        %dma_start3A_290 = arith.constant 0 : i32
        %dma_start3A_291 = tpu.memref_slice %arg5[%arg0, %run_scoped3A_287, %dma_start3A_289, %dma_start3A_290] : memref<2x2x10000x64xf32, #tpu.memory_space<hbm>> -> memref<1x1x16x64xf32, #tpu.memory_space<hbm>>
        %dma_start3A_292 = tpu.memref_squeeze %dma_start3A_291 : memref<1x1x16x64xf32, #tpu.memory_space<hbm>> -> memref<16x64xf32, #tpu.memory_space<hbm>>
        %dma_start3A_293 = arith.constant 9984 : i32
        %dma_start3A_294 = arith.constant 0 : i32
        %dma_start3A_295 = tpu.memref_slice %arg16[%dma_start3A_293, %dma_start3A_294] : memref<10008x64xf32, #tpu.memory_space<vmem_shared>> -> memref<16x64xf32, #tpu.memory_space<vmem_shared>>
        tpu.enqueue_dma source(%dma_start3A_295 : memref<16x64xf32, #tpu.memory_space<vmem_shared>>) target(%dma_start3A_292 : memref<16x64xf32, #tpu.memory_space<hbm>>) target_semaphore(%run_scoped3A_288 : memref<!tpu.dma_semaphore, #tpu.memory_space<semaphore_mem>>)
        %dma_wait3A_296 = arith.constant 9984 : i32
        %dma_wait3A_297 = arith.constant 0 : i32
        %dma_wait3A_298 = tpu.memref_slice %arg5[%arg0, %run_scoped3A_287, %dma_wait3A_296, %dma_wait3A_297] : memref<2x2x10000x64xf32, #tpu.memory_space<hbm>> -> memref<1x1x16x64xf32, #tpu.memory_space<hbm>>
        %dma_wait3A_299 = tpu.memref_squeeze %dma_wait3A_298 : memref<1x1x16x64xf32, #tpu.memory_space<hbm>> -> memref<16x64xf32, #tpu.memory_space<hbm>>
        %dma_wait3A_300 = arith.constant 9984 : i32
        %dma_wait3A_301 = arith.constant 0 : i32
        %dma_wait3A_302 = tpu.memref_slice %arg16[%dma_wait3A_300, %dma_wait3A_301] : memref<10008x64xf32, #tpu.memory_space<vmem_shared>> -> memref<16x64xf32, #tpu.memory_space<vmem_shared>>
        tpu.wait_dma2 semaphore(%run_scoped3A_288 : memref<!tpu.dma_semaphore, #tpu.memory_space<semaphore_mem>>) src(%dma_wait3A_302 : memref<16x64xf32, #tpu.memory_space<vmem_shared>>) dst(%dma_wait3A_299 : memref<16x64xf32, #tpu.memory_space<hbm>>)
        tpu.yield
      }) : () -> ()
    } else {
    }
    return
  }
}

module attributes {stable_mosaic.version = 14 : i64} {
  func.func @_tc_mlp_body(%arg0: i32, %arg1: memref<1x2x10000x64xf32, #tpu.memory_space<vmem>>, %arg2: memref<1x128x128xf32, #tpu.memory_space<vmem>>, %arg3: memref<1x128x128xf32, #tpu.memory_space<vmem>>, %arg4: memref<1x1x128xf32, #tpu.memory_space<vmem>>, %arg5: memref<1x1x128xf32, #tpu.memory_space<vmem>>, %arg6: memref<1x1x128xf32, #tpu.memory_space<vmem>>, %arg7: memref<1x1x128xf32, #tpu.memory_space<vmem>>, %arg8: memref<10000x128xf32, #tpu.memory_space<vmem>>) attributes {dimension_semantics = [#tpu.dimension_semantics<arbitrary>], iteration_bounds = array<i64: 2>, scalar_prefetch = 0 : i64, scratch_operands = 0 : i64, tpu.core_type = #tpu.core_type<tc>, window_params = [{transform_indices = @transform_0, window_bounds = array<i64: 1, 2, 10000, 64>}, {transform_indices = @transform_1, window_bounds = array<i64: 1, 128, 128>}, {transform_indices = @transform_2, window_bounds = array<i64: 1, 128, 128>}, {transform_indices = @transform_3, window_bounds = array<i64: 1, 1, 128>}, {transform_indices = @transform_4, window_bounds = array<i64: 1, 1, 128>}, {transform_indices = @transform_5, window_bounds = array<i64: 1, 1, 128>}, {transform_indices = @transform_6, window_bounds = array<i64: 1, 1, 128>}, {pipeline_mode = #tpu.pipeline_mode<synchronous>, transform_indices = @transform_7, window_bounds = array<i64: 10000, 128>}]} {
    %get3A = arith.constant 0 : index
    %get3A_0 = arith.constant 0 : index
    %get3A_1 = arith.constant 0 : index
    %get3A_2 = vector.load %arg2[%get3A, %get3A_0, %get3A_1] : memref<1x128x128xf32, #tpu.memory_space<vmem>>, vector<1x128x128xf32>
    %get3A_3 = vector.shape_cast %get3A_2 : vector<1x128x128xf32> to vector<128x128xf32>
    %get3A_4 = arith.constant 0 : index
    %get3A_5 = arith.constant 0 : index
    %get3A_6 = arith.constant 0 : index
    %get3A_7 = arith.constant 0 : index
    %get3A_8 = vector.load %arg1[%get3A_4, %get3A_5, %get3A_6, %get3A_7] : memref<1x2x10000x64xf32, #tpu.memory_space<vmem>>, vector<1x1x10000x64xf32>
    %get3A_9 = vector.shape_cast %get3A_8 : vector<1x1x10000x64xf32> to vector<10000x64xf32>
    %slice3A = vector.extract_strided_slice %get3A_3 {offsets = [0, 0], sizes = [64, 128], strides = [1, 1]} : vector<128x128xf32> to vector<64x128xf32>
    %dot_general3A = arith.constant dense<0.000000e+00> : vector<10000x128xf32>
    %dot_general3A_10 = tpu.matmul %get3A_9, %slice3A, %dot_general3A {dimension_numbers = #tpu.dot_dimension_numbers<[1], [0], [0], [1], [0, 0, 1, 1], [], []>, transpose_lhs_hint = false} : vector<10000x64xf32>, vector<64x128xf32>, vector<10000x128xf32> -> vector<10000x128xf32>
    %get3A_11 = arith.constant 0 : index
    %get3A_12 = arith.constant 1 : index
    %get3A_13 = arith.constant 0 : index
    %get3A_14 = arith.constant 0 : index
    %get3A_15 = vector.load %arg1[%get3A_11, %get3A_12, %get3A_13, %get3A_14] : memref<1x2x10000x64xf32, #tpu.memory_space<vmem>>, vector<1x1x10000x64xf32>
    %get3A_16 = vector.shape_cast %get3A_15 : vector<1x1x10000x64xf32> to vector<10000x64xf32>
    %slice3A_17 = vector.extract_strided_slice %get3A_3 {offsets = [64, 0], sizes = [64, 128], strides = [1, 1]} : vector<128x128xf32> to vector<64x128xf32>
    %dot_general3A_18 = arith.constant dense<0.000000e+00> : vector<10000x128xf32>
    %dot_general3A_19 = tpu.matmul %get3A_16, %slice3A_17, %dot_general3A_18 {dimension_numbers = #tpu.dot_dimension_numbers<[1], [0], [0], [1], [0, 0, 1, 1], [], []>, transpose_lhs_hint = false} : vector<10000x64xf32>, vector<64x128xf32>, vector<10000x128xf32> -> vector<10000x128xf32>
    %add3A = arith.addf %dot_general3A_10, %dot_general3A_19 : vector<10000x128xf32>
    %reduce_sum3A = arith.constant dense<0.000000e+00> : vector<128xf32>
    %reduce_sum3A_20 = vector.multi_reduction <add>, %add3A, %reduce_sum3A [0] : vector<10000x128xf32> to vector<128xf32>
    %broadcast_in_dim3A = vector.shape_cast %reduce_sum3A_20 : vector<128xf32> to vector<1x128xf32>
    %div3A = arith.constant 1.000000e+04 : f32
    %div3A_21 = vector.broadcast %div3A : f32 to vector<1x128xf32>
    %div3A_22 = arith.divf %broadcast_in_dim3A, %div3A_21 : vector<1x128xf32>
    %sub3A = vector.broadcast %div3A_22 : vector<1x128xf32> to vector<10000x128xf32>
    %sub3A_23 = arith.subf %add3A, %sub3A : vector<10000x128xf32>
    %sub3A_24 = vector.broadcast %div3A_22 : vector<1x128xf32> to vector<10000x128xf32>
    %sub3A_25 = arith.subf %add3A, %sub3A_24 : vector<10000x128xf32>
    %mul3A = arith.mulf %sub3A_23, %sub3A_25 : vector<10000x128xf32>
    %reduce_sum3A_26 = arith.constant dense<0.000000e+00> : vector<128xf32>
    %reduce_sum3A_27 = vector.multi_reduction <add>, %mul3A, %reduce_sum3A_26 [0] : vector<10000x128xf32> to vector<128xf32>
    %broadcast_in_dim3A_28 = vector.shape_cast %reduce_sum3A_27 : vector<128xf32> to vector<1x128xf32>
    %div3A_29 = arith.constant 1.000000e+04 : f32
    %div3A_30 = vector.broadcast %div3A_29 : f32 to vector<1x128xf32>
    %div3A_31 = arith.divf %broadcast_in_dim3A_28, %div3A_30 : vector<1x128xf32>
    %sub3A_32 = vector.broadcast %div3A_22 : vector<1x128xf32> to vector<10000x128xf32>
    %sub3A_33 = arith.subf %add3A, %sub3A_32 : vector<10000x128xf32>
    %add3A_34 = arith.constant 9.99999974E-6 : f32
    %add3A_35 = vector.broadcast %add3A_34 : f32 to vector<1x128xf32>
    %add3A_36 = arith.addf %div3A_31, %add3A_35 : vector<1x128xf32>
    %rsqrt3A = math.rsqrt %add3A_36 : vector<1x128xf32>
    %mul3A_37 = vector.broadcast %rsqrt3A : vector<1x128xf32> to vector<10000x128xf32>
    %mul3A_38 = arith.mulf %sub3A_33, %mul3A_37 : vector<10000x128xf32>
    %get3A_39 = arith.constant 0 : index
    %get3A_40 = arith.constant 0 : index
    %get3A_41 = arith.constant 0 : index
    %get3A_42 = vector.load %arg4[%get3A_39, %get3A_40, %get3A_41] : memref<1x1x128xf32, #tpu.memory_space<vmem>>, vector<1x1x128xf32>
    %get3A_43 = vector.shape_cast %get3A_42 : vector<1x1x128xf32> to vector<1x128xf32>
    %mul3A_44 = vector.broadcast %get3A_43 : vector<1x128xf32> to vector<10000x128xf32>
    %mul3A_45 = arith.mulf %mul3A_38, %mul3A_44 : vector<10000x128xf32>
    %get3A_46 = arith.constant 0 : index
    %get3A_47 = arith.constant 0 : index
    %get3A_48 = arith.constant 0 : index
    %get3A_49 = vector.load %arg5[%get3A_46, %get3A_47, %get3A_48] : memref<1x1x128xf32, #tpu.memory_space<vmem>>, vector<1x1x128xf32>
    %get3A_50 = vector.shape_cast %get3A_49 : vector<1x1x128xf32> to vector<1x128xf32>
    %add3A_51 = vector.broadcast %get3A_50 : vector<1x128xf32> to vector<10000x128xf32>
    %add3A_52 = arith.addf %mul3A_45, %add3A_51 : vector<10000x128xf32>
    %max3A = arith.constant 0.000000e+00 : f32
    %max3A_53 = vector.broadcast %max3A : f32 to vector<10000x128xf32>
    %max3A_54 = arith.maximumf %add3A_52, %max3A_53 : vector<10000x128xf32>
    %get3A_55 = arith.constant 0 : index
    %get3A_56 = arith.constant 0 : index
    %get3A_57 = arith.constant 0 : index
    %get3A_58 = vector.load %arg3[%get3A_55, %get3A_56, %get3A_57] : memref<1x128x128xf32, #tpu.memory_space<vmem>>, vector<1x128x128xf32>
    %get3A_59 = vector.shape_cast %get3A_58 : vector<1x128x128xf32> to vector<128x128xf32>
    %dot_general3A_60 = arith.constant dense<0.000000e+00> : vector<10000x128xf32>
    %dot_general3A_61 = tpu.matmul %max3A_54, %get3A_59, %dot_general3A_60 {dimension_numbers = #tpu.dot_dimension_numbers<[1], [0], [0], [1], [0, 0, 1, 1], [], []>, transpose_lhs_hint = false} : vector<10000x128xf32>, vector<128x128xf32>, vector<10000x128xf32> -> vector<10000x128xf32>
    %reduce_sum3A_62 = arith.constant dense<0.000000e+00> : vector<128xf32>
    %reduce_sum3A_63 = vector.multi_reduction <add>, %dot_general3A_61, %reduce_sum3A_62 [0] : vector<10000x128xf32> to vector<128xf32>
    %broadcast_in_dim3A_64 = vector.shape_cast %reduce_sum3A_63 : vector<128xf32> to vector<1x128xf32>
    %div3A_65 = arith.constant 1.000000e+04 : f32
    %div3A_66 = vector.broadcast %div3A_65 : f32 to vector<1x128xf32>
    %div3A_67 = arith.divf %broadcast_in_dim3A_64, %div3A_66 : vector<1x128xf32>
    %sub3A_68 = vector.broadcast %div3A_67 : vector<1x128xf32> to vector<10000x128xf32>
    %sub3A_69 = arith.subf %dot_general3A_61, %sub3A_68 : vector<10000x128xf32>
    %sub3A_70 = vector.broadcast %div3A_67 : vector<1x128xf32> to vector<10000x128xf32>
    %sub3A_71 = arith.subf %dot_general3A_61, %sub3A_70 : vector<10000x128xf32>
    %mul3A_72 = arith.mulf %sub3A_69, %sub3A_71 : vector<10000x128xf32>
    %reduce_sum3A_73 = arith.constant dense<0.000000e+00> : vector<128xf32>
    %reduce_sum3A_74 = vector.multi_reduction <add>, %mul3A_72, %reduce_sum3A_73 [0] : vector<10000x128xf32> to vector<128xf32>
    %broadcast_in_dim3A_75 = vector.shape_cast %reduce_sum3A_74 : vector<128xf32> to vector<1x128xf32>
    %div3A_76 = arith.constant 1.000000e+04 : f32
    %div3A_77 = vector.broadcast %div3A_76 : f32 to vector<1x128xf32>
    %div3A_78 = arith.divf %broadcast_in_dim3A_75, %div3A_77 : vector<1x128xf32>
    %sub3A_79 = vector.broadcast %div3A_67 : vector<1x128xf32> to vector<10000x128xf32>
    %sub3A_80 = arith.subf %dot_general3A_61, %sub3A_79 : vector<10000x128xf32>
    %add3A_81 = arith.constant 9.99999974E-6 : f32
    %add3A_82 = vector.broadcast %add3A_81 : f32 to vector<1x128xf32>
    %add3A_83 = arith.addf %div3A_78, %add3A_82 : vector<1x128xf32>
    %rsqrt3A_84 = math.rsqrt %add3A_83 : vector<1x128xf32>
    %mul3A_85 = vector.broadcast %rsqrt3A_84 : vector<1x128xf32> to vector<10000x128xf32>
    %mul3A_86 = arith.mulf %sub3A_80, %mul3A_85 : vector<10000x128xf32>
    %get3A_87 = arith.constant 0 : index
    %get3A_88 = arith.constant 0 : index
    %get3A_89 = arith.constant 0 : index
    %get3A_90 = vector.load %arg6[%get3A_87, %get3A_88, %get3A_89] : memref<1x1x128xf32, #tpu.memory_space<vmem>>, vector<1x1x128xf32>
    %get3A_91 = vector.shape_cast %get3A_90 : vector<1x1x128xf32> to vector<1x128xf32>
    %mul3A_92 = vector.broadcast %get3A_91 : vector<1x128xf32> to vector<10000x128xf32>
    %mul3A_93 = arith.mulf %mul3A_86, %mul3A_92 : vector<10000x128xf32>
    %get3A_94 = arith.constant 0 : index
    %get3A_95 = arith.constant 0 : index
    %get3A_96 = arith.constant 0 : index
    %get3A_97 = vector.load %arg7[%get3A_94, %get3A_95, %get3A_96] : memref<1x1x128xf32, #tpu.memory_space<vmem>>, vector<1x1x128xf32>
    %get3A_98 = vector.shape_cast %get3A_97 : vector<1x1x128xf32> to vector<1x128xf32>
    %add3A_99 = vector.broadcast %get3A_98 : vector<1x128xf32> to vector<10000x128xf32>
    %add3A_100 = arith.addf %mul3A_93, %add3A_99 : vector<10000x128xf32>
    %max3A_101 = arith.constant 0.000000e+00 : f32
    %max3A_102 = vector.broadcast %max3A_101 : f32 to vector<10000x128xf32>
    %max3A_103 = arith.maximumf %add3A_100, %max3A_102 : vector<10000x128xf32>
    %eq3A = arith.constant 0 : i32
    %eq3A_104 = arith.cmpi eq, %arg0, %eq3A : i32
    %convert_element_type3A = arith.extui %eq3A_104 : i1 to i32
    %cond3A = arith.constant 0 : i32
    %cond3A_105 = arith.cmpi ne, %convert_element_type3A, %cond3A : i32
    scf.if %cond3A_105 {
      %swap3A = arith.constant 0 : index
      %swap3A_111 = arith.constant 0 : index
      %swap3A_112 = vector.load %arg8[%swap3A, %swap3A_111] : memref<10000x128xf32, #tpu.memory_space<vmem>>, vector<10000x128xf32>
      tpu.vector_store %arg8[%swap3A, %swap3A_111], %max3A_103 {strides = array<i32>} : memref<10000x128xf32, #tpu.memory_space<vmem>>, vector<10000x128xf32>,
    } else {
    }
    %eq3A_106 = arith.constant 1 : i32
    %eq3A_107 = arith.cmpi eq, %arg0, %eq3A_106 : i32
    %convert_element_type3A_108 = arith.extui %eq3A_107 : i1 to i32
    %cond3A_109 = arith.constant 0 : i32
    %cond3A_110 = arith.cmpi ne, %convert_element_type3A_108, %cond3A_109 : i32
    scf.if %cond3A_110 {
      %get3A_111 = arith.constant 0 : index
      %get3A_112 = arith.constant 0 : index
      %get3A_113 = vector.load %arg8[%get3A_111, %get3A_112] : memref<10000x128xf32, #tpu.memory_space<vmem>>, vector<10000x128xf32>
      %add3A_114 = arith.addf %get3A_113, %max3A_103 : vector<10000x128xf32>
      %swap3A = arith.constant 0 : index
      %swap3A_115 = arith.constant 0 : index
      %swap3A_116 = vector.load %arg8[%swap3A, %swap3A_115] : memref<10000x128xf32, #tpu.memory_space<vmem>>, vector<10000x128xf32>
      tpu.vector_store %arg8[%swap3A, %swap3A_115], %add3A_114 {strides = array<i32>} : memref<10000x128xf32, #tpu.memory_space<vmem>>, vector<10000x128xf32>,
    } else {
    }
    return
  }
  func.func @transform_0(%arg0: i32) -> (i32, i32, i32, i32) {
    %c0_i32 = arith.constant 0 : i32
    %c0_i32_0 = arith.constant 0 : i32
    %c0_i32_1 = arith.constant 0 : i32
    %c0_i32_2 = arith.constant 0 : i32
    return %arg0, %c0_i32, %c0_i32_0, %c0_i32_1 : i32, i32, i32, i32
  }
  func.func @transform_1(%arg0: i32) -> (i32, i32, i32) {
    %c0_i32 = arith.constant 0 : i32
    %c0_i32_0 = arith.constant 0 : i32
    %c0_i32_1 = arith.constant 0 : i32
    return %arg0, %c0_i32, %c0_i32_0 : i32, i32, i32
  }
  func.func @transform_2(%arg0: i32) -> (i32, i32, i32) {
    %c0_i32 = arith.constant 0 : i32
    %c0_i32_0 = arith.constant 0 : i32
    %c0_i32_1 = arith.constant 0 : i32
    return %arg0, %c0_i32, %c0_i32_0 : i32, i32, i32
  }
  func.func @transform_3(%arg0: i32) -> (i32, i32, i32) {
    %c0_i32 = arith.constant 0 : i32
    %c0_i32_0 = arith.constant 0 : i32
    %c0_i32_1 = arith.constant 0 : i32
    return %arg0, %c0_i32, %c0_i32_0 : i32, i32, i32
  }
  func.func @transform_4(%arg0: i32) -> (i32, i32, i32) {
    %c0_i32 = arith.constant 0 : i32
    %c0_i32_0 = arith.constant 0 : i32
    %c0_i32_1 = arith.constant 0 : i32
    return %arg0, %c0_i32, %c0_i32_0 : i32, i32, i32
  }
  func.func @transform_5(%arg0: i32) -> (i32, i32, i32) {
    %c0_i32 = arith.constant 0 : i32
    %c0_i32_0 = arith.constant 0 : i32
    %c0_i32_1 = arith.constant 0 : i32
    return %arg0, %c0_i32, %c0_i32_0 : i32, i32, i32
  }
  func.func @transform_6(%arg0: i32) -> (i32, i32, i32) {
    %c0_i32 = arith.constant 0 : i32
    %c0_i32_0 = arith.constant 0 : i32
    %c0_i32_1 = arith.constant 0 : i32
    return %arg0, %c0_i32, %c0_i32_0 : i32, i32, i32
  }
  func.func @transform_7(%arg0: i32) -> (i32, i32) {
    %c0_i32 = arith.constant 0 : i32
    %c0_i32_0 = arith.constant 0 : i32
    %c0_i32_1 = arith.constant 0 : i32
    return %c0_i32, %c0_i32_0 : i32, i32
  }
}

</mosaic_0001>

<sc_bundles>
// kernel: kernel.4.cloned.1.call-start
scs
__scs_entry_jumppad:
0x0: {  	(pc) =	sbr.rel $0x88, $3  }
0x1: {  	(tag) =	ssettag $0x0;
	lr =	simm.s32 $0x1  }
0x2: {  	[smem:$0x3F92] =	sst lr;
	_ =	strace $0xD0000000  }
0x3: {  	_ = 	snop  }
0x4: {  	_ = 	snop  }
0x5: {  	_ = 	snop  }
0x6: {  	_ = 	snop  }
0x7: {  	_ = 	snop  }
__scs_overlays_trampoline_lowered:
0x8: {  	[smem:$0x3FA1] =	sst s0  }
0x9: {  	[smem:$0x3FA2] =	sst s1  }
0xa: {  	[smem:$0x3FA3] =	sst s2  }
0xb: {  	[smem:$0x3FA4] =	sst s3  }
0xc: {  	[smem:$0x3FA5] =	sst s4  }
0xd: {  	[smem:$0x3FA6] =	sst s5  }
0xe: {  	[smem:$0x3FA7] =	sst s6  }
0xf: {  	[smem:$0x3FA8] =	sst s7  }
0x10: {  	[smem:$0x3FA9] =	sst s8  }
0x11: {  	[smem:$0x3FAA] =	sst s9;
	s0 =	simm.s32 @!p0 $0x0  }
0x12: {  	s1 =	sld [smem:$0x3F90];
	s0 =	simm.s32 @p0 $0x1  }
0x13: {  	[smem:$0x3FAB] =	sst s0;
	s0 =	simm.s32 @!p1 $0x0  }
0x14: {  	s2 =	sld [smem:$0x3F8F];
	s0 =	simm.s32 @p1 $0x1  }
0x15: {  	[smem:$0x3FAC] =	sst s0;
	s0 =	simm.s32 @!p2 $0x0  }
0x16: {  	s3 =	sld [smem:$0x3FDB];
	s0 =	simm.s32 @p2 $0x1  }
0x17: {  	s4 =	simm.s32 $0x1BF5;
	[smem:$0x3FAE] =	sst s0  }
0x18: {  	s0 =	sld [smem:$0x3F91];
	_ =	swait.ge [sflag:s4], $0x0  }
0x19: {  	s7 =	sld [smem:$0x3F92]  }
0x1a: {  	s8 =	sadd.s32 $0xFFFFE003, lr  }
0x1b: {  	s9 =	sadd.s32 $0xFFFFFEF7, lr;
	s5 =	simm.s32 $0xFFFFFFFF;
	p2 =	slt.u32 s8, $0xFFFFF086  }
0x1c: {  	p1 =	slt.u32 s9, $0xF7A;
	s5 =	simm.s32 @!p2 $0x0  }
0x1d: {  	s5 =	simm.s32 @p1 $0x1;
	p0 =	seq.s32 s7, s2  }
0x1e: {  	s7 =	smul.u32 @!p0 $0xF7A, s2;
	p2 =	seq.s32 @!p0 s5, $0x0  }
0x1f: {  	s9 =	smul.u32 $0xF7A, s1;
	s8 =	simm.s32 @!p0 $0x1BF5;
	p2 =	por !p2, p0  }
0x20: {  	[sflag:s8] =	ssyncset.s32 @!p0 $0xFFFFF086;
	s6 =	sadd.s32 @!p0 s3, s7;
	s7 =	simm.s32 @!p0 $0x108  }
0x21: {  	s3 =	sadd.s32 s3, s9;
	s6 =	sadd.s32 @!p0 $0x88, s6;
	s7 =	simm.s32 @p2 $0x1082  }
0x22: {  	[simem:s7], [sflag:s8] =	dma.local @!p0 [hbm:s6], $0xF7A  }
0x23: {  	s9 =	sor.u32 $0xD0000000, s2;
	s6 =	simm.s32 $0x108;
	_ =	swait.ge @!p0 [sflag:s8], $0x0  }
0x24: {  	s3 =	sadd.s32 $0x88, s3;
	s6 =	simm.s32 @!p1 $0x1082;
	[sflag:s4] =	ssyncset.s32 $0xFFFFF086  }
0x25: {  	[simem:s6], [sflag:s4] =	dma.local [hbm:s3], $0xF7A  }
0x26: {  	[smem:$0x3F92] =	sst s1;
	(tag) =	ssettag s2;
	_ =	strace s9  }
0x27: {  	s1 =	sld [smem:$0x3FA2]  }
0x28: {  	s2 =	sld [smem:$0x3FA3]  }
0x29: {  	s4 =	sld [smem:$0x3FA5]  }
0x2a: {  	p0 =	seq.s32 s5, $0x0;
	s5 =	sld [smem:$0x3FA6]  }
0x2b: {  	s6 =	sld [smem:$0x3FA7]  }
0x2c: {  	s7 =	sld [smem:$0x3FA8]  }
0x2d: {  	s3 =	simm.s32 $0x108;
	s8 =	sld [smem:$0x3FA9]  }
0x2e: {  	s3 =	simm.s32 @!p0 $0x1082;
	s9 =	sld [smem:$0x3FAA]  }
0x2f: {  	lr =	sadd.s32 s0, s3;
	s0 =	sld [smem:$0x3FA1]  }
0x30: {  	s3 =	sld [smem:$0x3FA4]  }
0x31: {  	[smem:$0x3FAD] =	sst s10  }
0x32: {  	s10 =	sld [smem:$0x3FAB];
	_ =	sdelay $0x3  }
0x33: {  	p0 =	seq.s32 s10, $0x1;
	s10 =	sld [smem:$0x3FAD];
	_ =	sdelay $0x3  }
0x34: {  	[smem:$0x3FAD] =	sst s10  }
0x35: {  	s10 =	sld [smem:$0x3FAC];
	_ =	sdelay $0x3  }
0x36: {  	p1 =	seq.s32 s10, $0x1;
	s10 =	sld [smem:$0x3FAD];
	_ =	sdelay $0x3  }
0x37: {  	[smem:$0x3FAD] =	sst s10  }
0x38: {  	s10 =	sld [smem:$0x3FAE]  }
0x39: {  	_ = 	snop;
	(pc) =	sbr.ind lr, $3  }
0x3a: {  	_ = 	snop  }
0x3b: {  	_ = 	snop  }
0x3c: {  	p2 =	seq.s32 s10, $0x1;
	s10 =	sld [smem:$0x3FAD]  }
0x3d: {  	_ =	shalt  }
0x3e: {  	_ =	shalt  }
0x3f: {  	_ =	shalt  }
0x40: {  	_ =	shalt  }
0x41: {  	_ =	shalt  }
0x42: {  	_ =	shalt  }
0x43: {  	_ =	shalt  }
0x44: {  	_ =	shalt  }
0x45: {  	_ =	shalt  }
0x46: {  	_ =	shalt  }
0x47: {  	_ =	shalt  }
0x48: {  	_ =	shalt  }
0x49: {  	_ =	shalt  }
0x4a: {  	_ =	shalt  }
0x4b: {  	_ =	shalt  }
0x4c: {  	_ =	shalt  }
0x4d: {  	_ =	shalt  }
0x4e: {  	_ =	shalt  }
0x4f: {  	_ =	shalt  }
0x50: {  	_ =	shalt  }
0x51: {  	_ =	shalt  }
0x52: {  	_ =	shalt  }
0x53: {  	_ =	shalt  }
0x54: {  	_ =	shalt  }
0x55: {  	_ =	shalt  }
0x56: {  	_ =	shalt  }
0x57: {  	_ =	shalt  }
0x58: {  	_ =	shalt  }
0x59: {  	_ =	shalt  }
0x5a: {  	_ =	shalt  }
0x5b: {  	_ =	shalt  }
0x5c: {  	_ =	shalt  }
0x5d: {  	_ =	shalt  }
0x5e: {  	_ =	shalt  }
0x5f: {  	_ =	shalt  }
0x60: {  	_ =	shalt  }
0x61: {  	_ =	shalt  }
0x62: {  	_ =	shalt  }
0x63: {  	_ =	shalt  }
0x64: {  	_ =	shalt  }
0x65: {  	_ =	shalt  }
0x66: {  	_ =	shalt  }
0x67: {  	_ =	shalt  }
0x68: {  	_ =	shalt  }
0x69: {  	_ =	shalt  }
0x6a: {  	_ =	shalt  }
0x6b: {  	_ =	shalt  }
0x6c: {  	_ =	shalt  }
0x6d: {  	_ =	shalt  }
0x6e: {  	_ =	shalt  }
0x6f: {  	_ =	shalt  }
0x70: {  	_ =	shalt  }
0x71: {  	_ =	shalt  }
0x72: {  	_ =	shalt  }
0x73: {  	_ =	shalt  }
0x74: {  	_ =	shalt  }
0x75: {  	_ =	shalt  }
0x76: {  	_ =	shalt  }
0x77: {  	_ =	shalt  }
0x78: {  	_ =	shalt  }
0x79: {  	_ =	shalt  }
0x7a: {  	_ =	shalt  }
0x7b: {  	_ =	shalt  }
0x7c: {  	_ =	shalt  }
0x7d: {  	_ =	shalt  }
0x7e: {  	_ =	shalt  }
0x7f: {  	_ =	shalt  }
0x80: {  	_ =	shalt  }
0x81: {  	_ =	shalt  }
0x82: {  	_ =	shalt  }
0x83: {  	_ =	shalt  }
0x84: {  	_ =	shalt  }
0x85: {  	_ =	shalt  }
0x86: {  	_ =	shalt  }
0x87: {  	_ =	shalt  }
.Lfunc_end0:
.L_simem_size_0:
called_computation_lowered:
.L_overlay_start_0:
0x88: {  	s2 =	sld [smem:$0x3FD9]  }
0x89: {  	s3 =	sld [smem:$0x3FFE];
	_ =	sdelay $0x1  }
0x8a: {  	s1 =	srdreg.scid  }
0x8b: {  	s0 =	sand.u32 $0x1, s1  }
0x8c: {  	s17 =	sshll.u32 s0, $0xA;
	s2 =	sadd.s32 s3, s2  }
0x8d: {  	s2 =	sadd.s32 s2, s17  }
0x8e: {  	[smem:$0x3FB9] =	sst s2  }
0x8f: {  	_ = 	snop  }
0x90: {  	s2 =	sld [smem:$0x3FD0];
	(tm) =	ssettm $0x1  }
0x91: {  	s18 =	sld [smem:$0x3FFB];
	_ =	sdelay $0x3  }
0x92: {  	_ =	strace s18  }
0x93: {  	s3 =	sld [smem:$0x3FFC];
	_ =	sdelay $0x3  }
0x94: {  	_ =	strace s3  }
0x95: {  	s3 =	sld [smem:$0x3FFD];
	_ =	sdelay $0x3  }
0x96: {  	_ =	strace s3  }
0x97: {  	_ =	strace $0x8FFFFFFF  }
0x98: {  	s19 =	sld [smem:$0x3FDB];
	_ =	sdelay $0x1  }
0x99: {  	s4 =	simm.s32 $_scs_section_size  }
0x9a: {  	s5 =	simm.s32 $_size__tile_overlayer_lowered;
	s6 =	simm.s32 $_tile_overlayer_lowered  }
0x9b: {  	s22 =	simm.s32 $0x1BFF;
	s21 =	sshll.u32 s6, $0x1;
	s3 =	sadd.s32 s4, s19  }
0x9c: {  	s7 =	simm.s32 $0x0;
	s20 =	sshll.u32 s5, $0x1;
	s5 =	sadd.s32 s21, s3  }
0x9d: {  	[timem:s7], [sflag:s22] =	dma.local [hbm:s5], s20  }
0x9e: {  	_ =	swait.ge [sflag:s22], s20  }
0x9f: {  	s4 =	ssub.s32 $0x0, s20;
	[sflag:s22] =	ssyncset.done $0x0  }
0xa0: {  	[sflag:s22] =	ssyncadd.s32 s4;
	_ =	sdelay $0x1  }
0xa1: {  	s23 =	simm.s32 $0x1B8B  }
0xa2: {  	_ =	swait.ge [sflag:s23], $0x1  }
0xa3: {  	[sflag:s23] =	ssyncset.done $0x0  }
0xa4: {  	s25 =	simm.s32 $0x1B8E;
	s24 =	sld [smem:$0x3FFE];
	[sflag:s23] =	ssyncadd.s32 $0xFFFFFFFF  }
0xa5: {  	s26 =	simm.s32 $execute0_lowered;
	[smem:$0x3FD2] =	sst s25  }
0xa6: {  	s5 =	sshll.u32 s26, $0x1;
	_ =	strace $0x80000046;
	[dreg:$0x1] =	wrdreg $0xFFFFFFFF  }
0xa7: {  	s28 =	simm.s32 $_size_execute0_lowered;
	s3 =	sadd.s32 s3, s5;
	[dreg:$0x0] =	wrdreg $0x0  }
0xa8: {  	s5 =	sshll.u32 s28, $0x1;
	[dreg:$0x2] =	wrdreg s3  }
0xa9: {  	[dreg:$0x3] =	wrdreg s5  }
0xaa: {  	[dreg:$0x4] =	wrdreg $0xC0  }
0xab: {  	_ =	task [dreg:s7], $0x5FFFF  }
0xac: {  	[dreg:$0x1] =	wrdreg $0xFFFFFFFF  }
0xad: {  	[dreg:$0x0] =	wrdreg $0x60  }
0xae: {  	[dreg:$0x2] =	wrdreg s24  }
0xaf: {  	[dreg:$0x3] =	wrdreg s2  }
0xb0: {  	[dreg:$0x4] =	wrdreg $0x13C400  }
0xb1: {  	[dreg:$0x5] =	wrdreg $0x9  }
0xb2: {  	_ =	task.clear_ibuf [dreg:s7], $0x6FFFF;
	_ =	strace $0x90000046  }
0xb3: {  	s29 =	simm.s32 $0x9;
	_ =	strace $0x80000048  }
0xb4: {  	_ =	swait.ge [sflag:s29], $0x1  }
0xb5: {  	[sflag:s29] =	ssyncadd.s32 $0xFFFFFFFF  }
0xb6: {  	_ =	strace $0x90000048  }
0xb7: {  	_ =	sfence  }
0xb8: {  	s30 =	sld [smem:$0x0];
	_ =	sdelay $0x2  }
0xb9: {  	s31 =	sshll.u32 s1, $0xD;
	s1 =	sshrl.u32 s1, $0x2  }
0xba: {  	s3 =	sand.u32 $0x4000, s31;
	s1 =	sadd.s32 s1, s30  }
0xbb: {  	s0 =	sor.u32 s3, s0;
	s1 =	sshll.u32 s1, $0x11  }
0xbc: {  	s0 =	sor.u32 s1, s0  }
0xbd: {  	s0 =	sadd.s32 $0x8F2B, s0  }
0xbe: {  	[sflag:s0] =	ssyncadd.remote.s32 $0x1  }
0xbf: {  	_ =	sfence.sel $0xFFFF  }
0xc0: {  	[dreg:$0x0] =	wrdreg $0xFFFFFFFF;
	(pc) =	sbr.abs _section_cstart, $3  }
0xc1: {  	[dreg:$0x1] =	wrdreg $0xFFFFFFFF  }
0xc2: {  	_ =	task.clear_ibuf [dreg:s7], $0x2FFFF;
	_ =	strace $0x9FFFFFFF  }
0xc3: {  	(tm) =	ssettm $0x7FFFFFFF  }
tec
execute0_lowered:
.L_overlay_start_1:
0x0: {  	(tag) =	ssettag $0x1  }
0x1: {  	s0 =	rddreg [dreg:$0x0]  }
0x2: {  	s2 =	rddreg [dreg:$0x1]  }
0x3: {  	s1 =	rddreg [dreg:$0x2]  }
0x4: {  	s3 =	simm.s32 $0x0;
	s4 =	srdreg.scid;
	s13 =	stileid.u32  }
0x5: {  	s28 =	simm.s32 $0xC440;
	s30 =	simm.s32 $0xD840;
	s14 =	simm.s32 $0x2  }
0x6: {  	s15 =	simm.s32 $0x3;
	s16 =	simm.s32 $0x4;
	s29 =	simm.s32 $0x8  }
0x7: {  	[smem:$0x7FF] =	sst s3;
	s6 =	sand.u32 $0x1, s4;
	s8 =	smul.u32 $0x4E20, s13  }
0x8: {  	s4 =	sadd.s32 $0x15E00, s0;
	s5 =	sadd.s32 $0x2400, s0;
	s11 =	smul.u32 $0x9C00, s13  }
0x9: {  	s12 =	sadd.s32 $0x29800, s0;
	s20 =	sadd.s32 $0x9C000, s1;
	s22 =	sadd.s32 $0x29600, s0  }
0xa: {  	s0 =	sadd.s32 $0x15C00, s0;
	p0 =	sne.s32 s13, $0xF;
	s31 =	sshll.u32 s13, $0x6  }
0xb: {  	s7 =	smul.u32 $0x9C400, s6;
	_ =	strace $0x80000047;
	[dreg:$0x8] =	wrdreg s20  }
0xc: {  	s9 =	ssub.s32 $0x2, s6;
	s6 =	smul.u32 $0x138800, s6;
	[dreg:$0x9] =	wrdreg s22  }
0xd: {  	[dreg:$0xd] =	wrdreg s0;
	s0 =	simm.s32 $0xEC40;
	s20 =	simm.s32 $0x10040  }
0xe: {  	s10 =	sshrl.u32 s9, $0x1;
	s17 =	sshrl.u32 s11, $0x3;
	s18 =	sadd.s32 s11, s1  }
0xf: {  	s7 =	sadd.s32 s8, s7;
	s9 =	ssub.s32 s9, s10;
	s19 =	sadd.s32 s4, s17  }
0x10: {  	s21 =	sadd.s32 s11, s6;
	s6 =	sshrl.u32 s6, $0x3;
	[dreg:$0x6] =	wrdreg s18  }
0x11: {  	s22 =	sshrl.u32 s18, $0x3;
	s10 =	simm.s32 $0x1;
	s11 =	simm.s32 $0x12840  }
0x12: {  	s7 =	sshrl.u32 s7, $0x3;
	[dreg:$0x7] =	wrdreg s19;
	s26 =	smax.u32 s9, $0x1  }
0x13: {  	s18 =	simm.s32 $0x7;
	s7 =	sadd.s32 s2, s7;
	[dreg:$0x10] =	wrdreg s26  }
0x14: {  	s6 =	sadd.s32 s12, s6;
	s2 =	sadd.s32 s5, s17;
	[dreg:$0x4] =	wrdreg s7  }
0x15: {  	s19 =	simm.s32 $0x9;
	s23 =	sadd.s32 $0x13800, s6;
	[dreg:$0xb] =	wrdreg s2  }
0x16: {  	s9 =	simm.s32 $0x11440;
	s25 =	sadd.s32 $0x27080, s6;
	[dreg:$0xc] =	wrdreg s23  }
0x17: {  	s26 =	simm.s32 $0x5;
	s7 =	sadd.s32 $0x9C40, s7;
	[dreg:$0xf] =	wrdreg s25  }
0x18: {  	s17 =	simm.s32 $0x6;
	[dreg:$0x5] =	wrdreg s7;
	s7 =	sshrl.u32 s21, $0x3  }
0x19: {  	s23 =	simm.s32 $0x50;
	s25 =	simm.s32 $0xB040;
	s7 =	sadd.s32 s12, s7  }
0x1a: {  	s21 =	sor.u32 $0x1C09, s31;
	[dreg:$0xa] =	wrdreg s7;
	s24 =	sadd.s32 $0x13880, s7  }
0x1b: {  	s7 =	simm.s32 $0x0;
	[dreg:$0xe] =	wrdreg s24;
	s24 =	simm.s32 $0x9C40  }
.LBB2_1:
0x1c: {  	s2 =	rddreg [dreg:$0x4]  }
0x1d: {  	[tilespmem:s3], [sflag:$0x9] =	stream.linear.gather [hbm4b:s2+s3], $0x4E20, $0x38;
	[tilespmem:$0x1D8A0] =	vst v63  }
0x1e: {  	_ =	swait.ge [sflag:s19], $0x4E20  }
0x1f: {  	[sflag:s19] =	ssyncset.done $0x0  }
0x20: {  	s6 =	simm.s32 $0x4E20;
	s8 =	rddreg [dreg:$0x5];
	[sflag:s19] =	ssyncadd.s32 $0xFFFFB1E0  }
0x21: {  	[tilespmem:s6], [sflag:$0x9] =	stream.linear.gather [hbm4b:s8+s3], $0x4E20, $0x38;
	[tilespmem:$0x1D8A0] =	vst v63  }
0x22: {  	_ =	swait.ge [sflag:s19], $0x4E20  }
0x23: {  	[sflag:s19] =	ssyncset.done $0x0  }
0x24: {  	s12 =	rddreg [dreg:$0x7];
	[sflag:s19] =	ssyncadd.s32 $0xFFFFB1E0  }
0x25: {  	[spmem:s22], [sflag:s21] =	dma.local [hbm:s12], $0x1380  }
0x26: {  	_ =	swait.ge [sflag:s19], $0x1380  }
0x27: {  	[sflag:s19] =	ssyncset.done $0x0;
	s2 =	rddreg [dreg:$0x8]  }
0x28: {  	[sflag:s19] =	ssyncadd.s32 $0xFFFFEC80;
	s12 =	sshrl.u32 @!p0 s2, $0x3;
	s2 =	rddreg [dreg:$0x9]  }
0x29: {  	[spmem:s12], [sflag:s21] =	dma.local @!p0 [hbm:s2], $0x80  }
0x2a: {  	s2 =	simm.s32 @!p0 $0x9  }
0x2b: {  	_ =	swait.ge @!p0 [sflag:s2], $0x80  }
0x2c: {  	[sflag:s2] =	ssyncset.done @!p0 $0x0  }
0x2d: {  	[sflag:s2] =	ssyncadd.s32 @!p0 $0xFFFFFF80  }
0x2e: {  	[bflag:$0x0] =	sbarrier.arrive $0xFFFF  }
0x2f: {  	[tilespmem:s24], [sflag:$0x1] =	stream.indirect.gather [hbm4b:s4+s23], $0x40, s3, s23, $0xb8;
	[tilespmem:$0x1D8A0] =	vst v63  }
0x30: {  	_ = 	snop  }
0x31: {  	[tilespmem:s25], [sflag:$0x2] =	stream.indirect.gather [hbm4b:s4+s23], $0x40, s23, s23, $0xb8;
	[tilespmem:$0x1D8A0] =	vst v63  }
0x32: {  	s13 =	simm.s32 $0xA0  }
0x33: {  	[tilespmem:s28], [sflag:$0x3] =	stream.indirect.gather [hbm4b:s4+s23], $0x40, s13, s23, $0xb8;
	[tilespmem:$0x1D8A0] =	vst v63  }
0x34: {  	s6 =	simm.s32 $0xF0  }
0x35: {  	[tilespmem:s30], [sflag:$0x4] =	stream.indirect.gather [hbm4b:s4+s23], $0x40, s6, s23, $0xb8;
	[tilespmem:$0x1D8A0] =	vst v63  }
0x36: {  	s8 =	simm.s32 $0x140  }
0x37: {  	[tilespmem:s0], [sflag:$0x5] =	stream.indirect.gather [hbm4b:s4+s23], $0x40, s8, s23, $0xb8;
	[tilespmem:$0x1D8A0] =	vst v63  }
0x38: {  	s13 =	simm.s32 $0x190  }
0x39: {  	[tilespmem:s20], [sflag:$0x6] =	stream.indirect.gather [hbm4b:s4+s23], $0x40, s13, s23, $0xb8;
	[tilespmem:$0x1D8A0] =	vst v63  }
0x3a: {  	s6 =	simm.s32 $0x1E0  }
0x3b: {  	[tilespmem:s9], [sflag:$0x7] =	stream.indirect.gather [hbm4b:s4+s23], $0x40, s6, s23, $0xb8;
	[tilespmem:$0x1D8A0] =	vst v63  }
0x3c: {  	_ =	swait.ge [sflag:s10], $0x1400  }
0x3d: {  	[sflag:s10] =	ssyncset.done $0x0  }
0x3e: {  	s8 =	simm.s32 $0x4E20;
	[sflag:s10] =	ssyncadd.s32 $0xFFFFEC00  }
0x3f: {  	[spmem:s1] =	stream.indirect.scatter.add.f32 [tilespmem:s24], [sflag:$0x9], $0x40, s8, s23, $0xb8;
	[tilespmem:$0x1D8A0] =	vst v63  }
0x40: {  	_ =	swait.ge [sflag:s19], $0x1400  }
0x41: {  	[sflag:s19] =	ssyncset.done $0x0  }
0x42: {  	s13 =	simm.s32 $0x230;
	[sflag:s19] =	ssyncadd.s32 $0xFFFFEC00  }
0x43: {  	[tilespmem:s11], [sflag:$0x8] =	stream.indirect.gather [hbm4b:s4+s23], $0x40, s13, s23, $0xb8;
	[tilespmem:$0x1D8A0] =	vst v63  }
0x44: {  	_ =	swait.ge [sflag:s14], $0x1400  }
0x45: {  	[sflag:s14] =	ssyncset.done $0x0  }
0x46: {  	s6 =	simm.s32 $0x4E70;
	[sflag:s14] =	ssyncadd.s32 $0xFFFFEC00  }
0x47: {  	[spmem:s1] =	stream.indirect.scatter.add.f32 [tilespmem:s25], [sflag:$0x9], $0x40, s6, s23, $0xb8;
	[tilespmem:$0x1D8A0] =	vst v63  }
0x48: {  	_ =	swait.ge [sflag:s19], $0x1400  }
0x49: {  	[sflag:s19] =	ssyncset.done $0x0  }
0x4a: {  	s8 =	simm.s32 $0x280;
	[sflag:s19] =	ssyncadd.s32 $0xFFFFEC00  }
0x4b: {  	[tilespmem:s24], [sflag:$0x1] =	stream.indirect.gather [hbm4b:s4+s23], $0x40, s8, s23, $0xb8;
	[tilespmem:$0x1D8A0] =	vst v63  }
0x4c: {  	_ =	swait.ge [sflag:s15], $0x1400  }
0x4d: {  	[sflag:s15] =	ssyncset.done $0x0  }
0x4e: {  	s13 =	simm.s32 $0x4EC0;
	[sflag:s15] =	ssyncadd.s32 $0xFFFFEC00  }
0x4f: {  	[spmem:s1] =	stream.indirect.scatter.add.f32 [tilespmem:s28], [sflag:$0x9], $0x40, s13, s23, $0xb8;
	[tilespmem:$0x1D8A0] =	vst v63  }
0x50: {  	_ =	swait.ge [sflag:s19], $0x1400  }
0x51: {  	[sflag:s19] =	ssyncset.done $0x0  }
0x52: {  	s6 =	simm.s32 $0x2D0;
	[sflag:s19] =	ssyncadd.s32 $0xFFFFEC00  }
0x53: {  	[tilespmem:s25], [sflag:$0x2] =	stream.indirect.gather [hbm4b:s4+s23], $0x40, s6, s23, $0xb8;
	[tilespmem:$0x1D8A0] =	vst v63  }
0x54: {  	_ =	swait.ge [sflag:s16], $0x1400  }
0x55: {  	s8 =	smin.u32 s3, $0xEF;
	[sflag:s16] =	ssyncset.done $0x0  }
0x56: {  	s2 =	smul.u32 $0x140, s8;
	s13 =	simm.s32 $0x4F10;
	[sflag:s16] =	ssyncadd.s32 $0xFFFFEC00  }
0x57: {  	[spmem:s1] =	stream.indirect.scatter.add.f32 [tilespmem:s30], [sflag:$0x9], $0x40, s13, s23, $0xb8;
	[tilespmem:$0x1D8A0] =	vst v63  }
0x58: {  	_ =	swait.ge [sflag:s19], $0x1400  }
0x59: {  	s2 =	sshrl.u32 s2, $0x2;
	[sflag:s19] =	ssyncset.done $0x0  }
0x5a: {  	s2 =	sadd.s32 $0x320, s2;
	[sflag:s19] =	ssyncadd.s32 $0xFFFFEC00  }
0x5b: {  	[tilespmem:s28], [sflag:$0x3] =	stream.indirect.gather [hbm4b:s4+s23], $0x40, s2, s23, $0xb8;
	[tilespmem:$0x1D8A0] =	vst v63  }
0x5c: {  	_ =	swait.ge [sflag:s26], $0x1400  }
0x5d: {  	s6 =	smin.u32 s3, $0xEE;
	[sflag:s26] =	ssyncset.done $0x0  }
0x5e: {  	s8 =	simm.s32 $0x4F60;
	s2 =	smul.u32 $0x140, s6;
	[sflag:s26] =	ssyncadd.s32 $0xFFFFEC00  }
0x5f: {  	[spmem:s1] =	stream.indirect.scatter.add.f32 [tilespmem:s0], [sflag:$0x9], $0x40, s8, s23, $0xb8;
	[tilespmem:$0x1D8A0] =	vst v63  }
0x60: {  	_ =	swait.ge [sflag:s19], $0x1400  }
0x61: {  	s2 =	sshrl.u32 s2, $0x2;
	[sflag:s19] =	ssyncset.done $0x0  }
0x62: {  	s2 =	sadd.s32 $0x370, s2;
	[sflag:s19] =	ssyncadd.s32 $0xFFFFEC00  }
0x63: {  	[tilespmem:s30], [sflag:$0x4] =	stream.indirect.gather [hbm4b:s4+s23], $0x40, s2, s23, $0xb8;
	[tilespmem:$0x1D8A0] =	vst v63  }
0x64: {  	_ =	swait.ge [sflag:s17], $0x1400  }
0x65: {  	s6 =	smin.u32 s3, $0xED;
	[sflag:s17] =	ssyncset.done $0x0  }
0x66: {  	s8 =	simm.s32 $0x4FB0;
	s2 =	smul.u32 $0x140, s6;
	[sflag:s17] =	ssyncadd.s32 $0xFFFFEC00  }
0x67: {  	[spmem:s1] =	stream.indirect.scatter.add.f32 [tilespmem:s20], [sflag:$0x9], $0x40, s8, s23, $0xb8;
	[tilespmem:$0x1D8A0] =	vst v63  }
0x68: {  	_ =	swait.ge [sflag:s19], $0x1400  }
0x69: {  	s2 =	sshrl.u32 s2, $0x2;
	[sflag:s19] =	ssyncset.done $0x0  }
0x6a: {  	s2 =	sadd.s32 $0x3C0, s2;
	[sflag:s19] =	ssyncadd.s32 $0xFFFFEC00  }
0x6b: {  	[tilespmem:s0], [sflag:$0x5] =	stream.indirect.gather [hbm4b:s4+s23], $0x40, s2, s23, $0xb8;
	[tilespmem:$0x1D8A0] =	vst v63  }
0x6c: {  	_ =	swait.ge [sflag:s18], $0x1400  }
0x6d: {  	s6 =	smin.u32 s3, $0xEC;
	[sflag:s18] =	ssyncset.done $0x0  }
0x6e: {  	s8 =	simm.s32 $0x5000;
	s2 =	smul.u32 $0x140, s6;
	[sflag:s18] =	ssyncadd.s32 $0xFFFFEC00  }
0x6f: {  	[spmem:s1] =	stream.indirect.scatter.add.f32 [tilespmem:s9], [sflag:$0x9], $0x40, s8, s23, $0xb8;
	[tilespmem:$0x1D8A0] =	vst v63  }
0x70: {  	_ =	swait.ge [sflag:s19], $0x1400  }
0x71: {  	s2 =	sshrl.u32 s2, $0x2;
	[sflag:s19] =	ssyncset.done $0x0  }
0x72: {  	s2 =	sadd.s32 $0x410, s2;
	[sflag:s19] =	ssyncadd.s32 $0xFFFFEC00  }
0x73: {  	[tilespmem:s20], [sflag:$0x6] =	stream.indirect.gather [hbm4b:s4+s23], $0x40, s2, s23, $0xb8;
	[tilespmem:$0x1D8A0] =	vst v63  }
0x74: {  	_ =	swait.ge [sflag:s29], $0x1400  }
0x75: {  	s6 =	smin.u32 s3, $0xEB;
	[sflag:s29] =	ssyncset.done $0x0  }
0x76: {  	s8 =	simm.s32 $0x5050;
	s2 =	smul.u32 $0x140, s6;
	[sflag:s29] =	ssyncadd.s32 $0xFFFFEC00  }
0x77: {  	[spmem:s1] =	stream.indirect.scatter.add.f32 [tilespmem:s11], [sflag:$0x9], $0x40, s8, s23, $0xb8;
	[tilespmem:$0x1D8A0] =	vst v63  }
0x78: {  	s31 =	simm.s32 $0xA00;
	s2 =	sshrl.u32 s2, $0x2;
	_ =	swait.ge [sflag:s19], $0x1400  }
0x79: {  	s13 =	sadd.s32 $0x460, s2;
	s2 =	simm.s32 $0x0;
	[sflag:s19] =	ssyncset.done $0x0  }
.LBB2_2:
0x7a: {  	p1 =	sne.s32 s31, $0x12C00;
	[sflag:s19] =	ssyncadd.s32 $0xFFFFEC00;
	s2 =	sadd.s32 $0x8, s2  }
0x7b: {  	[tilespmem:s9], [sflag:$0x7] =	stream.indirect.gather [hbm4b:s4+s23], $0x40, s13, s23, $0xb8;
	[tilespmem:$0x1D8A0] =	vst v63  }
0x7c: {  	s13 =	sshra.s32 s31, $0x2;
	s31 =	sadd.s32 $0xA00, s31;
	_ =	swait.ge [sflag:s10], $0x1400  }
0x7d: {  	s8 =	sadd.s32 $0x4E20, s13;
	[sflag:s10] =	ssyncset.done $0x0  }
0x7e: {  	[sflag:s10] =	ssyncadd.s32 $0xFFFFEC00  }
0x7f: {  	[spmem:s1] =	stream.indirect.scatter.add.f32 [tilespmem:s24], [sflag:$0x9], $0x40, s8, s23, $0xb8;
	[tilespmem:$0x1D8A0] =	vst v63  }
0x80: {  	_ =	swait.ge [sflag:s19], $0x1400  }
0x81: {  	s8 =	sadd.s32 $0x230, s13;
	[sflag:s19] =	ssyncset.done $0x0  }
0x82: {  	[sflag:s19] =	ssyncadd.s32 $0xFFFFEC00  }
0x83: {  	[tilespmem:s11], [sflag:$0x8] =	stream.indirect.gather [hbm4b:s4+s23], $0x40, s8, s23, $0xb8;
	[tilespmem:$0x1D8A0] =	vst v63  }
0x84: {  	_ =	swait.ge [sflag:s14], $0x1400  }
0x85: {  	s8 =	sadd.s32 $0x4E70, s13;
	[sflag:s14] =	ssyncset.done $0x0  }
0x86: {  	[sflag:s14] =	ssyncadd.s32 $0xFFFFEC00  }
0x87: {  	[spmem:s1] =	stream.indirect.scatter.add.f32 [tilespmem:s25], [sflag:$0x9], $0x40, s8, s23, $0xb8;
	[tilespmem:$0x1D8A0] =	vst v63  }
0x88: {  	_ =	swait.ge [sflag:s19], $0x1400  }
0x89: {  	s8 =	sadd.s32 $0x280, s13;
	[sflag:s19] =	ssyncset.done $0x0  }
0x8a: {  	[sflag:s19] =	ssyncadd.s32 $0xFFFFEC00  }
0x8b: {  	[tilespmem:s24], [sflag:$0x1] =	stream.indirect.gather [hbm4b:s4+s23], $0x40, s8, s23, $0xb8;
	[tilespmem:$0x1D8A0] =	vst v63  }
0x8c: {  	_ =	swait.ge [sflag:s15], $0x1400  }
0x8d: {  	s8 =	sadd.s32 $0x4EC0, s13;
	[sflag:s15] =	ssyncset.done $0x0  }
0x8e: {  	[sflag:s15] =	ssyncadd.s32 $0xFFFFEC00  }
0x8f: {  	[spmem:s1] =	stream.indirect.scatter.add.f32 [tilespmem:s28], [sflag:$0x9], $0x40, s8, s23, $0xb8;
	[tilespmem:$0x1D8A0] =	vst v63  }
0x90: {  	_ =	swait.ge [sflag:s19], $0x1400  }
0x91: {  	s8 =	sadd.s32 $0x2D0, s13;
	[sflag:s19] =	ssyncset.done $0x0  }
0x92: {  	[sflag:s19] =	ssyncadd.s32 $0xFFFFEC00  }
0x93: {  	[tilespmem:s25], [sflag:$0x2] =	stream.indirect.gather [hbm4b:s4+s23], $0x40, s8, s23, $0xb8;
	[tilespmem:$0x1D8A0] =	vst v63  }
0x94: {  	_ =	swait.ge [sflag:s16], $0x1400  }
0x95: {  	s6 =	smin.u32 s2, $0xEF;
	s8 =	sadd.s32 $0x4F10, s13;
	[sflag:s16] =	ssyncset.done $0x0  }
0x96: {  	s6 =	smul.u32 $0x140, s6;
	[sflag:s16] =	ssyncadd.s32 $0xFFFFEC00  }
0x97: {  	[spmem:s1] =	stream.indirect.scatter.add.f32 [tilespmem:s30], [sflag:$0x9], $0x40, s8, s23, $0xb8;
	[tilespmem:$0x1D8A0] =	vst v63  }
0x98: {  	s6 =	sshrl.u32 s6, $0x2;
	_ =	swait.ge [sflag:s19], $0x1400  }
0x99: {  	s6 =	sadd.s32 $0x320, s6;
	[sflag:s19] =	ssyncset.done $0x0  }
0x9a: {  	[sflag:s19] =	ssyncadd.s32 $0xFFFFEC00  }
0x9b: {  	[tilespmem:s28], [sflag:$0x3] =	stream.indirect.gather [hbm4b:s4+s23], $0x40, s6, s23, $0xb8;
	[tilespmem:$0x1D8A0] =	vst v63  }
0x9c: {  	_ =	swait.ge [sflag:s26], $0x1400  }
0x9d: {  	s8 =	smin.u32 s2, $0xEE;
	s6 =	sadd.s32 $0x4F60, s13;
	[sflag:s26] =	ssyncset.done $0x0  }
0x9e: {  	s8 =	smul.u32 $0x140, s8;
	[sflag:s26] =	ssyncadd.s32 $0xFFFFEC00  }
0x9f: {  	[spmem:s1] =	stream.indirect.scatter.add.f32 [tilespmem:s0], [sflag:$0x9], $0x40, s6, s23, $0xb8;
	[tilespmem:$0x1D8A0] =	vst v63  }
0xa0: {  	s6 =	sshrl.u32 s8, $0x2;
	_ =	swait.ge [sflag:s19], $0x1400  }
0xa1: {  	s6 =	sadd.s32 $0x370, s6;
	[sflag:s19] =	ssyncset.done $0x0  }
0xa2: {  	[sflag:s19] =	ssyncadd.s32 $0xFFFFEC00  }
0xa3: {  	[tilespmem:s30], [sflag:$0x4] =	stream.indirect.gather [hbm4b:s4+s23], $0x40, s6, s23, $0xb8;
	[tilespmem:$0x1D8A0] =	vst v63  }
0xa4: {  	_ =	swait.ge [sflag:s17], $0x1400  }
0xa5: {  	s8 =	smin.u32 s2, $0xED;
	s6 =	sadd.s32 $0x4FB0, s13;
	[sflag:s17] =	ssyncset.done $0x0  }
0xa6: {  	s8 =	smul.u32 $0x140, s8;
	[sflag:s17] =	ssyncadd.s32 $0xFFFFEC00  }
0xa7: {  	[spmem:s1] =	stream.indirect.scatter.add.f32 [tilespmem:s20], [sflag:$0x9], $0x40, s6, s23, $0xb8;
	[tilespmem:$0x1D8A0] =	vst v63  }
0xa8: {  	s6 =	sshrl.u32 s8, $0x2;
	_ =	swait.ge [sflag:s19], $0x1400  }
0xa9: {  	s6 =	sadd.s32 $0x3C0, s6;
	[sflag:s19] =	ssyncset.done $0x0  }
0xaa: {  	[sflag:s19] =	ssyncadd.s32 $0xFFFFEC00  }
0xab: {  	[tilespmem:s0], [sflag:$0x5] =	stream.indirect.gather [hbm4b:s4+s23], $0x40, s6, s23, $0xb8;
	[tilespmem:$0x1D8A0] =	vst v63  }
0xac: {  	_ =	swait.ge [sflag:s18], $0x1400  }
0xad: {  	s8 =	smin.u32 s2, $0xEC;
	s6 =	sadd.s32 $0x5000, s13;
	[sflag:s18] =	ssyncset.done $0x0  }
0xae: {  	s8 =	smul.u32 $0x140, s8;
	[sflag:s18] =	ssyncadd.s32 $0xFFFFEC00  }
0xaf: {  	[spmem:s1] =	stream.indirect.scatter.add.f32 [tilespmem:s9], [sflag:$0x9], $0x40, s6, s23, $0xb8;
	[tilespmem:$0x1D8A0] =	vst v63  }
0xb0: {  	s6 =	sshrl.u32 s8, $0x2;
	_ =	swait.ge [sflag:s19], $0x1400  }
0xb1: {  	s6 =	sadd.s32 $0x410, s6;
	[sflag:s19] =	ssyncset.done $0x0  }
0xb2: {  	[sflag:s19] =	ssyncadd.s32 $0xFFFFEC00  }
0xb3: {  	[tilespmem:s20], [sflag:$0x6] =	stream.indirect.gather [hbm4b:s4+s23], $0x40, s6, s23, $0xb8;
	[tilespmem:$0x1D8A0] =	vst v63  }
0xb4: {  	s6 =	smin.u32 s2, $0xEB;
	_ =	swait.ge [sflag:s29], $0x1400  }
.Ltmp0:
0xb5: {  	s8 =	sadd.s32 $0x5050, s13;
	[sflag:s29] =	ssyncset.done $0x0;
	(pc) =	sbr.rel @p1 .LBB2_2-.Ltmp0, $4  }
0xb6: {  	s6 =	smul.u32 $0x140, s6;
	[sflag:s29] =	ssyncadd.s32 $0xFFFFEC00  }
0xb7: {  	[spmem:s1] =	stream.indirect.scatter.add.f32 [tilespmem:s11], [sflag:$0x9], $0x40, s8, s23, $0xb8;
	[tilespmem:$0x1D8A0] =	vst v63  }
0xb8: {  	s6 =	sshrl.u32 s6, $0x2;
	_ =	swait.ge [sflag:s19], $0x1400  }
0xb9: {  	s13 =	sadd.s32 $0x460, s6;
	[sflag:s19] =	ssyncset.done $0x0  }
0xba: {  	[sflag:s19] =	ssyncadd.s32 $0xFFFFEC00  }
0xbb: {  	[tilespmem:s9], [sflag:$0x7] =	stream.indirect.gather [hbm4b:s4+s23], $0x40, s13, s23, $0xb8;
	[tilespmem:$0x1D8A0] =	vst v63  }
0xbc: {  	_ =	swait.ge [sflag:s10], $0x1400  }
0xbd: {  	[sflag:s10] =	ssyncset.done $0x0  }
0xbe: {  	s2 =	simm.s32 $0x9BA0;
	[sflag:s10] =	ssyncadd.s32 $0xFFFFEC00  }
0xbf: {  	[spmem:s1] =	stream.indirect.scatter.add.f32 [tilespmem:s24], [sflag:$0x9], $0x40, s2, s23, $0xb8;
	[tilespmem:$0x1D8A0] =	vst v63  }
0xc0: {  	_ =	swait.ge [sflag:s19], $0x1400  }
0xc1: {  	[sflag:s19] =	ssyncset.done $0x0  }
0xc2: {  	s13 =	simm.s32 $0x4DD0;
	[sflag:s19] =	ssyncadd.s32 $0xFFFFEC00  }
0xc3: {  	[tilespmem:s11], [sflag:$0x8] =	stream.indirect.gather [hbm4b:s4+s23], $0x40, s13, s23, $0xb8;
	[tilespmem:$0x1D8A0] =	vst v63  }
0xc4: {  	_ =	swait.ge [sflag:s14], $0x1400  }
0xc5: {  	[sflag:s14] =	ssyncset.done $0x0  }
0xc6: {  	s6 =	simm.s32 $0x9BF0;
	[sflag:s14] =	ssyncadd.s32 $0xFFFFEC00  }
0xc7: {  	[spmem:s1] =	stream.indirect.scatter.add.f32 [tilespmem:s25], [sflag:$0x9], $0x40, s6, s23, $0xb8;
	[tilespmem:$0x1D8A0] =	vst v63  }
0xc8: {  	_ =	swait.ge [sflag:s19], $0x1400  }
0xc9: {  	[sflag:s19] =	ssyncset.done $0x0  }
0xca: {  	[sflag:s19] =	ssyncadd.s32 $0xFFFFEC00  }
0xcb: {  	[tilespmem:s24], [sflag:$0x1] =	stream.indirect.gather [hbm4b:s4+s23], $0x40, s13, s23, $0xb8;
	[tilespmem:$0x1D8A0] =	vst v63  }
0xcc: {  	_ =	swait.ge [sflag:s15], $0x1400  }
0xcd: {  	[sflag:s15] =	ssyncset.done $0x0  }
0xce: {  	[sflag:s15] =	ssyncadd.s32 $0xFFFFEC00  }
0xcf: {  	_ =	swait.ge [sflag:s16], $0x1400  }
0xd0: {  	[sflag:s16] =	ssyncset.done $0x0  }
0xd1: {  	[sflag:s16] =	ssyncadd.s32 $0xFFFFEC00  }
0xd2: {  	_ =	swait.ge [sflag:s26], $0x1400  }
0xd3: {  	[sflag:s26] =	ssyncset.done $0x0  }
0xd4: {  	[sflag:s26] =	ssyncadd.s32 $0xFFFFEC00  }
0xd5: {  	_ =	swait.ge [sflag:s17], $0x1400  }
0xd6: {  	[sflag:s17] =	ssyncset.done $0x0  }
0xd7: {  	[sflag:s17] =	ssyncadd.s32 $0xFFFFEC00  }
0xd8: {  	_ =	swait.ge [sflag:s18], $0x1400  }
0xd9: {  	[sflag:s18] =	ssyncset.done $0x0  }
0xda: {  	[sflag:s18] =	ssyncadd.s32 $0xFFFFEC00  }
0xdb: {  	_ =	swait.ge [sflag:s29], $0x1400  }
0xdc: {  	[sflag:s29] =	ssyncset.done $0x0  }
0xdd: {  	[sflag:s29] =	ssyncadd.s32 $0xFFFFEC00  }
0xde: {  	_ =	swait.ge [sflag:s10], $0x1400  }
0xdf: {  	[sflag:s10] =	ssyncset.done $0x0  }
0xe0: {  	[sflag:s10] =	ssyncadd.s32 $0xFFFFEC00  }
0xe1: {  	[bflag:$0x0] =	sbarrier.arrive $0xFFFF  }
0xe2: {  	s8 =	rddreg [dreg:$0xa]  }
0xe3: {  	[hbm:s8], [sflag:s21] =	dma.local [spmem:s22], $0x1380  }
0xe4: {  	_ =	swait.ge [sflag:s19], $0x1380  }
0xe5: {  	[sflag:s19] =	ssyncset.done $0x0;
	s6 =	rddreg [dreg:$0x6]  }
0xe6: {  	s8 =	rddreg [dreg:$0xb];
	[sflag:s19] =	ssyncadd.s32 $0xFFFFEC80;
	s2 =	sshrl.u32 @p0 s6, $0x3  }
0xe7: {  	[spmem:s2], [sflag:s21] =	dma.local @p0 [hbm:s8], $0x1380  }
0xe8: {  	s2 =	simm.s32 @p0 $0x9  }
0xe9: {  	_ =	swait.ge @p0 [sflag:s2], $0x1380  }
0xea: {  	[sflag:s2] =	ssyncset.done @p0 $0x0  }
0xeb: {  	[sflag:s2] =	ssyncadd.s32 @p0 $0xFFFFEC80;
	s2 =	rddreg [dreg:$0xc]  }
0xec: {  	[hbm:s2], [sflag:s21] =	dma.local @!p0 [spmem:s12], $0x80  }
0xed: {  	s2 =	simm.s32 @!p0 $0x9  }
0xee: {  	_ =	swait.ge @!p0 [sflag:s2], $0x80  }
0xef: {  	[sflag:s2] =	ssyncset.done @!p0 $0x0  }
0xf0: {  	s6 =	sshrl.u32 @!p0 s6, $0x3;
	[sflag:s2] =	ssyncadd.s32 @!p0 $0xFFFFFF80  }
0xf1: {  	[spmem:s6], [sflag:s21] =	dma.local @!p0 [hbm:s8], $0x1380  }
0xf2: {  	_ =	swait.ge @!p0 [sflag:s2], $0x1380  }
0xf3: {  	[sflag:s2] =	ssyncset.done @!p0 $0x0  }
0xf4: {  	s6 =	rddreg [dreg:$0xd];
	[sflag:s2] =	ssyncadd.s32 @!p0 $0xFFFFEC80  }
0xf5: {  	[spmem:s12], [sflag:s21] =	dma.local @!p0 [hbm:s6], $0x80  }
0xf6: {  	_ =	swait.ge @!p0 [sflag:s2], $0x80  }
0xf7: {  	[sflag:s2] =	ssyncset.done @!p0 $0x0  }
0xf8: {  	[sflag:s2] =	ssyncadd.s32 @!p0 $0xFFFFFF80  }
0xf9: {  	s31 =	simm.s32 $0x0;
	[bflag:$0x0] =	sbarrier.arrive $0xFFFF  }
0xfa: {  	[tilespmem:s24], [sflag:$0x1] =	stream.indirect.gather [hbm4b:s5+s23], $0x40, s31, s23, $0xb8;
	[tilespmem:$0x1D8A0] =	vst v63  }
0xfb: {  	_ = 	snop  }
0xfc: {  	[tilespmem:s25], [sflag:$0x2] =	stream.indirect.gather [hbm4b:s5+s23], $0x40, s23, s23, $0xb8;
	[tilespmem:$0x1D8A0] =	vst v63  }
0xfd: {  	s13 =	simm.s32 $0xA0  }
0xfe: {  	[tilespmem:s28], [sflag:$0x3] =	stream.indirect.gather [hbm4b:s5+s23], $0x40, s13, s23, $0xb8;
	[tilespmem:$0x1D8A0] =	vst v63  }
0xff: {  	s6 =	simm.s32 $0xF0  }
0x100: {  	[tilespmem:s30], [sflag:$0x4] =	stream.indirect.gather [hbm4b:s5+s23], $0x40, s6, s23, $0xb8;
	[tilespmem:$0x1D8A0] =	vst v63  }
0x101: {  	s8 =	simm.s32 $0x140  }
0x102: {  	[tilespmem:s0], [sflag:$0x5] =	stream.indirect.gather [hbm4b:s5+s23], $0x40, s8, s23, $0xb8;
	[tilespmem:$0x1D8A0] =	vst v63  }
0x103: {  	s13 =	simm.s32 $0x190  }
0x104: {  	[tilespmem:s20], [sflag:$0x6] =	stream.indirect.gather [hbm4b:s5+s23], $0x40, s13, s23, $0xb8;
	[tilespmem:$0x1D8A0] =	vst v63  }
0x105: {  	s6 =	simm.s32 $0x1E0  }
0x106: {  	[tilespmem:s9], [sflag:$0x7] =	stream.indirect.gather [hbm4b:s5+s23], $0x40, s6, s23, $0xb8;
	[tilespmem:$0x1D8A0] =	vst v63  }
0x107: {  	_ =	swait.ge [sflag:s10], $0x1400  }
0x108: {  	[sflag:s10] =	ssyncset.done $0x0  }
0x109: {  	s8 =	simm.s32 $0x4E20;
	[sflag:s10] =	ssyncadd.s32 $0xFFFFEC00  }
0x10a: {  	[spmem:s1] =	stream.indirect.scatter.add.f32 [tilespmem:s24], [sflag:$0x9], $0x40, s8, s23, $0xb8;
	[tilespmem:$0x1D8A0] =	vst v63  }
0x10b: {  	_ =	swait.ge [sflag:s19], $0x1400  }
0x10c: {  	[sflag:s19] =	ssyncset.done $0x0  }
0x10d: {  	s13 =	simm.s32 $0x230;
	[sflag:s19] =	ssyncadd.s32 $0xFFFFEC00  }
0x10e: {  	[tilespmem:s11], [sflag:$0x8] =	stream.indirect.gather [hbm4b:s5+s23], $0x40, s13, s23, $0xb8;
	[tilespmem:$0x1D8A0] =	vst v63  }
0x10f: {  	_ =	swait.ge [sflag:s14], $0x1400  }
0x110: {  	[sflag:s14] =	ssyncset.done $0x0  }
0x111: {  	s6 =	simm.s32 $0x4E70;
	[sflag:s14] =	ssyncadd.s32 $0xFFFFEC00  }
0x112: {  	[spmem:s1] =	stream.indirect.scatter.add.f32 [tilespmem:s25], [sflag:$0x9], $0x40, s6, s23, $0xb8;
	[tilespmem:$0x1D8A0] =	vst v63  }
0x113: {  	_ =	swait.ge [sflag:s19], $0x1400  }
0x114: {  	[sflag:s19] =	ssyncset.done $0x0  }
0x115: {  	s8 =	simm.s32 $0x280;
	[sflag:s19] =	ssyncadd.s32 $0xFFFFEC00  }
0x116: {  	[tilespmem:s24], [sflag:$0x1] =	stream.indirect.gather [hbm4b:s5+s23], $0x40, s8, s23, $0xb8;
	[tilespmem:$0x1D8A0] =	vst v63  }
0x117: {  	_ =	swait.ge [sflag:s15], $0x1400  }
0x118: {  	[sflag:s15] =	ssyncset.done $0x0  }
0x119: {  	s13 =	simm.s32 $0x4EC0;
	[sflag:s15] =	ssyncadd.s32 $0xFFFFEC00  }
0x11a: {  	[spmem:s1] =	stream.indirect.scatter.add.f32 [tilespmem:s28], [sflag:$0x9], $0x40, s13, s23, $0xb8;
	[tilespmem:$0x1D8A0] =	vst v63  }
0x11b: {  	_ =	swait.ge [sflag:s19], $0x1400  }
0x11c: {  	[sflag:s19] =	ssyncset.done $0x0  }
0x11d: {  	s6 =	simm.s32 $0x2D0;
	[sflag:s19] =	ssyncadd.s32 $0xFFFFEC00  }
0x11e: {  	[tilespmem:s25], [sflag:$0x2] =	stream.indirect.gather [hbm4b:s5+s23], $0x40, s6, s23, $0xb8;
	[tilespmem:$0x1D8A0] =	vst v63  }
0x11f: {  	_ =	swait.ge [sflag:s16], $0x1400  }
0x120: {  	s8 =	smin.u32 s31, $0xEF;
	[sflag:s16] =	ssyncset.done $0x0  }
0x121: {  	s2 =	smul.u32 $0x140, s8;
	s13 =	simm.s32 $0x4F10;
	[sflag:s16] =	ssyncadd.s32 $0xFFFFEC00  }
0x122: {  	[spmem:s1] =	stream.indirect.scatter.add.f32 [tilespmem:s30], [sflag:$0x9], $0x40, s13, s23, $0xb8;
	[tilespmem:$0x1D8A0] =	vst v63  }
0x123: {  	_ =	swait.ge [sflag:s19], $0x1400  }
0x124: {  	s2 =	sshrl.u32 s2, $0x2;
	[sflag:s19] =	ssyncset.done $0x0  }
0x125: {  	s2 =	sadd.s32 $0x320, s2;
	[sflag:s19] =	ssyncadd.s32 $0xFFFFEC00  }
0x126: {  	[tilespmem:s28], [sflag:$0x3] =	stream.indirect.gather [hbm4b:s5+s23], $0x40, s2, s23, $0xb8;
	[tilespmem:$0x1D8A0] =	vst v63  }
0x127: {  	_ =	swait.ge [sflag:s26], $0x1400  }
0x128: {  	s8 =	smin.u32 s31, $0xEE;
	[sflag:s26] =	ssyncset.done $0x0  }
0x129: {  	s13 =	simm.s32 $0x4F60;
	s2 =	smul.u32 $0x140, s8;
	[sflag:s26] =	ssyncadd.s32 $0xFFFFEC00  }
0x12a: {  	[spmem:s1] =	stream.indirect.scatter.add.f32 [tilespmem:s0], [sflag:$0x9], $0x40, s13, s23, $0xb8;
	[tilespmem:$0x1D8A0] =	vst v63  }
0x12b: {  	_ =	swait.ge [sflag:s19], $0x1400  }
0x12c: {  	s2 =	sshrl.u32 s2, $0x2;
	[sflag:s19] =	ssyncset.done $0x0  }
0x12d: {  	s2 =	sadd.s32 $0x370, s2;
	[sflag:s19] =	ssyncadd.s32 $0xFFFFEC00  }
0x12e: {  	[tilespmem:s30], [sflag:$0x4] =	stream.indirect.gather [hbm4b:s5+s23], $0x40, s2, s23, $0xb8;
	[tilespmem:$0x1D8A0] =	vst v63  }
0x12f: {  	_ =	swait.ge [sflag:s17], $0x1400  }
0x130: {  	s8 =	smin.u32 s31, $0xED;
	[sflag:s17] =	ssyncset.done $0x0  }
0x131: {  	s13 =	simm.s32 $0x4FB0;
	s2 =	smul.u32 $0x140, s8;
	[sflag:s17] =	ssyncadd.s32 $0xFFFFEC00  }
0x132: {  	[spmem:s1] =	stream.indirect.scatter.add.f32 [tilespmem:s20], [sflag:$0x9], $0x40, s13, s23, $0xb8;
	[tilespmem:$0x1D8A0] =	vst v63  }
0x133: {  	_ =	swait.ge [sflag:s19], $0x1400  }
0x134: {  	s2 =	sshrl.u32 s2, $0x2;
	[sflag:s19] =	ssyncset.done $0x0  }
0x135: {  	s2 =	sadd.s32 $0x3C0, s2;
	[sflag:s19] =	ssyncadd.s32 $0xFFFFEC00  }
0x136: {  	[tilespmem:s0], [sflag:$0x5] =	stream.indirect.gather [hbm4b:s5+s23], $0x40, s2, s23, $0xb8;
	[tilespmem:$0x1D8A0] =	vst v63  }
0x137: {  	_ =	swait.ge [sflag:s18], $0x1400  }
0x138: {  	s8 =	smin.u32 s31, $0xEC;
	[sflag:s18] =	ssyncset.done $0x0  }
0x139: {  	s13 =	simm.s32 $0x5000;
	s2 =	smul.u32 $0x140, s8;
	[sflag:s18] =	ssyncadd.s32 $0xFFFFEC00  }
0x13a: {  	[spmem:s1] =	stream.indirect.scatter.add.f32 [tilespmem:s9], [sflag:$0x9], $0x40, s13, s23, $0xb8;
	[tilespmem:$0x1D8A0] =	vst v63  }
0x13b: {  	_ =	swait.ge [sflag:s19], $0x1400  }
0x13c: {  	s2 =	sshrl.u32 s2, $0x2;
	[sflag:s19] =	ssyncset.done $0x0  }
0x13d: {  	s2 =	sadd.s32 $0x410, s2;
	[sflag:s19] =	ssyncadd.s32 $0xFFFFEC00  }
0x13e: {  	[tilespmem:s20], [sflag:$0x6] =	stream.indirect.gather [hbm4b:s5+s23], $0x40, s2, s23, $0xb8;
	[tilespmem:$0x1D8A0] =	vst v63  }
0x13f: {  	_ =	swait.ge [sflag:s29], $0x1400  }
0x140: {  	s6 =	smin.u32 s31, $0xEB;
	[sflag:s29] =	ssyncset.done $0x0  }
0x141: {  	s8 =	simm.s32 $0x5050;
	s2 =	smul.u32 $0x140, s6;
	[sflag:s29] =	ssyncadd.s32 $0xFFFFEC00  }
0x142: {  	[spmem:s1] =	stream.indirect.scatter.add.f32 [tilespmem:s11], [sflag:$0x9], $0x40, s8, s23, $0xb8;
	[tilespmem:$0x1D8A0] =	vst v63  }
0x143: {  	s13 =	sshrl.u32 s2, $0x2;
	_ =	swait.ge [sflag:s19], $0x1400  }
0x144: {  	s2 =	simm.s32 $0xA00;
	s13 =	sadd.s32 $0x460, s13;
	[sflag:s19] =	ssyncset.done $0x0  }
.LBB2_4:
0x145: {  	p1 =	sne.s32 s2, $0x12C00;
	[sflag:s19] =	ssyncadd.s32 $0xFFFFEC00;
	s31 =	sadd.s32 $0x8, s31  }
0x146: {  	[tilespmem:s9], [sflag:$0x7] =	stream.indirect.gather [hbm4b:s5+s23], $0x40, s13, s23, $0xb8;
	[tilespmem:$0x1D8A0] =	vst v63  }
0x147: {  	s13 =	sshra.s32 s2, $0x2;
	s2 =	sadd.s32 $0xA00, s2;
	_ =	swait.ge [sflag:s10], $0x1400  }
0x148: {  	s6 =	sadd.s32 $0x4E20, s13;
	[sflag:s10] =	ssyncset.done $0x0  }
0x149: {  	[sflag:s10] =	ssyncadd.s32 $0xFFFFEC00  }
0x14a: {  	[spmem:s1] =	stream.indirect.scatter.add.f32 [tilespmem:s24], [sflag:$0x9], $0x40, s6, s23, $0xb8;
	[tilespmem:$0x1D8A0] =	vst v63  }
0x14b: {  	_ =	swait.ge [sflag:s19], $0x1400  }
0x14c: {  	s6 =	sadd.s32 $0x230, s13;
	[sflag:s19] =	ssyncset.done $0x0  }
0x14d: {  	[sflag:s19] =	ssyncadd.s32 $0xFFFFEC00  }
0x14e: {  	[tilespmem:s11], [sflag:$0x8] =	stream.indirect.gather [hbm4b:s5+s23], $0x40, s6, s23, $0xb8;
	[tilespmem:$0x1D8A0] =	vst v63  }
0x14f: {  	_ =	swait.ge [sflag:s14], $0x1400  }
0x150: {  	s6 =	sadd.s32 $0x4E70, s13;
	[sflag:s14] =	ssyncset.done $0x0  }
0x151: {  	[sflag:s14] =	ssyncadd.s32 $0xFFFFEC00  }
0x152: {  	[spmem:s1] =	stream.indirect.scatter.add.f32 [tilespmem:s25], [sflag:$0x9], $0x40, s6, s23, $0xb8;
	[tilespmem:$0x1D8A0] =	vst v63  }
0x153: {  	_ =	swait.ge [sflag:s19], $0x1400  }
0x154: {  	s6 =	sadd.s32 $0x280, s13;
	[sflag:s19] =	ssyncset.done $0x0  }
0x155: {  	[sflag:s19] =	ssyncadd.s32 $0xFFFFEC00  }
0x156: {  	[tilespmem:s24], [sflag:$0x1] =	stream.indirect.gather [hbm4b:s5+s23], $0x40, s6, s23, $0xb8;
	[tilespmem:$0x1D8A0] =	vst v63  }
0x157: {  	_ =	swait.ge [sflag:s15], $0x1400  }
0x158: {  	s6 =	sadd.s32 $0x4EC0, s13;
	[sflag:s15] =	ssyncset.done $0x0  }
0x159: {  	[sflag:s15] =	ssyncadd.s32 $0xFFFFEC00  }
0x15a: {  	[spmem:s1] =	stream.indirect.scatter.add.f32 [tilespmem:s28], [sflag:$0x9], $0x40, s6, s23, $0xb8;
	[tilespmem:$0x1D8A0] =	vst v63  }
0x15b: {  	_ =	swait.ge [sflag:s19], $0x1400  }
0x15c: {  	s6 =	sadd.s32 $0x2D0, s13;
	[sflag:s19] =	ssyncset.done $0x0  }
0x15d: {  	[sflag:s19] =	ssyncadd.s32 $0xFFFFEC00  }
0x15e: {  	[tilespmem:s25], [sflag:$0x2] =	stream.indirect.gather [hbm4b:s5+s23], $0x40, s6, s23, $0xb8;
	[tilespmem:$0x1D8A0] =	vst v63  }
0x15f: {  	_ =	swait.ge [sflag:s16], $0x1400  }
0x160: {  	s8 =	smin.u32 s31, $0xEF;
	s6 =	sadd.s32 $0x4F10, s13;
	[sflag:s16] =	ssyncset.done $0x0  }
0x161: {  	s8 =	smul.u32 $0x140, s8;
	[sflag:s16] =	ssyncadd.s32 $0xFFFFEC00  }
0x162: {  	[spmem:s1] =	stream.indirect.scatter.add.f32 [tilespmem:s30], [sflag:$0x9], $0x40, s6, s23, $0xb8;
	[tilespmem:$0x1D8A0] =	vst v63  }
0x163: {  	s6 =	sshrl.u32 s8, $0x2;
	_ =	swait.ge [sflag:s19], $0x1400  }
0x164: {  	s6 =	sadd.s32 $0x320, s6;
	[sflag:s19] =	ssyncset.done $0x0  }
0x165: {  	[sflag:s19] =	ssyncadd.s32 $0xFFFFEC00  }
0x166: {  	[tilespmem:s28], [sflag:$0x3] =	stream.indirect.gather [hbm4b:s5+s23], $0x40, s6, s23, $0xb8;
	[tilespmem:$0x1D8A0] =	vst v63  }
0x167: {  	_ =	swait.ge [sflag:s26], $0x1400  }
0x168: {  	s8 =	smin.u32 s31, $0xEE;
	s6 =	sadd.s32 $0x4F60, s13;
	[sflag:s26] =	ssyncset.done $0x0  }
0x169: {  	s8 =	smul.u32 $0x140, s8;
	[sflag:s26] =	ssyncadd.s32 $0xFFFFEC00  }
0x16a: {  	[spmem:s1] =	stream.indirect.scatter.add.f32 [tilespmem:s0], [sflag:$0x9], $0x40, s6, s23, $0xb8;
	[tilespmem:$0x1D8A0] =	vst v63  }
0x16b: {  	s6 =	sshrl.u32 s8, $0x2;
	_ =	swait.ge [sflag:s19], $0x1400  }
0x16c: {  	s6 =	sadd.s32 $0x370, s6;
	[sflag:s19] =	ssyncset.done $0x0  }
0x16d: {  	[sflag:s19] =	ssyncadd.s32 $0xFFFFEC00  }
0x16e: {  	[tilespmem:s30], [sflag:$0x4] =	stream.indirect.gather [hbm4b:s5+s23], $0x40, s6, s23, $0xb8;
	[tilespmem:$0x1D8A0] =	vst v63  }
0x16f: {  	_ =	swait.ge [sflag:s17], $0x1400  }
0x170: {  	s8 =	smin.u32 s31, $0xED;
	s6 =	sadd.s32 $0x4FB0, s13;
	[sflag:s17] =	ssyncset.done $0x0  }
0x171: {  	s8 =	smul.u32 $0x140, s8;
	[sflag:s17] =	ssyncadd.s32 $0xFFFFEC00  }
0x172: {  	[spmem:s1] =	stream.indirect.scatter.add.f32 [tilespmem:s20], [sflag:$0x9], $0x40, s6, s23, $0xb8;
	[tilespmem:$0x1D8A0] =	vst v63  }
0x173: {  	s6 =	sshrl.u32 s8, $0x2;
	_ =	swait.ge [sflag:s19], $0x1400  }
0x174: {  	s6 =	sadd.s32 $0x3C0, s6;
	[sflag:s19] =	ssyncset.done $0x0  }
0x175: {  	[sflag:s19] =	ssyncadd.s32 $0xFFFFEC00  }
0x176: {  	[tilespmem:s0], [sflag:$0x5] =	stream.indirect.gather [hbm4b:s5+s23], $0x40, s6, s23, $0xb8;
	[tilespmem:$0x1D8A0] =	vst v63  }
0x177: {  	_ =	swait.ge [sflag:s18], $0x1400  }
0x178: {  	s8 =	smin.u32 s31, $0xEC;
	s6 =	sadd.s32 $0x5000, s13;
	[sflag:s18] =	ssyncset.done $0x0  }
0x179: {  	s8 =	smul.u32 $0x140, s8;
	[sflag:s18] =	ssyncadd.s32 $0xFFFFEC00  }
0x17a: {  	[spmem:s1] =	stream.indirect.scatter.add.f32 [tilespmem:s9], [sflag:$0x9], $0x40, s6, s23, $0xb8;
	[tilespmem:$0x1D8A0] =	vst v63  }
0x17b: {  	s6 =	sshrl.u32 s8, $0x2;
	_ =	swait.ge [sflag:s19], $0x1400  }
0x17c: {  	s6 =	sadd.s32 $0x410, s6;
	[sflag:s19] =	ssyncset.done $0x0  }
0x17d: {  	[sflag:s19] =	ssyncadd.s32 $0xFFFFEC00  }
0x17e: {  	[tilespmem:s20], [sflag:$0x6] =	stream.indirect.gather [hbm4b:s5+s23], $0x40, s6, s23, $0xb8;
	[tilespmem:$0x1D8A0] =	vst v63  }
0x17f: {  	s6 =	smin.u32 s31, $0xEB;
	_ =	swait.ge [sflag:s29], $0x1400  }
.Ltmp1:
0x180: {  	s8 =	sadd.s32 $0x5050, s13;
	[sflag:s29] =	ssyncset.done $0x0;
	(pc) =	sbr.rel @p1 .LBB2_4-.Ltmp1, $4  }
0x181: {  	s6 =	smul.u32 $0x140, s6;
	[sflag:s29] =	ssyncadd.s32 $0xFFFFEC00  }
0x182: {  	[spmem:s1] =	stream.indirect.scatter.add.f32 [tilespmem:s11], [sflag:$0x9], $0x40, s8, s23, $0xb8;
	[tilespmem:$0x1D8A0] =	vst v63  }
0x183: {  	s6 =	sshrl.u32 s6, $0x2;
	_ =	swait.ge [sflag:s19], $0x1400  }
0x184: {  	s13 =	sadd.s32 $0x460, s6;
	[sflag:s19] =	ssyncset.done $0x0  }
0x185: {  	[sflag:s19] =	ssyncadd.s32 $0xFFFFEC00  }
0x186: {  	[tilespmem:s9], [sflag:$0x7] =	stream.indirect.gather [hbm4b:s5+s23], $0x40, s13, s23, $0xb8;
	[tilespmem:$0x1D8A0] =	vst v63  }
0x187: {  	_ =	swait.ge [sflag:s10], $0x1400  }
0x188: {  	[sflag:s10] =	ssyncset.done $0x0  }
0x189: {  	s2 =	simm.s32 $0x9BA0;
	[sflag:s10] =	ssyncadd.s32 $0xFFFFEC00  }
0x18a: {  	[spmem:s1] =	stream.indirect.scatter.add.f32 [tilespmem:s24], [sflag:$0x9], $0x40, s2, s23, $0xb8;
	[tilespmem:$0x1D8A0] =	vst v63  }
0x18b: {  	_ =	swait.ge [sflag:s19], $0x1400  }
0x18c: {  	[sflag:s19] =	ssyncset.done $0x0  }
0x18d: {  	s8 =	simm.s32 $0x4DD0;
	[sflag:s19] =	ssyncadd.s32 $0xFFFFEC00  }
0x18e: {  	[tilespmem:s11], [sflag:$0x8] =	stream.indirect.gather [hbm4b:s5+s23], $0x40, s8, s23, $0xb8;
	[tilespmem:$0x1D8A0] =	vst v63  }
0x18f: {  	_ =	swait.ge [sflag:s14], $0x1400  }
0x190: {  	[sflag:s14] =	ssyncset.done $0x0  }
0x191: {  	s6 =	simm.s32 $0x9BF0;
	[sflag:s14] =	ssyncadd.s32 $0xFFFFEC00  }
0x192: {  	[spmem:s1] =	stream.indirect.scatter.add.f32 [tilespmem:s25], [sflag:$0x9], $0x40, s6, s23, $0xb8;
	[tilespmem:$0x1D8A0] =	vst v63  }
0x193: {  	_ =	swait.ge [sflag:s19], $0x1400  }
0x194: {  	[sflag:s19] =	ssyncset.done $0x0  }
0x195: {  	[sflag:s19] =	ssyncadd.s32 $0xFFFFEC00  }
0x196: {  	[tilespmem:s24], [sflag:$0x1] =	stream.indirect.gather [hbm4b:s5+s23], $0x40, s8, s23, $0xb8;
	[tilespmem:$0x1D8A0] =	vst v63  }
0x197: {  	_ =	swait.ge [sflag:s15], $0x1400  }
0x198: {  	[sflag:s15] =	ssyncset.done $0x0  }
0x199: {  	[sflag:s15] =	ssyncadd.s32 $0xFFFFEC00  }
0x19a: {  	_ =	swait.ge [sflag:s16], $0x1400  }
0x19b: {  	[sflag:s16] =	ssyncset.done $0x0  }
0x19c: {  	[sflag:s16] =	ssyncadd.s32 $0xFFFFEC00  }
0x19d: {  	_ =	swait.ge [sflag:s26], $0x1400  }
0x19e: {  	[sflag:s26] =	ssyncset.done $0x0  }
0x19f: {  	[sflag:s26] =	ssyncadd.s32 $0xFFFFEC00  }
0x1a0: {  	_ =	swait.ge [sflag:s17], $0x1400  }
0x1a1: {  	[sflag:s17] =	ssyncset.done $0x0  }
0x1a2: {  	[sflag:s17] =	ssyncadd.s32 $0xFFFFEC00  }
0x1a3: {  	_ =	swait.ge [sflag:s18], $0x1400  }
0x1a4: {  	[sflag:s18] =	ssyncset.done $0x0  }
0x1a5: {  	[sflag:s18] =	ssyncadd.s32 $0xFFFFEC00  }
0x1a6: {  	_ =	swait.ge [sflag:s29], $0x1400  }
0x1a7: {  	[sflag:s29] =	ssyncset.done $0x0  }
0x1a8: {  	[sflag:s29] =	ssyncadd.s32 $0xFFFFEC00  }
0x1a9: {  	_ =	swait.ge [sflag:s10], $0x1400  }
0x1aa: {  	[sflag:s10] =	ssyncset.done $0x0  }
0x1ab: {  	[sflag:s10] =	ssyncadd.s32 $0xFFFFEC00  }
0x1ac: {  	[bflag:$0x0] =	sbarrier.arrive $0xFFFF  }
0x1ad: {  	s13 =	rddreg [dreg:$0xe]  }
0x1ae: {  	[hbm:s13], [sflag:s21] =	dma.local [spmem:s22], $0x1380  }
0x1af: {  	_ =	swait.ge [sflag:s19], $0x1380  }
0x1b0: {  	[sflag:s19] =	ssyncset.done $0x0  }
0x1b1: {  	s2 =	rddreg [dreg:$0xf];
	[sflag:s19] =	ssyncadd.s32 $0xFFFFEC80  }
0x1b2: {  	[hbm:s2], [sflag:s21] =	dma.local @!p0 [spmem:s12], $0x80  }
0x1b3: {  	s2 =	simm.s32 @!p0 $0x9  }
0x1b4: {  	_ =	swait.ge @!p0 [sflag:s2], $0x80  }
0x1b5: {  	s7 =	sadd.s32 $0x1, s7;
	s31 =	rddreg [dreg:$0x10]  }
0x1b6: {  	p1 =	sne.s32 s7, s31  }
.Ltmp2:
0x1b7: {  	_ = 	snop;
	(pc) =	sbr.rel @p1 .LBB2_1-.Ltmp2, $3  }
0x1b8: {  	_ =	sdelay $0x1  }
0x1b9: {  	[sflag:s2] =	ssyncset.done @!p0 $0x0  }
0x1ba: {  	[sflag:s2] =	ssyncadd.s32 @!p0 $0xFFFFFF80  }
0x1bb: {  	_ =	sfence.sel $0x180000  }
0x1bc: {  	[bflag:$0x0] =	sbarrier.arrive $0xFFFF  }
0x1bd: {  	_ =	strace $0x90000047  }
0x1be: {  	s0 =	stileid.u32;
	[bflag:$0x2] =	sbarrier.arrive $0xFFFF  }
0x1bf: {  	p0 =	sne.s32 s0, $0x0;
	s0 =	rddreg [dreg:$0x3]  }
0x1c0: {  	s0 =	sadd.s32 @!p0 $0x100000, s0  }
0x1c1: {  	[sflag:s0] =	ssyncadd.tile.s32 @!p0 $0x1;
	_ =	shalt  }
.Lfunc_end2:
_tile_overlayer_lowered:
.L_overlay_start_2:
0x1c2: {  	(tag) =	ssettag $0x2  }
0x1c3: {  	s0 =	rddreg [dreg:$0x0];
	s2 =	stileid.u32  }
0x1c4: {  	s1 =	rddreg [dreg:$0x1];
	p0 =	sne.s32 s2, $0x0  }
0x1c5: {  	s3 =	rddreg [dreg:$0x2];
	[bflag:$0x3] =	sbarrier.arrive $0xFFFF;
	s2 =	simm.s32 @!p0 $0x1C09  }
0x1c6: {  	[timem:s3], [sflag:s2] =	dma.local @!p0 [hbm:s0], s1  }
0x1c7: {  	s0 =	simm.s32 @!p0 $0x9  }
0x1c8: {  	_ =	swait.ge @!p0 [sflag:s0], s1  }
0x1c9: {  	s1 =	ssub.s32 @!p0 $0x0, s1;
	[sflag:s0] =	ssyncset.done @!p0 $0x0  }
0x1ca: {  	[sflag:s0] =	ssyncadd.s32 @!p0 s1  }
0x1cb: {  	[bflag:$0x3] =	sbarrier.arrive $0xFFFF  }
0x1cc: {  	_ =	shalt  }

</sc_bundles>
